<compile_context>
chip_gen: v7x
topology: tpu7x:2x2x1
jax: 0.10.2.dev20260603
libtpu: 0.0.44.dev20260713+nightly
codegen_flags: <defaults>
</compile_context>

<pallas_src>
import functools

import jax
import jax.numpy as jnp
import numpy as np
from jax import lax
from jax.experimental import pallas as pl
from jax.experimental.pallas import tpu as pltpu
from jax.experimental.pallas import tpu_sc as plsc

_ALPHA = 0.3
_BETA = 0.3
_B = 256

with jax.default_device(jax.local_devices(backend="cpu")[0]):
    _PERM = np.asarray(
        jax.random.permutation(jax.random.fold_in(jax.random.key(42), 1), _B)
    ).astype(np.int64)

_PMAT = np.zeros((_B, _B), dtype=np.float32)
_PMAT[np.arange(_B), _PERM] = 1.0

_NC = 2
_NW = 32
_Q = 3072
_QPW = _Q // _NW
_SL = 56
_LN = 224

_qb = np.arange(_Q) // 12
_qr = np.arange(_Q) % 12
_PQ = (_PERM[_qb] * 12 + _qr).astype(np.int32)
_IDXP = np.repeat(_PQ.reshape(_NW, _QPW, 1), 16, axis=2)


@functools.partial(
    pl.kernel,
    out_type=jax.ShapeDtypeStruct((_Q, _SL, _LN), jnp.float32),
    mesh=plsc.VectorSubcoreMesh(core_axis_name="c", subcore_axis_name="s"),
    compiler_params=pltpu.CompilerParams(use_tc_tiling_on_sc=True),
    scratch_types=[
        pltpu.VMEM((_QPW, 16), jnp.int32),
        pltpu.VMEM((16,), jnp.float32),
        pltpu.VMEM((2, _SL, _LN), jnp.float32),
        pltpu.VMEM((2, _SL, _LN), jnp.float32),
        pltpu.VMEM((2, _SL, _LN), jnp.float32),
        pltpu.SemaphoreType.DMA,
        pltpu.SemaphoreType.DMA,
        pltpu.SemaphoreType.DMA,
    ],
)
def _sc_mix(xq_hbm, idxp_hbm, lamb_hbm, out_hbm,
            idxp_v, lamb_v, dbuf, pbuf, obuf, semd, semp, semo):
    wid = lax.axis_index("s") * _NC + lax.axis_index("c")
    base = wid * _QPW
    pltpu.sync_copy(idxp_hbm.at[wid], idxp_v)
    pltpu.sync_copy(lamb_hbm, lamb_v)
    lam = lamb_v[...]
    om = 1.0 - lam

    def perm_row(j):
        return idxp_v[j, :][0]

    def start_gather(j, b):
        pltpu.async_copy(xq_hbm.at[base + j], dbuf.at[b], semd)
        pltpu.async_copy(xq_hbm.at[perm_row(j)], pbuf.at[b], semp)

    def wait_gather(b):
        pltpu.make_async_copy(xq_hbm.at[0], dbuf.at[b], semd).wait()
        pltpu.make_async_copy(xq_hbm.at[0], pbuf.at[b], semp).wait()

    def wait_scatter(b):
        pltpu.make_async_copy(obuf.at[b], out_hbm.at[0], semo).wait()

    def compute(b):
        def vloop(s, carry):
            for v in range(_LN // 16):
                off = v * 16
                obuf[b, s, pl.ds(off, 16)] = (
                    lam * dbuf[b, s, pl.ds(off, 16)]
                    + om * pbuf[b, s, pl.ds(off, 16)]
                )
            return carry

        lax.fori_loop(0, _SL, vloop, 0)

    def start_scatter(j, b):
        pltpu.async_copy(obuf.at[b], out_hbm.at[base + j], semo)

    start_gather(0, 0)
    start_gather(1, 1)
    for b in range(2):
        wait_gather(b)
        compute(b)
        start_scatter(b, b)
        start_gather(b + 2, b)

    def outer(kk, carry):
        for b in range(2):
            j = 2 * kk + b
            wait_gather(b)
            wait_scatter(b)
            compute(b)
            start_scatter(j, b)

            @pl.when(j + 2 < _QPW)
            def _():
                start_gather(j + 2, b)
        return carry

    lax.fori_loop(1, _QPW // 2, outer, 0)
    wait_scatter(0)
    wait_scatter(1)


def _y_body(m_ref, y_ref, oy_ref):
    oy_ref[...] = jnp.dot(m_ref[...], y_ref[...],
                          preferred_element_type=jnp.float32)


def kernel(x, y):
    kl = jax.random.fold_in(jax.random.key(42), 0)
    lamb = jax.random.beta(kl, _ALPHA, _BETA, dtype=jnp.float32)

    B, C, H, W = x.shape
    xq = x.reshape(_Q, _SL, _LN)
    L = y.shape[1]

    mixed_xq = _sc_mix(xq, jnp.asarray(_IDXP),
                       jnp.full((16,), lamb, jnp.float32))

    mmat = lamb * jnp.eye(B, dtype=jnp.float32) \
        + (1.0 - lamb) * jnp.asarray(_PMAT)
    mixed_y = pl.pallas_call(
        _y_body,
        out_shape=jax.ShapeDtypeStruct((B, L), jnp.float32),
    )(mmat, y)

    return (mixed_xq.reshape(B, C, H, W), mixed_y)

# --- scband reference (transcript-rebuilt; emitter-appended) ---
"""Pipeline reference for scband-mix-up-23175643529359 (READ-ONLY COPY).

The authoritative reference and input builder live on the scoring server;
editing this copy changes nothing except your own understanding.
"""

import jax, jax.numpy as jnp
import numpy as np

ALPHA = 0.3
BETA = 0.3

def setup_inputs(seed: int = 0) -> dict:
    key = jax.random.key(seed)
    k1, k2 = jax.random.split(key)
    x = jax.random.normal(k1, (256, 3, 224, 224), dtype=jnp.float32)
    y = jax.random.uniform(k2, (256, 1000), dtype=jnp.float32)
    return {"x": x, "y": y}

def reference(x, y):
    # MixUp.forward: lamb ~ Beta(alpha, beta); index = randperm(B)
    # Deterministic reproduction with fixed keys.
    kl = jax.random.fold_in(jax.random.key(42), 0)
    kp = jax.random.fold_in(jax.random.key(42), 1)
    lamb = jax.random.beta(kl, ALPHA, BETA, dtype=jnp.float32)
    B = x.shape[0]
    index = jax.random.permutation(kp, B)
    mixed_x = lamb * x + (1.0 - lamb) * jnp.take(x, index, axis=0)
    mixed_y = lamb * y + (1.0 - lamb) * jnp.take(y, index, axis=0)
    return (mixed_x, mixed_y)

if __name__ == "__main__":
    import jax
    _d = setup_inputs()
    print(jax.jit(kernel)(*tuple(_d.values())))

</pallas_src>

<mosaic_0001>
#map = affine_map<(d0, d1) -> (0, 0, 0)>
#map1 = affine_map<(d0, d1) -> (0)>
module attributes {stable_mosaic.version = 14 : i64} {
  func.func @_sc_mix(%arg0: i32, %arg1: i32, %arg2: memref<3072x56x224xf32, #tpu.memory_space<hbm>>, %arg3: memref<32x96x16xi32, #tpu.memory_space<hbm>>, %arg4: memref<16xf32, #tpu.memory_space<hbm>>, %arg5: memref<3072x56x224xf32, #tpu.memory_space<hbm>>, %arg6: memref<96x16xi32, #tpu.memory_space<vmem>>, %arg7: memref<16xf32, #tpu.memory_space<vmem>>, %arg8: memref<2x56x224xf32, #tpu.memory_space<vmem>>, %arg9: memref<2x56x224xf32, #tpu.memory_space<vmem>>, %arg10: memref<2x56x224xf32, #tpu.memory_space<vmem>>, %arg11: memref<!tpu.dma_semaphore, #tpu.memory_space<semaphore_mem>>, %arg12: memref<!tpu.dma_semaphore, #tpu.memory_space<semaphore_mem>>, %arg13: memref<!tpu.dma_semaphore, #tpu.memory_space<semaphore_mem>>) attributes {dimension_semantics = [#tpu.dimension_semantics<core_parallel>, #tpu.dimension_semantics<subcore_parallel>], iteration_bounds = array<i64: 2, 16>, scalar_prefetch = 0 : i64, scratch_operands = 8 : i64, tpu.core_type = #tpu.core_type<sc_vector_subcore>, window_params = [{transform_indices = #map}, {transform_indices = #map}, {transform_indices = #map1}, {transform_indices = #map}]} {
    %mul3A = arith.constant 2 : i32
    %mul3A_0 = arith.muli %arg1, %mul3A : i32
    %add3A = arith.addi %mul3A_0, %arg0 : i32
    %mul3A_1 = arith.constant 96 : i32
    %mul3A_2 = arith.muli %add3A, %mul3A_1 : i32
    "tpu.region"() ({
      %run_scoped3A = tpu.sem_alloc : memref<!tpu.dma_semaphore, #tpu.memory_space<semaphore_mem>>
      %dma_start3A_338 = arith.constant 0 : i32
      %dma_start3A_339 = arith.constant 0 : i32
      %dma_start3A_340 = tpu.memref_slice %arg3[%add3A, %dma_start3A_338, %dma_start3A_339] : memref<32x96x16xi32, #tpu.memory_space<hbm>> -> memref<1x96x16xi32, #tpu.memory_space<hbm>>
      %dma_start3A_341 = tpu.memref_squeeze %dma_start3A_340 : memref<1x96x16xi32, #tpu.memory_space<hbm>> -> memref<96x16xi32, #tpu.memory_space<hbm>>
      %dma_start3A_342 = arith.constant 0 : i32
      %dma_start3A_343 = arith.constant 0 : i32
      %dma_start3A_344 = tpu.memref_slice %arg3[%add3A, %dma_start3A_342, %dma_start3A_343] : memref<32x96x16xi32, #tpu.memory_space<hbm>> -> memref<1x96x16xi32, #tpu.memory_space<hbm>>
      %dma_start3A_345 = tpu.memref_squeeze %dma_start3A_344 : memref<1x96x16xi32, #tpu.memory_space<hbm>> -> memref<96x16xi32, #tpu.memory_space<hbm>>
      tpu.enqueue_dma source(%dma_start3A_345 : memref<96x16xi32, #tpu.memory_space<hbm>>) target(%arg6 : memref<96x16xi32, #tpu.memory_space<vmem>>) target_semaphore(%run_scoped3A : memref<!tpu.dma_semaphore, #tpu.memory_space<semaphore_mem>>)
      %dma_wait3A_346 = arith.constant 0 : i32
      %dma_wait3A_347 = arith.constant 0 : i32
      %dma_wait3A_348 = tpu.memref_slice %arg3[%add3A, %dma_wait3A_346, %dma_wait3A_347] : memref<32x96x16xi32, #tpu.memory_space<hbm>> -> memref<1x96x16xi32, #tpu.memory_space<hbm>>
      %dma_wait3A_349 = tpu.memref_squeeze %dma_wait3A_348 : memref<1x96x16xi32, #tpu.memory_space<hbm>> -> memref<96x16xi32, #tpu.memory_space<hbm>>
      %dma_wait3A_350 = arith.constant 0 : i32
      %dma_wait3A_351 = arith.constant 0 : i32
      %dma_wait3A_352 = tpu.memref_slice %arg3[%add3A, %dma_wait3A_350, %dma_wait3A_351] : memref<32x96x16xi32, #tpu.memory_space<hbm>> -> memref<1x96x16xi32, #tpu.memory_space<hbm>>
      %dma_wait3A_353 = tpu.memref_squeeze %dma_wait3A_352 : memref<1x96x16xi32, #tpu.memory_space<hbm>> -> memref<96x16xi32, #tpu.memory_space<hbm>>
      tpu.wait_dma2 semaphore(%run_scoped3A : memref<!tpu.dma_semaphore, #tpu.memory_space<semaphore_mem>>) src(%dma_wait3A_353 : memref<96x16xi32, #tpu.memory_space<hbm>>) dst(%arg6 : memref<96x16xi32, #tpu.memory_space<vmem>>)
      tpu.yield
    }) : () -> ()
    "tpu.region"() ({
      %run_scoped3A = tpu.sem_alloc : memref<!tpu.dma_semaphore, #tpu.memory_space<semaphore_mem>>
      tpu.enqueue_dma source(%arg4 : memref<16xf32, #tpu.memory_space<hbm>>) target(%arg7 : memref<16xf32, #tpu.memory_space<vmem>>) target_semaphore(%run_scoped3A : memref<!tpu.dma_semaphore, #tpu.memory_space<semaphore_mem>>)
      tpu.wait_dma2 semaphore(%run_scoped3A : memref<!tpu.dma_semaphore, #tpu.memory_space<semaphore_mem>>) src(%arg4 : memref<16xf32, #tpu.memory_space<hbm>>) dst(%arg7 : memref<16xf32, #tpu.memory_space<vmem>>)
      tpu.yield
    }) : () -> ()
    %get3A = arith.constant 0 : index
    %get3A_3 = tpu.vector_load %arg7[%get3A] {strides = array<i32>} : memref<16xf32, #tpu.memory_space<vmem>>, vector<16xf32>,
    %get3A_4 = vector.shape_cast %get3A_3 : vector<16xf32> to vector<16xf32>
    %sub3A = arith.constant 1.000000e+00 : f32
    %sub3A_5 = vector.broadcast %sub3A : f32 to vector<16xf32>
    %sub3A_6 = arith.subf %sub3A_5, %get3A_4 : vector<16xf32>
    %add3A_7 = arith.constant 0 : i32
    %add3A_8 = arith.addi %mul3A_2, %add3A_7 : i32
    %dma_start3A = arith.constant 0 : i32
    %dma_start3A_9 = arith.constant 0 : i32
    %dma_start3A_10 = arith.constant 0 : i32
    %dma_start3A_11 = tpu.memref_slice %arg8[%dma_start3A, %dma_start3A_9, %dma_start3A_10] : memref<2x56x224xf32, #tpu.memory_space<vmem>> -> memref<1x56x224xf32, #tpu.memory_space<vmem>>
    %dma_start3A_12 = tpu.memref_squeeze %dma_start3A_11 : memref<1x56x224xf32, #tpu.memory_space<vmem>> -> memref<56x224xf32, #tpu.memory_space<vmem>>
    %dma_start3A_13 = arith.constant 0 : i32
    %dma_start3A_14 = arith.constant 0 : i32
    %dma_start3A_15 = tpu.memref_slice %arg2[%add3A_8, %dma_start3A_13, %dma_start3A_14] : memref<3072x56x224xf32, #tpu.memory_space<hbm>> -> memref<1x56x224xf32, #tpu.memory_space<hbm>>
    %dma_start3A_16 = tpu.memref_squeeze %dma_start3A_15 : memref<1x56x224xf32, #tpu.memory_space<hbm>> -> memref<56x224xf32, #tpu.memory_space<hbm>>
    %dma_start3A_17 = arith.constant 0 : i32
    %dma_start3A_18 = arith.constant 0 : i32
    %dma_start3A_19 = tpu.memref_slice %arg8[%dma_start3A, %dma_start3A_17, %dma_start3A_18] : memref<2x56x224xf32, #tpu.memory_space<vmem>> -> memref<1x56x224xf32, #tpu.memory_space<vmem>>
    %dma_start3A_20 = tpu.memref_squeeze %dma_start3A_19 : memref<1x56x224xf32, #tpu.memory_space<vmem>> -> memref<56x224xf32, #tpu.memory_space<vmem>>
    %dma_start3A_21 = arith.constant 0 : i32
    %dma_start3A_22 = arith.constant 0 : i32
    %dma_start3A_23 = tpu.memref_slice %arg2[%add3A_8, %dma_start3A_21, %dma_start3A_22] : memref<3072x56x224xf32, #tpu.memory_space<hbm>> -> memref<1x56x224xf32, #tpu.memory_space<hbm>>
    %dma_start3A_24 = tpu.memref_squeeze %dma_start3A_23 : memref<1x56x224xf32, #tpu.memory_space<hbm>> -> memref<56x224xf32, #tpu.memory_space<hbm>>
    tpu.enqueue_dma source(%dma_start3A_24 : memref<56x224xf32, #tpu.memory_space<hbm>>) target(%dma_start3A_20 : memref<56x224xf32, #tpu.memory_space<vmem>>) target_semaphore(%arg11 : memref<!tpu.dma_semaphore, #tpu.memory_space<semaphore_mem>>)
    %get3A_25 = arith.constant 0 : i32
    %get3A_26 = arith.index_cast %get3A_25 : i32 to index
    %get3A_27 = arith.constant 0 : index
    %get3A_28 = tpu.vector_load %arg6[%get3A_26, %get3A_27] {strides = array<i32>} : memref<96x16xi32, #tpu.memory_space<vmem>>, vector<1x16xi32>,
    %get3A_29 = vector.shape_cast %get3A_28 : vector<1x16xi32> to vector<16xi32>
    %slice3A = vector.extract_strided_slice %get3A_29 {offsets = [0], sizes = [1], strides = [1]} : vector<16xi32> to vector<1xi32>
    %squeeze3A = vector.extract %slice3A[0] : i32 from vector<1xi32>
    %dma_start3A_30 = arith.constant 0 : i32
    %dma_start3A_31 = arith.constant 0 : i32
    %dma_start3A_32 = arith.constant 0 : i32
    %dma_start3A_33 = tpu.memref_slice %arg9[%dma_start3A_30, %dma_start3A_31, %dma_start3A_32] : memref<2x56x224xf32, #tpu.memory_space<vmem>> -> memref<1x56x224xf32, #tpu.memory_space<vmem>>
    %dma_start3A_34 = tpu.memref_squeeze %dma_start3A_33 : memref<1x56x224xf32, #tpu.memory_space<vmem>> -> memref<56x224xf32, #tpu.memory_space<vmem>>
    %dma_start3A_35 = arith.constant 0 : i32
    %dma_start3A_36 = arith.constant 0 : i32
    %dma_start3A_37 = tpu.memref_slice %arg2[%squeeze3A, %dma_start3A_35, %dma_start3A_36] : memref<3072x56x224xf32, #tpu.memory_space<hbm>> -> memref<1x56x224xf32, #tpu.memory_space<hbm>>
    %dma_start3A_38 = tpu.memref_squeeze %dma_start3A_37 : memref<1x56x224xf32, #tpu.memory_space<hbm>> -> memref<56x224xf32, #tpu.memory_space<hbm>>
    %dma_start3A_39 = arith.constant 0 : i32
    %dma_start3A_40 = arith.constant 0 : i32
    %dma_start3A_41 = tpu.memref_slice %arg9[%dma_start3A_30, %dma_start3A_39, %dma_start3A_40] : memref<2x56x224xf32, #tpu.memory_space<vmem>> -> memref<1x56x224xf32, #tpu.memory_space<vmem>>
    %dma_start3A_42 = tpu.memref_squeeze %dma_start3A_41 : memref<1x56x224xf32, #tpu.memory_space<vmem>> -> memref<56x224xf32, #tpu.memory_space<vmem>>
    %dma_start3A_43 = arith.constant 0 : i32
    %dma_start3A_44 = arith.constant 0 : i32
    %dma_start3A_45 = tpu.memref_slice %arg2[%squeeze3A, %dma_start3A_43, %dma_start3A_44] : memref<3072x56x224xf32, #tpu.memory_space<hbm>> -> memref<1x56x224xf32, #tpu.memory_space<hbm>>
    %dma_start3A_46 = tpu.memref_squeeze %dma_start3A_45 : memref<1x56x224xf32, #tpu.memory_space<hbm>> -> memref<56x224xf32, #tpu.memory_space<hbm>>
    tpu.enqueue_dma source(%dma_start3A_46 : memref<56x224xf32, #tpu.memory_space<hbm>>) target(%dma_start3A_42 : memref<56x224xf32, #tpu.memory_space<vmem>>) target_semaphore(%arg12 : memref<!tpu.dma_semaphore, #tpu.memory_space<semaphore_mem>>)
    %add3A_47 = arith.constant 1 : i32
    %add3A_48 = arith.addi %mul3A_2, %add3A_47 : i32
    %dma_start3A_49 = arith.constant 1 : i32
    %dma_start3A_50 = arith.constant 0 : i32
    %dma_start3A_51 = arith.constant 0 : i32
    %dma_start3A_52 = tpu.memref_slice %arg8[%dma_start3A_49, %dma_start3A_50, %dma_start3A_51] : memref<2x56x224xf32, #tpu.memory_space<vmem>> -> memref<1x56x224xf32, #tpu.memory_space<vmem>>
    %dma_start3A_53 = tpu.memref_squeeze %dma_start3A_52 : memref<1x56x224xf32, #tpu.memory_space<vmem>> -> memref<56x224xf32, #tpu.memory_space<vmem>>
    %dma_start3A_54 = arith.constant 0 : i32
    %dma_start3A_55 = arith.constant 0 : i32
    %dma_start3A_56 = tpu.memref_slice %arg2[%add3A_48, %dma_start3A_54, %dma_start3A_55] : memref<3072x56x224xf32, #tpu.memory_space<hbm>> -> memref<1x56x224xf32, #tpu.memory_space<hbm>>
    %dma_start3A_57 = tpu.memref_squeeze %dma_start3A_56 : memref<1x56x224xf32, #tpu.memory_space<hbm>> -> memref<56x224xf32, #tpu.memory_space<hbm>>
    %dma_start3A_58 = arith.constant 0 : i32
    %dma_start3A_59 = arith.constant 0 : i32
    %dma_start3A_60 = tpu.memref_slice %arg8[%dma_start3A_49, %dma_start3A_58, %dma_start3A_59] : memref<2x56x224xf32, #tpu.memory_space<vmem>> -> memref<1x56x224xf32, #tpu.memory_space<vmem>>
    %dma_start3A_61 = tpu.memref_squeeze %dma_start3A_60 : memref<1x56x224xf32, #tpu.memory_space<vmem>> -> memref<56x224xf32, #tpu.memory_space<vmem>>
    %dma_start3A_62 = arith.constant 0 : i32
    %dma_start3A_63 = arith.constant 0 : i32
    %dma_start3A_64 = tpu.memref_slice %arg2[%add3A_48, %dma_start3A_62, %dma_start3A_63] : memref<3072x56x224xf32, #tpu.memory_space<hbm>> -> memref<1x56x224xf32, #tpu.memory_space<hbm>>
    %dma_start3A_65 = tpu.memref_squeeze %dma_start3A_64 : memref<1x56x224xf32, #tpu.memory_space<hbm>> -> memref<56x224xf32, #tpu.memory_space<hbm>>
    tpu.enqueue_dma source(%dma_start3A_65 : memref<56x224xf32, #tpu.memory_space<hbm>>) target(%dma_start3A_61 : memref<56x224xf32, #tpu.memory_space<vmem>>) target_semaphore(%arg11 : memref<!tpu.dma_semaphore, #tpu.memory_space<semaphore_mem>>)
    %get3A_66 = arith.constant 1 : i32
    %get3A_67 = arith.index_cast %get3A_66 : i32 to index
    %get3A_68 = arith.constant 0 : index
    %get3A_69 = tpu.vector_load %arg6[%get3A_67, %get3A_68] {strides = array<i32>} : memref<96x16xi32, #tpu.memory_space<vmem>>, vector<1x16xi32>,
    %get3A_70 = vector.shape_cast %get3A_69 : vector<1x16xi32> to vector<16xi32>
    %slice3A_71 = vector.extract_strided_slice %get3A_70 {offsets = [0], sizes = [1], strides = [1]} : vector<16xi32> to vector<1xi32>
    %squeeze3A_72 = vector.extract %slice3A_71[0] : i32 from vector<1xi32>
    %dma_start3A_73 = arith.constant 1 : i32
    %dma_start3A_74 = arith.constant 0 : i32
    %dma_start3A_75 = arith.constant 0 : i32
    %dma_start3A_76 = tpu.memref_slice %arg9[%dma_start3A_73, %dma_start3A_74, %dma_start3A_75] : memref<2x56x224xf32, #tpu.memory_space<vmem>> -> memref<1x56x224xf32, #tpu.memory_space<vmem>>
    %dma_start3A_77 = tpu.memref_squeeze %dma_start3A_76 : memref<1x56x224xf32, #tpu.memory_space<vmem>> -> memref<56x224xf32, #tpu.memory_space<vmem>>
    %dma_start3A_78 = arith.constant 0 : i32
    %dma_start3A_79 = arith.constant 0 : i32
    %dma_start3A_80 = tpu.memref_slice %arg2[%squeeze3A_72, %dma_start3A_78, %dma_start3A_79] : memref<3072x56x224xf32, #tpu.memory_space<hbm>> -> memref<1x56x224xf32, #tpu.memory_space<hbm>>
    %dma_start3A_81 = tpu.memref_squeeze %dma_start3A_80 : memref<1x56x224xf32, #tpu.memory_space<hbm>> -> memref<56x224xf32, #tpu.memory_space<hbm>>
    %dma_start3A_82 = arith.constant 0 : i32
    %dma_start3A_83 = arith.constant 0 : i32
    %dma_start3A_84 = tpu.memref_slice %arg9[%dma_start3A_73, %dma_start3A_82, %dma_start3A_83] : memref<2x56x224xf32, #tpu.memory_space<vmem>> -> memref<1x56x224xf32, #tpu.memory_space<vmem>>
    %dma_start3A_85 = tpu.memref_squeeze %dma_start3A_84 : memref<1x56x224xf32, #tpu.memory_space<vmem>> -> memref<56x224xf32, #tpu.memory_space<vmem>>
    %dma_start3A_86 = arith.constant 0 : i32
    %dma_start3A_87 = arith.constant 0 : i32
    %dma_start3A_88 = tpu.memref_slice %arg2[%squeeze3A_72, %dma_start3A_86, %dma_start3A_87] : memref<3072x56x224xf32, #tpu.memory_space<hbm>> -> memref<1x56x224xf32, #tpu.memory_space<hbm>>
    %dma_start3A_89 = tpu.memref_squeeze %dma_start3A_88 : memref<1x56x224xf32, #tpu.memory_space<hbm>> -> memref<56x224xf32, #tpu.memory_space<hbm>>
    tpu.enqueue_dma source(%dma_start3A_89 : memref<56x224xf32, #tpu.memory_space<hbm>>) target(%dma_start3A_85 : memref<56x224xf32, #tpu.memory_space<vmem>>) target_semaphore(%arg12 : memref<!tpu.dma_semaphore, #tpu.memory_space<semaphore_mem>>)
    %dma_wait3A = arith.constant 0 : i32
    %dma_wait3A_90 = arith.constant 0 : i32
    %dma_wait3A_91 = arith.constant 0 : i32
    %dma_wait3A_92 = arith.constant 0 : i32
    %dma_wait3A_93 = tpu.memref_slice %arg8[%dma_wait3A_90, %dma_wait3A_91, %dma_wait3A_92] : memref<2x56x224xf32, #tpu.memory_space<vmem>> -> memref<1x56x224xf32, #tpu.memory_space<vmem>>
    %dma_wait3A_94 = tpu.memref_squeeze %dma_wait3A_93 : memref<1x56x224xf32, #tpu.memory_space<vmem>> -> memref<56x224xf32, #tpu.memory_space<vmem>>
    %dma_wait3A_95 = arith.constant 0 : i32
    %dma_wait3A_96 = arith.constant 0 : i32
    %dma_wait3A_97 = tpu.memref_slice %arg2[%dma_wait3A, %dma_wait3A_95, %dma_wait3A_96] : memref<3072x56x224xf32, #tpu.memory_space<hbm>> -> memref<1x56x224xf32, #tpu.memory_space<hbm>>
    %dma_wait3A_98 = tpu.memref_squeeze %dma_wait3A_97 : memref<1x56x224xf32, #tpu.memory_space<hbm>> -> memref<56x224xf32, #tpu.memory_space<hbm>>
    %dma_wait3A_99 = arith.constant 0 : i32
    %dma_wait3A_100 = arith.constant 0 : i32
    %dma_wait3A_101 = tpu.memref_slice %arg8[%dma_wait3A_90, %dma_wait3A_99, %dma_wait3A_100] : memref<2x56x224xf32, #tpu.memory_space<vmem>> -> memref<1x56x224xf32, #tpu.memory_space<vmem>>
    %dma_wait3A_102 = tpu.memref_squeeze %dma_wait3A_101 : memref<1x56x224xf32, #tpu.memory_space<vmem>> -> memref<56x224xf32, #tpu.memory_space<vmem>>
    %dma_wait3A_103 = arith.constant 0 : i32
    %dma_wait3A_104 = arith.constant 0 : i32
    %dma_wait3A_105 = tpu.memref_slice %arg2[%dma_wait3A, %dma_wait3A_103, %dma_wait3A_104] : memref<3072x56x224xf32, #tpu.memory_space<hbm>> -> memref<1x56x224xf32, #tpu.memory_space<hbm>>
    %dma_wait3A_106 = tpu.memref_squeeze %dma_wait3A_105 : memref<1x56x224xf32, #tpu.memory_space<hbm>> -> memref<56x224xf32, #tpu.memory_space<hbm>>
    tpu.wait_dma2 semaphore(%arg11 : memref<!tpu.dma_semaphore, #tpu.memory_space<semaphore_mem>>) src(%dma_wait3A_106 : memref<56x224xf32, #tpu.memory_space<hbm>>) dst(%dma_wait3A_102 : memref<56x224xf32, #tpu.memory_space<vmem>>)
    %dma_wait3A_107 = arith.constant 0 : i32
    %dma_wait3A_108 = arith.constant 0 : i32
    %dma_wait3A_109 = arith.constant 0 : i32
    %dma_wait3A_110 = arith.constant 0 : i32
    %dma_wait3A_111 = tpu.memref_slice %arg9[%dma_wait3A_108, %dma_wait3A_109, %dma_wait3A_110] : memref<2x56x224xf32, #tpu.memory_space<vmem>> -> memref<1x56x224xf32, #tpu.memory_space<vmem>>
    %dma_wait3A_112 = tpu.memref_squeeze %dma_wait3A_111 : memref<1x56x224xf32, #tpu.memory_space<vmem>> -> memref<56x224xf32, #tpu.memory_space<vmem>>
    %dma_wait3A_113 = arith.constant 0 : i32
    %dma_wait3A_114 = arith.constant 0 : i32
    %dma_wait3A_115 = tpu.memref_slice %arg2[%dma_wait3A_107, %dma_wait3A_113, %dma_wait3A_114] : memref<3072x56x224xf32, #tpu.memory_space<hbm>> -> memref<1x56x224xf32, #tpu.memory_space<hbm>>
    %dma_wait3A_116 = tpu.memref_squeeze %dma_wait3A_115 : memref<1x56x224xf32, #tpu.memory_space<hbm>> -> memref<56x224xf32, #tpu.memory_space<hbm>>
    %dma_wait3A_117 = arith.constant 0 : i32
    %dma_wait3A_118 = arith.constant 0 : i32
    %dma_wait3A_119 = tpu.memref_slice %arg9[%dma_wait3A_108, %dma_wait3A_117, %dma_wait3A_118] : memref<2x56x224xf32, #tpu.memory_space<vmem>> -> memref<1x56x224xf32, #tpu.memory_space<vmem>>
    %dma_wait3A_120 = tpu.memref_squeeze %dma_wait3A_119 : memref<1x56x224xf32, #tpu.memory_space<vmem>> -> memref<56x224xf32, #tpu.memory_space<vmem>>
    %dma_wait3A_121 = arith.constant 0 : i32
    %dma_wait3A_122 = arith.constant 0 : i32
    %dma_wait3A_123 = tpu.memref_slice %arg2[%dma_wait3A_107, %dma_wait3A_121, %dma_wait3A_122] : memref<3072x56x224xf32, #tpu.memory_space<hbm>> -> memref<1x56x224xf32, #tpu.memory_space<hbm>>
    %dma_wait3A_124 = tpu.memref_squeeze %dma_wait3A_123 : memref<1x56x224xf32, #tpu.memory_space<hbm>> -> memref<56x224xf32, #tpu.memory_space<hbm>>
    tpu.wait_dma2 semaphore(%arg12 : memref<!tpu.dma_semaphore, #tpu.memory_space<semaphore_mem>>) src(%dma_wait3A_124 : memref<56x224xf32, #tpu.memory_space<hbm>>) dst(%dma_wait3A_120 : memref<56x224xf32, #tpu.memory_space<vmem>>)
    %scan3A = arith.constant 0 : i32
    %scan3A_125 = arith.constant 0 : i32
    %scan3A_126 = arith.constant 56 : i32
    %scan3A_127 = arith.addi %scan3A_125, %scan3A_126 : i32
    %scan3A_128 = arith.constant 1 : i32
    scf.for %scan3A_338 = %scan3A_125 to %scan3A_127 step %scan3A_128  : i32 {
      %get3A_339 = arith.constant 0 : i32
      %get3A_340 = arith.index_cast %get3A_339 : i32 to index
      %get3A_341 = arith.index_cast %scan3A_338 : i32 to index
      %get3A_342 = arith.constant 0 : index
      %get3A_343 = tpu.vector_load %arg8[%get3A_340, %get3A_341, %get3A_342] {strides = array<i32>} : memref<2x56x224xf32, #tpu.memory_space<vmem>>, vector<1x1x16xf32>,
      %get3A_344 = vector.shape_cast %get3A_343 : vector<1x1x16xf32> to vector<16xf32>
      %mul3A_345 = arith.mulf %get3A_4, %get3A_344 : vector<16xf32>
      %get3A_346 = arith.constant 0 : i32
      %get3A_347 = arith.index_cast %get3A_346 : i32 to index
      %get3A_348 = arith.index_cast %scan3A_338 : i32 to index
      %get3A_349 = arith.constant 0 : index
      %get3A_350 = tpu.vector_load %arg9[%get3A_347, %get3A_348, %get3A_349] {strides = array<i32>} : memref<2x56x224xf32, #tpu.memory_space<vmem>>, vector<1x1x16xf32>,
      %get3A_351 = vector.shape_cast %get3A_350 : vector<1x1x16xf32> to vector<16xf32>
      %mul3A_352 = arith.mulf %sub3A_6, %get3A_351 : vector<16xf32>
      %add3A_353 = arith.addf %mul3A_345, %mul3A_352 : vector<16xf32>
      %swap3A = arith.constant 0 : i32
      %swap3A_354 = arith.index_cast %swap3A : i32 to index
      %swap3A_355 = arith.index_cast %scan3A_338 : i32 to index
      %swap3A_356 = arith.constant 0 : index
      %swap3A_357 = tpu.vector_load %arg10[%swap3A_354, %swap3A_355, %swap3A_356] {strides = array<i32>} : memref<2x56x224xf32, #tpu.memory_space<vmem>>, vector<1x1x16xf32>,
      %swap3A_358 = vector.shape_cast %swap3A_357 : vector<1x1x16xf32> to vector<16xf32>
      %swap3A_359 = vector.shape_cast %add3A_353 : vector<16xf32> to vector<1x1x16xf32>
      tpu.vector_store %arg10[%swap3A_354, %swap3A_355, %swap3A_356], %swap3A_359 {strides = array<i32>} : memref<2x56x224xf32, #tpu.memory_space<vmem>>, vector<1x1x16xf32>,
      %get3A_360 = arith.constant 0 : i32
      %get3A_361 = arith.index_cast %get3A_360 : i32 to index
      %get3A_362 = arith.index_cast %scan3A_338 : i32 to index
      %get3A_363 = arith.constant 16 : index
      %get3A_364 = tpu.vector_load %arg8[%get3A_361, %get3A_362, %get3A_363] {strides = array<i32>} : memref<2x56x224xf32, #tpu.memory_space<vmem>>, vector<1x1x16xf32>,
      %get3A_365 = vector.shape_cast %get3A_364 : vector<1x1x16xf32> to vector<16xf32>
      %mul3A_366 = arith.mulf %get3A_4, %get3A_365 : vector<16xf32>
      %get3A_367 = arith.constant 0 : i32
      %get3A_368 = arith.index_cast %get3A_367 : i32 to index
      %get3A_369 = arith.index_cast %scan3A_338 : i32 to index
      %get3A_370 = arith.constant 16 : index
      %get3A_371 = tpu.vector_load %arg9[%get3A_368, %get3A_369, %get3A_370] {strides = array<i32>} : memref<2x56x224xf32, #tpu.memory_space<vmem>>, vector<1x1x16xf32>,
      %get3A_372 = vector.shape_cast %get3A_371 : vector<1x1x16xf32> to vector<16xf32>
      %mul3A_373 = arith.mulf %sub3A_6, %get3A_372 : vector<16xf32>
      %add3A_374 = arith.addf %mul3A_366, %mul3A_373 : vector<16xf32>
      %swap3A_375 = arith.constant 0 : i32
      %swap3A_376 = arith.index_cast %swap3A_375 : i32 to index
      %swap3A_377 = arith.index_cast %scan3A_338 : i32 to index
      %swap3A_378 = arith.constant 16 : index
      %swap3A_379 = tpu.vector_load %arg10[%swap3A_376, %swap3A_377, %swap3A_378] {strides = array<i32>} : memref<2x56x224xf32, #tpu.memory_space<vmem>>, vector<1x1x16xf32>,
      %swap3A_380 = vector.shape_cast %swap3A_379 : vector<1x1x16xf32> to vector<16xf32>
      %swap3A_381 = vector.shape_cast %add3A_374 : vector<16xf32> to vector<1x1x16xf32>
      tpu.vector_store %arg10[%swap3A_376, %swap3A_377, %swap3A_378], %swap3A_381 {strides = array<i32>} : memref<2x56x224xf32, #tpu.memory_space<vmem>>, vector<1x1x16xf32>,
      %get3A_382 = arith.constant 0 : i32
      %get3A_383 = arith.index_cast %get3A_382 : i32 to index
      %get3A_384 = arith.index_cast %scan3A_338 : i32 to index
      %get3A_385 = arith.constant 32 : index
      %get3A_386 = tpu.vector_load %arg8[%get3A_383, %get3A_384, %get3A_385] {strides = array<i32>} : memref<2x56x224xf32, #tpu.memory_space<vmem>>, vector<1x1x16xf32>,
      %get3A_387 = vector.shape_cast %get3A_386 : vector<1x1x16xf32> to vector<16xf32>
      %mul3A_388 = arith.mulf %get3A_4, %get3A_387 : vector<16xf32>
      %get3A_389 = arith.constant 0 : i32
      %get3A_390 = arith.index_cast %get3A_389 : i32 to index
      %get3A_391 = arith.index_cast %scan3A_338 : i32 to index
      %get3A_392 = arith.constant 32 : index
      %get3A_393 = tpu.vector_load %arg9[%get3A_390, %get3A_391, %get3A_392] {strides = array<i32>} : memref<2x56x224xf32, #tpu.memory_space<vmem>>, vector<1x1x16xf32>,
      %get3A_394 = vector.shape_cast %get3A_393 : vector<1x1x16xf32> to vector<16xf32>
      %mul3A_395 = arith.mulf %sub3A_6, %get3A_394 : vector<16xf32>
      %add3A_396 = arith.addf %mul3A_388, %mul3A_395 : vector<16xf32>
      %swap3A_397 = arith.constant 0 : i32
      %swap3A_398 = arith.index_cast %swap3A_397 : i32 to index
      %swap3A_399 = arith.index_cast %scan3A_338 : i32 to index
      %swap3A_400 = arith.constant 32 : index
      %swap3A_401 = tpu.vector_load %arg10[%swap3A_398, %swap3A_399, %swap3A_400] {strides = array<i32>} : memref<2x56x224xf32, #tpu.memory_space<vmem>>, vector<1x1x16xf32>,
      %swap3A_402 = vector.shape_cast %swap3A_401 : vector<1x1x16xf32> to vector<16xf32>
      %swap3A_403 = vector.shape_cast %add3A_396 : vector<16xf32> to vector<1x1x16xf32>
      tpu.vector_store %arg10[%swap3A_398, %swap3A_399, %swap3A_400], %swap3A_403 {strides = array<i32>} : memref<2x56x224xf32, #tpu.memory_space<vmem>>, vector<1x1x16xf32>,
      %get3A_404 = arith.constant 0 : i32
      %get3A_405 = arith.index_cast %get3A_404 : i32 to index
      %get3A_406 = arith.index_cast %scan3A_338 : i32 to index
      %get3A_407 = arith.constant 48 : index
      %get3A_408 = tpu.vector_load %arg8[%get3A_405, %get3A_406, %get3A_407] {strides = array<i32>} : memref<2x56x224xf32, #tpu.memory_space<vmem>>, vector<1x1x16xf32>,
      %get3A_409 = vector.shape_cast %get3A_408 : vector<1x1x16xf32> to vector<16xf32>
      %mul3A_410 = arith.mulf %get3A_4, %get3A_409 : vector<16xf32>
      %get3A_411 = arith.constant 0 : i32
      %get3A_412 = arith.index_cast %get3A_411 : i32 to index
      %get3A_413 = arith.index_cast %scan3A_338 : i32 to index
      %get3A_414 = arith.constant 48 : index
      %get3A_415 = tpu.vector_load %arg9[%get3A_412, %get3A_413, %get3A_414] {strides = array<i32>} : memref<2x56x224xf32, #tpu.memory_space<vmem>>, vector<1x1x16xf32>,
      %get3A_416 = vector.shape_cast %get3A_415 : vector<1x1x16xf32> to vector<16xf32>
      %mul3A_417 = arith.mulf %sub3A_6, %get3A_416 : vector<16xf32>
      %add3A_418 = arith.addf %mul3A_410, %mul3A_417 : vector<16xf32>
      %swap3A_419 = arith.constant 0 : i32
      %swap3A_420 = arith.index_cast %swap3A_419 : i32 to index
      %swap3A_421 = arith.index_cast %scan3A_338 : i32 to index
      %swap3A_422 = arith.constant 48 : index
      %swap3A_423 = tpu.vector_load %arg10[%swap3A_420, %swap3A_421, %swap3A_422] {strides = array<i32>} : memref<2x56x224xf32, #tpu.memory_space<vmem>>, vector<1x1x16xf32>,
      %swap3A_424 = vector.shape_cast %swap3A_423 : vector<1x1x16xf32> to vector<16xf32>
      %swap3A_425 = vector.shape_cast %add3A_418 : vector<16xf32> to vector<1x1x16xf32>
      tpu.vector_store %arg10[%swap3A_420, %swap3A_421, %swap3A_422], %swap3A_425 {strides = array<i32>} : memref<2x56x224xf32, #tpu.memory_space<vmem>>, vector<1x1x16xf32>,
      %get3A_426 = arith.constant 0 : i32
      %get3A_427 = arith.index_cast %get3A_426 : i32 to index
      %get3A_428 = arith.index_cast %scan3A_338 : i32 to index
      %get3A_429 = arith.constant 64 : index
      %get3A_430 = tpu.vector_load %arg8[%get3A_427, %get3A_428, %get3A_429] {strides = array<i32>} : memref<2x56x224xf32, #tpu.memory_space<vmem>>, vector<1x1x16xf32>,
      %get3A_431 = vector.shape_cast %get3A_430 : vector<1x1x16xf32> to vector<16xf32>
      %mul3A_432 = arith.mulf %get3A_4, %get3A_431 : vector<16xf32>
      %get3A_433 = arith.constant 0 : i32
      %get3A_434 = arith.index_cast %get3A_433 : i32 to index
      %get3A_435 = arith.index_cast %scan3A_338 : i32 to index
      %get3A_436 = arith.constant 64 : index
      %get3A_437 = tpu.vector_load %arg9[%get3A_434, %get3A_435, %get3A_436] {strides = array<i32>} : memref<2x56x224xf32, #tpu.memory_space<vmem>>, vector<1x1x16xf32>,
      %get3A_438 = vector.shape_cast %get3A_437 : vector<1x1x16xf32> to vector<16xf32>
      %mul3A_439 = arith.mulf %sub3A_6, %get3A_438 : vector<16xf32>
      %add3A_440 = arith.addf %mul3A_432, %mul3A_439 : vector<16xf32>
      %swap3A_441 = arith.constant 0 : i32
      %swap3A_442 = arith.index_cast %swap3A_441 : i32 to index
      %swap3A_443 = arith.index_cast %scan3A_338 : i32 to index
      %swap3A_444 = arith.constant 64 : index
      %swap3A_445 = tpu.vector_load %arg10[%swap3A_442, %swap3A_443, %swap3A_444] {strides = array<i32>} : memref<2x56x224xf32, #tpu.memory_space<vmem>>, vector<1x1x16xf32>,
      %swap3A_446 = vector.shape_cast %swap3A_445 : vector<1x1x16xf32> to vector<16xf32>
      %swap3A_447 = vector.shape_cast %add3A_440 : vector<16xf32> to vector<1x1x16xf32>
      tpu.vector_store %arg10[%swap3A_442, %swap3A_443, %swap3A_444], %swap3A_447 {strides = array<i32>} : memref<2x56x224xf32, #tpu.memory_space<vmem>>, vector<1x1x16xf32>,
      %get3A_448 = arith.constant 0 : i32
      %get3A_449 = arith.index_cast %get3A_448 : i32 to index
      %get3A_450 = arith.index_cast %scan3A_338 : i32 to index
      %get3A_451 = arith.constant 80 : index
      %get3A_452 = tpu.vector_load %arg8[%get3A_449, %get3A_450, %get3A_451] {strides = array<i32>} : memref<2x56x224xf32, #tpu.memory_space<vmem>>, vector<1x1x16xf32>,
      %get3A_453 = vector.shape_cast %get3A_452 : vector<1x1x16xf32> to vector<16xf32>
      %mul3A_454 = arith.mulf %get3A_4, %get3A_453 : vector<16xf32>
      %get3A_455 = arith.constant 0 : i32
      %get3A_456 = arith.index_cast %get3A_455 : i32 to index
      %get3A_457 = arith.index_cast %scan3A_338 : i32 to index
      %get3A_458 = arith.constant 80 : index
      %get3A_459 = tpu.vector_load %arg9[%get3A_456, %get3A_457, %get3A_458] {strides = array<i32>} : memref<2x56x224xf32, #tpu.memory_space<vmem>>, vector<1x1x16xf32>,
      %get3A_460 = vector.shape_cast %get3A_459 : vector<1x1x16xf32> to vector<16xf32>
      %mul3A_461 = arith.mulf %sub3A_6, %get3A_460 : vector<16xf32>
      %add3A_462 = arith.addf %mul3A_454, %mul3A_461 : vector<16xf32>
      %swap3A_463 = arith.constant 0 : i32
      %swap3A_464 = arith.index_cast %swap3A_463 : i32 to index
      %swap3A_465 = arith.index_cast %scan3A_338 : i32 to index
      %swap3A_466 = arith.constant 80 : index
      %swap3A_467 = tpu.vector_load %arg10[%swap3A_464, %swap3A_465, %swap3A_466] {strides = array<i32>} : memref<2x56x224xf32, #tpu.memory_space<vmem>>, vector<1x1x16xf32>,
      %swap3A_468 = vector.shape_cast %swap3A_467 : vector<1x1x16xf32> to vector<16xf32>
      %swap3A_469 = vector.shape_cast %add3A_462 : vector<16xf32> to vector<1x1x16xf32>
      tpu.vector_store %arg10[%swap3A_464, %swap3A_465, %swap3A_466], %swap3A_469 {strides = array<i32>} : memref<2x56x224xf32, #tpu.memory_space<vmem>>, vector<1x1x16xf32>,
      %get3A_470 = arith.constant 0 : i32
      %get3A_471 = arith.index_cast %get3A_470 : i32 to index
      %get3A_472 = arith.index_cast %scan3A_338 : i32 to index
      %get3A_473 = arith.constant 96 : index
      %get3A_474 = tpu.vector_load %arg8[%get3A_471, %get3A_472, %get3A_473] {strides = array<i32>} : memref<2x56x224xf32, #tpu.memory_space<vmem>>, vector<1x1x16xf32>,
      %get3A_475 = vector.shape_cast %get3A_474 : vector<1x1x16xf32> to vector<16xf32>
      %mul3A_476 = arith.mulf %get3A_4, %get3A_475 : vector<16xf32>
      %get3A_477 = arith.constant 0 : i32
      %get3A_478 = arith.index_cast %get3A_477 : i32 to index
      %get3A_479 = arith.index_cast %scan3A_338 : i32 to index
      %get3A_480 = arith.constant 96 : index
      %get3A_481 = tpu.vector_load %arg9[%get3A_478, %get3A_479, %get3A_480] {strides = array<i32>} : memref<2x56x224xf32, #tpu.memory_space<vmem>>, vector<1x1x16xf32>,
      %get3A_482 = vector.shape_cast %get3A_481 : vector<1x1x16xf32> to vector<16xf32>
      %mul3A_483 = arith.mulf %sub3A_6, %get3A_482 : vector<16xf32>
      %add3A_484 = arith.addf %mul3A_476, %mul3A_483 : vector<16xf32>
      %swap3A_485 = arith.constant 0 : i32
      %swap3A_486 = arith.index_cast %swap3A_485 : i32 to index
      %swap3A_487 = arith.index_cast %scan3A_338 : i32 to index
      %swap3A_488 = arith.constant 96 : index
      %swap3A_489 = tpu.vector_load %arg10[%swap3A_486, %swap3A_487, %swap3A_488] {strides = array<i32>} : memref<2x56x224xf32, #tpu.memory_space<vmem>>, vector<1x1x16xf32>,
      %swap3A_490 = vector.shape_cast %swap3A_489 : vector<1x1x16xf32> to vector<16xf32>
      %swap3A_491 = vector.shape_cast %add3A_484 : vector<16xf32> to vector<1x1x16xf32>
      tpu.vector_store %arg10[%swap3A_486, %swap3A_487, %swap3A_488], %swap3A_491 {strides = array<i32>} : memref<2x56x224xf32, #tpu.memory_space<vmem>>, vector<1x1x16xf32>,
      %get3A_492 = arith.constant 0 : i32
      %get3A_493 = arith.index_cast %get3A_492 : i32 to index
      %get3A_494 = arith.index_cast %scan3A_338 : i32 to index
      %get3A_495 = arith.constant 112 : index
      %get3A_496 = tpu.vector_load %arg8[%get3A_493, %get3A_494, %get3A_495] {strides = array<i32>} : memref<2x56x224xf32, #tpu.memory_space<vmem>>, vector<1x1x16xf32>,
      %get3A_497 = vector.shape_cast %get3A_496 : vector<1x1x16xf32> to vector<16xf32>
      %mul3A_498 = arith.mulf %get3A_4, %get3A_497 : vector<16xf32>
      %get3A_499 = arith.constant 0 : i32
      %get3A_500 = arith.index_cast %get3A_499 : i32 to index
      %get3A_501 = arith.index_cast %scan3A_338 : i32 to index
      %get3A_502 = arith.constant 112 : index
      %get3A_503 = tpu.vector_load %arg9[%get3A_500, %get3A_501, %get3A_502] {strides = array<i32>} : memref<2x56x224xf32, #tpu.memory_space<vmem>>, vector<1x1x16xf32>,
      %get3A_504 = vector.shape_cast %get3A_503 : vector<1x1x16xf32> to vector<16xf32>
      %mul3A_505 = arith.mulf %sub3A_6, %get3A_504 : vector<16xf32>
      %add3A_506 = arith.addf %mul3A_498, %mul3A_505 : vector<16xf32>
      %swap3A_507 = arith.constant 0 : i32
      %swap3A_508 = arith.index_cast %swap3A_507 : i32 to index
      %swap3A_509 = arith.index_cast %scan3A_338 : i32 to index
      %swap3A_510 = arith.constant 112 : index
      %swap3A_511 = tpu.vector_load %arg10[%swap3A_508, %swap3A_509, %swap3A_510] {strides = array<i32>} : memref<2x56x224xf32, #tpu.memory_space<vmem>>, vector<1x1x16xf32>,
      %swap3A_512 = vector.shape_cast %swap3A_511 : vector<1x1x16xf32> to vector<16xf32>
      %swap3A_513 = vector.shape_cast %add3A_506 : vector<16xf32> to vector<1x1x16xf32>
      tpu.vector_store %arg10[%swap3A_508, %swap3A_509, %swap3A_510], %swap3A_513 {strides = array<i32>} : memref<2x56x224xf32, #tpu.memory_space<vmem>>, vector<1x1x16xf32>,
      %get3A_514 = arith.constant 0 : i32
      %get3A_515 = arith.index_cast %get3A_514 : i32 to index
      %get3A_516 = arith.index_cast %scan3A_338 : i32 to index
      %get3A_517 = arith.constant 128 : index
      %get3A_518 = tpu.vector_load %arg8[%get3A_515, %get3A_516, %get3A_517] {strides = array<i32>} : memref<2x56x224xf32, #tpu.memory_space<vmem>>, vector<1x1x16xf32>,
      %get3A_519 = vector.shape_cast %get3A_518 : vector<1x1x16xf32> to vector<16xf32>
      %mul3A_520 = arith.mulf %get3A_4, %get3A_519 : vector<16xf32>
      %get3A_521 = arith.constant 0 : i32
      %get3A_522 = arith.index_cast %get3A_521 : i32 to index
      %get3A_523 = arith.index_cast %scan3A_338 : i32 to index
      %get3A_524 = arith.constant 128 : index
      %get3A_525 = tpu.vector_load %arg9[%get3A_522, %get3A_523, %get3A_524] {strides = array<i32>} : memref<2x56x224xf32, #tpu.memory_space<vmem>>, vector<1x1x16xf32>,
      %get3A_526 = vector.shape_cast %get3A_525 : vector<1x1x16xf32> to vector<16xf32>
      %mul3A_527 = arith.mulf %sub3A_6, %get3A_526 : vector<16xf32>
      %add3A_528 = arith.addf %mul3A_520, %mul3A_527 : vector<16xf32>
      %swap3A_529 = arith.constant 0 : i32
      %swap3A_530 = arith.index_cast %swap3A_529 : i32 to index
      %swap3A_531 = arith.index_cast %scan3A_338 : i32 to index
      %swap3A_532 = arith.constant 128 : index
      %swap3A_533 = tpu.vector_load %arg10[%swap3A_530, %swap3A_531, %swap3A_532] {strides = array<i32>} : memref<2x56x224xf32, #tpu.memory_space<vmem>>, vector<1x1x16xf32>,
      %swap3A_534 = vector.shape_cast %swap3A_533 : vector<1x1x16xf32> to vector<16xf32>
      %swap3A_535 = vector.shape_cast %add3A_528 : vector<16xf32> to vector<1x1x16xf32>
      tpu.vector_store %arg10[%swap3A_530, %swap3A_531, %swap3A_532], %swap3A_535 {strides = array<i32>} : memref<2x56x224xf32, #tpu.memory_space<vmem>>, vector<1x1x16xf32>,
      %get3A_536 = arith.constant 0 : i32
      %get3A_537 = arith.index_cast %get3A_536 : i32 to index
      %get3A_538 = arith.index_cast %scan3A_338 : i32 to index
      %get3A_539 = arith.constant 144 : index
      %get3A_540 = tpu.vector_load %arg8[%get3A_537, %get3A_538, %get3A_539] {strides = array<i32>} : memref<2x56x224xf32, #tpu.memory_space<vmem>>, vector<1x1x16xf32>,
      %get3A_541 = vector.shape_cast %get3A_540 : vector<1x1x16xf32> to vector<16xf32>
      %mul3A_542 = arith.mulf %get3A_4, %get3A_541 : vector<16xf32>
      %get3A_543 = arith.constant 0 : i32
      %get3A_544 = arith.index_cast %get3A_543 : i32 to index
      %get3A_545 = arith.index_cast %scan3A_338 : i32 to index
      %get3A_546 = arith.constant 144 : index
      %get3A_547 = tpu.vector_load %arg9[%get3A_544, %get3A_545, %get3A_546] {strides = array<i32>} : memref<2x56x224xf32, #tpu.memory_space<vmem>>, vector<1x1x16xf32>,
      %get3A_548 = vector.shape_cast %get3A_547 : vector<1x1x16xf32> to vector<16xf32>
      %mul3A_549 = arith.mulf %sub3A_6, %get3A_548 : vector<16xf32>
      %add3A_550 = arith.addf %mul3A_542, %mul3A_549 : vector<16xf32>
      %swap3A_551 = arith.constant 0 : i32
      %swap3A_552 = arith.index_cast %swap3A_551 : i32 to index
      %swap3A_553 = arith.index_cast %scan3A_338 : i32 to index
      %swap3A_554 = arith.constant 144 : index
      %swap3A_555 = tpu.vector_load %arg10[%swap3A_552, %swap3A_553, %swap3A_554] {strides = array<i32>} : memref<2x56x224xf32, #tpu.memory_space<vmem>>, vector<1x1x16xf32>,
      %swap3A_556 = vector.shape_cast %swap3A_555 : vector<1x1x16xf32> to vector<16xf32>
      %swap3A_557 = vector.shape_cast %add3A_550 : vector<16xf32> to vector<1x1x16xf32>
      tpu.vector_store %arg10[%swap3A_552, %swap3A_553, %swap3A_554], %swap3A_557 {strides = array<i32>} : memref<2x56x224xf32, #tpu.memory_space<vmem>>, vector<1x1x16xf32>,
      %get3A_558 = arith.constant 0 : i32
      %get3A_559 = arith.index_cast %get3A_558 : i32 to index
      %get3A_560 = arith.index_cast %scan3A_338 : i32 to index
      %get3A_561 = arith.constant 160 : index
      %get3A_562 = tpu.vector_load %arg8[%get3A_559, %get3A_560, %get3A_561] {strides = array<i32>} : memref<2x56x224xf32, #tpu.memory_space<vmem>>, vector<1x1x16xf32>,
      %get3A_563 = vector.shape_cast %get3A_562 : vector<1x1x16xf32> to vector<16xf32>
      %mul3A_564 = arith.mulf %get3A_4, %get3A_563 : vector<16xf32>
      %get3A_565 = arith.constant 0 : i32
      %get3A_566 = arith.index_cast %get3A_565 : i32 to index
      %get3A_567 = arith.index_cast %scan3A_338 : i32 to index
      %get3A_568 = arith.constant 160 : index
      %get3A_569 = tpu.vector_load %arg9[%get3A_566, %get3A_567, %get3A_568] {strides = array<i32>} : memref<2x56x224xf32, #tpu.memory_space<vmem>>, vector<1x1x16xf32>,
      %get3A_570 = vector.shape_cast %get3A_569 : vector<1x1x16xf32> to vector<16xf32>
      %mul3A_571 = arith.mulf %sub3A_6, %get3A_570 : vector<16xf32>
      %add3A_572 = arith.addf %mul3A_564, %mul3A_571 : vector<16xf32>
      %swap3A_573 = arith.constant 0 : i32
      %swap3A_574 = arith.index_cast %swap3A_573 : i32 to index
      %swap3A_575 = arith.index_cast %scan3A_338 : i32 to index
      %swap3A_576 = arith.constant 160 : index
      %swap3A_577 = tpu.vector_load %arg10[%swap3A_574, %swap3A_575, %swap3A_576] {strides = array<i32>} : memref<2x56x224xf32, #tpu.memory_space<vmem>>, vector<1x1x16xf32>,
      %swap3A_578 = vector.shape_cast %swap3A_577 : vector<1x1x16xf32> to vector<16xf32>
      %swap3A_579 = vector.shape_cast %add3A_572 : vector<16xf32> to vector<1x1x16xf32>
      tpu.vector_store %arg10[%swap3A_574, %swap3A_575, %swap3A_576], %swap3A_579 {strides = array<i32>} : memref<2x56x224xf32, #tpu.memory_space<vmem>>, vector<1x1x16xf32>,
      %get3A_580 = arith.constant 0 : i32
      %get3A_581 = arith.index_cast %get3A_580 : i32 to index
      %get3A_582 = arith.index_cast %scan3A_338 : i32 to index
      %get3A_583 = arith.constant 176 : index
      %get3A_584 = tpu.vector_load %arg8[%get3A_581, %get3A_582, %get3A_583] {strides = array<i32>} : memref<2x56x224xf32, #tpu.memory_space<vmem>>, vector<1x1x16xf32>,
      %get3A_585 = vector.shape_cast %get3A_584 : vector<1x1x16xf32> to vector<16xf32>
      %mul3A_586 = arith.mulf %get3A_4, %get3A_585 : vector<16xf32>
      %get3A_587 = arith.constant 0 : i32
      %get3A_588 = arith.index_cast %get3A_587 : i32 to index
      %get3A_589 = arith.index_cast %scan3A_338 : i32 to index
      %get3A_590 = arith.constant 176 : index
      %get3A_591 = tpu.vector_load %arg9[%get3A_588, %get3A_589, %get3A_590] {strides = array<i32>} : memref<2x56x224xf32, #tpu.memory_space<vmem>>, vector<1x1x16xf32>,
      %get3A_592 = vector.shape_cast %get3A_591 : vector<1x1x16xf32> to vector<16xf32>
      %mul3A_593 = arith.mulf %sub3A_6, %get3A_592 : vector<16xf32>
      %add3A_594 = arith.addf %mul3A_586, %mul3A_593 : vector<16xf32>
      %swap3A_595 = arith.constant 0 : i32
      %swap3A_596 = arith.index_cast %swap3A_595 : i32 to index
      %swap3A_597 = arith.index_cast %scan3A_338 : i32 to index
      %swap3A_598 = arith.constant 176 : index
      %swap3A_599 = tpu.vector_load %arg10[%swap3A_596, %swap3A_597, %swap3A_598] {strides = array<i32>} : memref<2x56x224xf32, #tpu.memory_space<vmem>>, vector<1x1x16xf32>,
      %swap3A_600 = vector.shape_cast %swap3A_599 : vector<1x1x16xf32> to vector<16xf32>
      %swap3A_601 = vector.shape_cast %add3A_594 : vector<16xf32> to vector<1x1x16xf32>
      tpu.vector_store %arg10[%swap3A_596, %swap3A_597, %swap3A_598], %swap3A_601 {strides = array<i32>} : memref<2x56x224xf32, #tpu.memory_space<vmem>>, vector<1x1x16xf32>,
      %get3A_602 = arith.constant 0 : i32
      %get3A_603 = arith.index_cast %get3A_602 : i32 to index
      %get3A_604 = arith.index_cast %scan3A_338 : i32 to index
      %get3A_605 = arith.constant 192 : index
      %get3A_606 = tpu.vector_load %arg8[%get3A_603, %get3A_604, %get3A_605] {strides = array<i32>} : memref<2x56x224xf32, #tpu.memory_space<vmem>>, vector<1x1x16xf32>,
      %get3A_607 = vector.shape_cast %get3A_606 : vector<1x1x16xf32> to vector<16xf32>
      %mul3A_608 = arith.mulf %get3A_4, %get3A_607 : vector<16xf32>
      %get3A_609 = arith.constant 0 : i32
      %get3A_610 = arith.index_cast %get3A_609 : i32 to index
      %get3A_611 = arith.index_cast %scan3A_338 : i32 to index
      %get3A_612 = arith.constant 192 : index
      %get3A_613 = tpu.vector_load %arg9[%get3A_610, %get3A_611, %get3A_612] {strides = array<i32>} : memref<2x56x224xf32, #tpu.memory_space<vmem>>, vector<1x1x16xf32>,
      %get3A_614 = vector.shape_cast %get3A_613 : vector<1x1x16xf32> to vector<16xf32>
      %mul3A_615 = arith.mulf %sub3A_6, %get3A_614 : vector<16xf32>
      %add3A_616 = arith.addf %mul3A_608, %mul3A_615 : vector<16xf32>
      %swap3A_617 = arith.constant 0 : i32
      %swap3A_618 = arith.index_cast %swap3A_617 : i32 to index
      %swap3A_619 = arith.index_cast %scan3A_338 : i32 to index
      %swap3A_620 = arith.constant 192 : index
      %swap3A_621 = tpu.vector_load %arg10[%swap3A_618, %swap3A_619, %swap3A_620] {strides = array<i32>} : memref<2x56x224xf32, #tpu.memory_space<vmem>>, vector<1x1x16xf32>,
      %swap3A_622 = vector.shape_cast %swap3A_621 : vector<1x1x16xf32> to vector<16xf32>
      %swap3A_623 = vector.shape_cast %add3A_616 : vector<16xf32> to vector<1x1x16xf32>
      tpu.vector_store %arg10[%swap3A_618, %swap3A_619, %swap3A_620], %swap3A_623 {strides = array<i32>} : memref<2x56x224xf32, #tpu.memory_space<vmem>>, vector<1x1x16xf32>,
      %get3A_624 = arith.constant 0 : i32
      %get3A_625 = arith.index_cast %get3A_624 : i32 to index
      %get3A_626 = arith.index_cast %scan3A_338 : i32 to index
      %get3A_627 = arith.constant 208 : index
      %get3A_628 = tpu.vector_load %arg8[%get3A_625, %get3A_626, %get3A_627] {strides = array<i32>} : memref<2x56x224xf32, #tpu.memory_space<vmem>>, vector<1x1x16xf32>,
      %get3A_629 = vector.shape_cast %get3A_628 : vector<1x1x16xf32> to vector<16xf32>
      %mul3A_630 = arith.mulf %get3A_4, %get3A_629 : vector<16xf32>
      %get3A_631 = arith.constant 0 : i32
      %get3A_632 = arith.index_cast %get3A_631 : i32 to index
      %get3A_633 = arith.index_cast %scan3A_338 : i32 to index
      %get3A_634 = arith.constant 208 : index
      %get3A_635 = tpu.vector_load %arg9[%get3A_632, %get3A_633, %get3A_634] {strides = array<i32>} : memref<2x56x224xf32, #tpu.memory_space<vmem>>, vector<1x1x16xf32>,
      %get3A_636 = vector.shape_cast %get3A_635 : vector<1x1x16xf32> to vector<16xf32>
      %mul3A_637 = arith.mulf %sub3A_6, %get3A_636 : vector<16xf32>
      %add3A_638 = arith.addf %mul3A_630, %mul3A_637 : vector<16xf32>
      %swap3A_639 = arith.constant 0 : i32
      %swap3A_640 = arith.index_cast %swap3A_639 : i32 to index
      %swap3A_641 = arith.index_cast %scan3A_338 : i32 to index
      %swap3A_642 = arith.constant 208 : index
      %swap3A_643 = tpu.vector_load %arg10[%swap3A_640, %swap3A_641, %swap3A_642] {strides = array<i32>} : memref<2x56x224xf32, #tpu.memory_space<vmem>>, vector<1x1x16xf32>,
      %swap3A_644 = vector.shape_cast %swap3A_643 : vector<1x1x16xf32> to vector<16xf32>
      %swap3A_645 = vector.shape_cast %add3A_638 : vector<16xf32> to vector<1x1x16xf32>
      tpu.vector_store %arg10[%swap3A_640, %swap3A_641, %swap3A_642], %swap3A_645 {strides = array<i32>} : memref<2x56x224xf32, #tpu.memory_space<vmem>>, vector<1x1x16xf32>,
    }
    %scan3A_129 = arith.constant 56 : i32
    %add3A_130 = arith.constant 0 : i32
    %add3A_131 = arith.addi %mul3A_2, %add3A_130 : i32
    %dma_start3A_132 = arith.constant 0 : i32
    %dma_start3A_133 = arith.constant 0 : i32
    %dma_start3A_134 = arith.constant 0 : i32
    %dma_start3A_135 = tpu.memref_slice %arg10[%dma_start3A_132, %dma_start3A_133, %dma_start3A_134] : memref<2x56x224xf32, #tpu.memory_space<vmem>> -> memref<1x56x224xf32, #tpu.memory_space<vmem>>
    %dma_start3A_136 = tpu.memref_squeeze %dma_start3A_135 : memref<1x56x224xf32, #tpu.memory_space<vmem>> -> memref<56x224xf32, #tpu.memory_space<vmem>>
    %dma_start3A_137 = arith.constant 0 : i32
    %dma_start3A_138 = arith.constant 0 : i32
    %dma_start3A_139 = tpu.memref_slice %arg5[%add3A_131, %dma_start3A_137, %dma_start3A_138] : memref<3072x56x224xf32, #tpu.memory_space<hbm>> -> memref<1x56x224xf32, #tpu.memory_space<hbm>>
    %dma_start3A_140 = tpu.memref_squeeze %dma_start3A_139 : memref<1x56x224xf32, #tpu.memory_space<hbm>> -> memref<56x224xf32, #tpu.memory_space<hbm>>
    %dma_start3A_141 = arith.constant 0 : i32
    %dma_start3A_142 = arith.constant 0 : i32
    %dma_start3A_143 = tpu.memref_slice %arg5[%add3A_131, %dma_start3A_141, %dma_start3A_142] : memref<3072x56x224xf32, #tpu.memory_space<hbm>> -> memref<1x56x224xf32, #tpu.memory_space<hbm>>
    %dma_start3A_144 = tpu.memref_squeeze %dma_start3A_143 : memref<1x56x224xf32, #tpu.memory_space<hbm>> -> memref<56x224xf32, #tpu.memory_space<hbm>>
    %dma_start3A_145 = arith.constant 0 : i32
    %dma_start3A_146 = arith.constant 0 : i32
    %dma_start3A_147 = tpu.memref_slice %arg10[%dma_start3A_132, %dma_start3A_145, %dma_start3A_146] : memref<2x56x224xf32, #tpu.memory_space<vmem>> -> memref<1x56x224xf32, #tpu.memory_space<vmem>>
    %dma_start3A_148 = tpu.memref_squeeze %dma_start3A_147 : memref<1x56x224xf32, #tpu.memory_space<vmem>> -> memref<56x224xf32, #tpu.memory_space<vmem>>
    tpu.enqueue_dma source(%dma_start3A_148 : memref<56x224xf32, #tpu.memory_space<vmem>>) target(%dma_start3A_144 : memref<56x224xf32, #tpu.memory_space<hbm>>) target_semaphore(%arg13 : memref<!tpu.dma_semaphore, #tpu.memory_space<semaphore_mem>>)
    %add3A_149 = arith.constant 2 : i32
    %add3A_150 = arith.addi %mul3A_2, %add3A_149 : i32
    %dma_start3A_151 = arith.constant 0 : i32
    %dma_start3A_152 = arith.constant 0 : i32
    %dma_start3A_153 = arith.constant 0 : i32
    %dma_start3A_154 = tpu.memref_slice %arg8[%dma_start3A_151, %dma_start3A_152, %dma_start3A_153] : memref<2x56x224xf32, #tpu.memory_space<vmem>> -> memref<1x56x224xf32, #tpu.memory_space<vmem>>
    %dma_start3A_155 = tpu.memref_squeeze %dma_start3A_154 : memref<1x56x224xf32, #tpu.memory_space<vmem>> -> memref<56x224xf32, #tpu.memory_space<vmem>>
    %dma_start3A_156 = arith.constant 0 : i32
    %dma_start3A_157 = arith.constant 0 : i32
    %dma_start3A_158 = tpu.memref_slice %arg2[%add3A_150, %dma_start3A_156, %dma_start3A_157] : memref<3072x56x224xf32, #tpu.memory_space<hbm>> -> memref<1x56x224xf32, #tpu.memory_space<hbm>>
    %dma_start3A_159 = tpu.memref_squeeze %dma_start3A_158 : memref<1x56x224xf32, #tpu.memory_space<hbm>> -> memref<56x224xf32, #tpu.memory_space<hbm>>
    %dma_start3A_160 = arith.constant 0 : i32
    %dma_start3A_161 = arith.constant 0 : i32
    %dma_start3A_162 = tpu.memref_slice %arg8[%dma_start3A_151, %dma_start3A_160, %dma_start3A_161] : memref<2x56x224xf32, #tpu.memory_space<vmem>> -> memref<1x56x224xf32, #tpu.memory_space<vmem>>
    %dma_start3A_163 = tpu.memref_squeeze %dma_start3A_162 : memref<1x56x224xf32, #tpu.memory_space<vmem>> -> memref<56x224xf32, #tpu.memory_space<vmem>>
    %dma_start3A_164 = arith.constant 0 : i32
    %dma_start3A_165 = arith.constant 0 : i32
    %dma_start3A_166 = tpu.memref_slice %arg2[%add3A_150, %dma_start3A_164, %dma_start3A_165] : memref<3072x56x224xf32, #tpu.memory_space<hbm>> -> memref<1x56x224xf32, #tpu.memory_space<hbm>>
    %dma_start3A_167 = tpu.memref_squeeze %dma_start3A_166 : memref<1x56x224xf32, #tpu.memory_space<hbm>> -> memref<56x224xf32, #tpu.memory_space<hbm>>
    tpu.enqueue_dma source(%dma_start3A_167 : memref<56x224xf32, #tpu.memory_space<hbm>>) target(%dma_start3A_163 : memref<56x224xf32, #tpu.memory_space<vmem>>) target_semaphore(%arg11 : memref<!tpu.dma_semaphore, #tpu.memory_space<semaphore_mem>>)
    %get3A_168 = arith.constant 2 : i32
    %get3A_169 = arith.index_cast %get3A_168 : i32 to index
    %get3A_170 = arith.constant 0 : index
    %get3A_171 = tpu.vector_load %arg6[%get3A_169, %get3A_170] {strides = array<i32>} : memref<96x16xi32, #tpu.memory_space<vmem>>, vector<1x16xi32>,
    %get3A_172 = vector.shape_cast %get3A_171 : vector<1x16xi32> to vector<16xi32>
    %slice3A_173 = vector.extract_strided_slice %get3A_172 {offsets = [0], sizes = [1], strides = [1]} : vector<16xi32> to vector<1xi32>
    %squeeze3A_174 = vector.extract %slice3A_173[0] : i32 from vector<1xi32>
    %dma_start3A_175 = arith.constant 0 : i32
    %dma_start3A_176 = arith.constant 0 : i32
    %dma_start3A_177 = arith.constant 0 : i32
    %dma_start3A_178 = tpu.memref_slice %arg9[%dma_start3A_175, %dma_start3A_176, %dma_start3A_177] : memref<2x56x224xf32, #tpu.memory_space<vmem>> -> memref<1x56x224xf32, #tpu.memory_space<vmem>>
    %dma_start3A_179 = tpu.memref_squeeze %dma_start3A_178 : memref<1x56x224xf32, #tpu.memory_space<vmem>> -> memref<56x224xf32, #tpu.memory_space<vmem>>
    %dma_start3A_180 = arith.constant 0 : i32
    %dma_start3A_181 = arith.constant 0 : i32
    %dma_start3A_182 = tpu.memref_slice %arg2[%squeeze3A_174, %dma_start3A_180, %dma_start3A_181] : memref<3072x56x224xf32, #tpu.memory_space<hbm>> -> memref<1x56x224xf32, #tpu.memory_space<hbm>>
    %dma_start3A_183 = tpu.memref_squeeze %dma_start3A_182 : memref<1x56x224xf32, #tpu.memory_space<hbm>> -> memref<56x224xf32, #tpu.memory_space<hbm>>
    %dma_start3A_184 = arith.constant 0 : i32
    %dma_start3A_185 = arith.constant 0 : i32
    %dma_start3A_186 = tpu.memref_slice %arg9[%dma_start3A_175, %dma_start3A_184, %dma_start3A_185] : memref<2x56x224xf32, #tpu.memory_space<vmem>> -> memref<1x56x224xf32, #tpu.memory_space<vmem>>
    %dma_start3A_187 = tpu.memref_squeeze %dma_start3A_186 : memref<1x56x224xf32, #tpu.memory_space<vmem>> -> memref<56x224xf32, #tpu.memory_space<vmem>>
    %dma_start3A_188 = arith.constant 0 : i32
    %dma_start3A_189 = arith.constant 0 : i32
    %dma_start3A_190 = tpu.memref_slice %arg2[%squeeze3A_174, %dma_start3A_188, %dma_start3A_189] : memref<3072x56x224xf32, #tpu.memory_space<hbm>> -> memref<1x56x224xf32, #tpu.memory_space<hbm>>
    %dma_start3A_191 = tpu.memref_squeeze %dma_start3A_190 : memref<1x56x224xf32, #tpu.memory_space<hbm>> -> memref<56x224xf32, #tpu.memory_space<hbm>>
    tpu.enqueue_dma source(%dma_start3A_191 : memref<56x224xf32, #tpu.memory_space<hbm>>) target(%dma_start3A_187 : memref<56x224xf32, #tpu.memory_space<vmem>>) target_semaphore(%arg12 : memref<!tpu.dma_semaphore, #tpu.memory_space<semaphore_mem>>)
    %dma_wait3A_192 = arith.constant 0 : i32
    %dma_wait3A_193 = arith.constant 1 : i32
    %dma_wait3A_194 = arith.constant 0 : i32
    %dma_wait3A_195 = arith.constant 0 : i32
    %dma_wait3A_196 = tpu.memref_slice %arg8[%dma_wait3A_193, %dma_wait3A_194, %dma_wait3A_195] : memref<2x56x224xf32, #tpu.memory_space<vmem>> -> memref<1x56x224xf32, #tpu.memory_space<vmem>>
    %dma_wait3A_197 = tpu.memref_squeeze %dma_wait3A_196 : memref<1x56x224xf32, #tpu.memory_space<vmem>> -> memref<56x224xf32, #tpu.memory_space<vmem>>
    %dma_wait3A_198 = arith.constant 0 : i32
    %dma_wait3A_199 = arith.constant 0 : i32
    %dma_wait3A_200 = tpu.memref_slice %arg2[%dma_wait3A_192, %dma_wait3A_198, %dma_wait3A_199] : memref<3072x56x224xf32, #tpu.memory_space<hbm>> -> memref<1x56x224xf32, #tpu.memory_space<hbm>>
    %dma_wait3A_201 = tpu.memref_squeeze %dma_wait3A_200 : memref<1x56x224xf32, #tpu.memory_space<hbm>> -> memref<56x224xf32, #tpu.memory_space<hbm>>
    %dma_wait3A_202 = arith.constant 0 : i32
    %dma_wait3A_203 = arith.constant 0 : i32
    %dma_wait3A_204 = tpu.memref_slice %arg8[%dma_wait3A_193, %dma_wait3A_202, %dma_wait3A_203] : memref<2x56x224xf32, #tpu.memory_space<vmem>> -> memref<1x56x224xf32, #tpu.memory_space<vmem>>
    %dma_wait3A_205 = tpu.memref_squeeze %dma_wait3A_204 : memref<1x56x224xf32, #tpu.memory_space<vmem>> -> memref<56x224xf32, #tpu.memory_space<vmem>>
    %dma_wait3A_206 = arith.constant 0 : i32
    %dma_wait3A_207 = arith.constant 0 : i32
    %dma_wait3A_208 = tpu.memref_slice %arg2[%dma_wait3A_192, %dma_wait3A_206, %dma_wait3A_207] : memref<3072x56x224xf32, #tpu.memory_space<hbm>> -> memref<1x56x224xf32, #tpu.memory_space<hbm>>
    %dma_wait3A_209 = tpu.memref_squeeze %dma_wait3A_208 : memref<1x56x224xf32, #tpu.memory_space<hbm>> -> memref<56x224xf32, #tpu.memory_space<hbm>>
    tpu.wait_dma2 semaphore(%arg11 : memref<!tpu.dma_semaphore, #tpu.memory_space<semaphore_mem>>) src(%dma_wait3A_209 : memref<56x224xf32, #tpu.memory_space<hbm>>) dst(%dma_wait3A_205 : memref<56x224xf32, #tpu.memory_space<vmem>>)
    %dma_wait3A_210 = arith.constant 0 : i32
    %dma_wait3A_211 = arith.constant 1 : i32
    %dma_wait3A_212 = arith.constant 0 : i32
    %dma_wait3A_213 = arith.constant 0 : i32
    %dma_wait3A_214 = tpu.memref_slice %arg9[%dma_wait3A_211, %dma_wait3A_212, %dma_wait3A_213] : memref<2x56x224xf32, #tpu.memory_space<vmem>> -> memref<1x56x224xf32, #tpu.memory_space<vmem>>
    %dma_wait3A_215 = tpu.memref_squeeze %dma_wait3A_214 : memref<1x56x224xf32, #tpu.memory_space<vmem>> -> memref<56x224xf32, #tpu.memory_space<vmem>>
    %dma_wait3A_216 = arith.constant 0 : i32
    %dma_wait3A_217 = arith.constant 0 : i32
    %dma_wait3A_218 = tpu.memref_slice %arg2[%dma_wait3A_210, %dma_wait3A_216, %dma_wait3A_217] : memref<3072x56x224xf32, #tpu.memory_space<hbm>> -> memref<1x56x224xf32, #tpu.memory_space<hbm>>
    %dma_wait3A_219 = tpu.memref_squeeze %dma_wait3A_218 : memref<1x56x224xf32, #tpu.memory_space<hbm>> -> memref<56x224xf32, #tpu.memory_space<hbm>>
    %dma_wait3A_220 = arith.constant 0 : i32
    %dma_wait3A_221 = arith.constant 0 : i32
    %dma_wait3A_222 = tpu.memref_slice %arg9[%dma_wait3A_211, %dma_wait3A_220, %dma_wait3A_221] : memref<2x56x224xf32, #tpu.memory_space<vmem>> -> memref<1x56x224xf32, #tpu.memory_space<vmem>>
    %dma_wait3A_223 = tpu.memref_squeeze %dma_wait3A_222 : memref<1x56x224xf32, #tpu.memory_space<vmem>> -> memref<56x224xf32, #tpu.memory_space<vmem>>
    %dma_wait3A_224 = arith.constant 0 : i32
    %dma_wait3A_225 = arith.constant 0 : i32
    %dma_wait3A_226 = tpu.memref_slice %arg2[%dma_wait3A_210, %dma_wait3A_224, %dma_wait3A_225] : memref<3072x56x224xf32, #tpu.memory_space<hbm>> -> memref<1x56x224xf32, #tpu.memory_space<hbm>>
    %dma_wait3A_227 = tpu.memref_squeeze %dma_wait3A_226 : memref<1x56x224xf32, #tpu.memory_space<hbm>> -> memref<56x224xf32, #tpu.memory_space<hbm>>
    tpu.wait_dma2 semaphore(%arg12 : memref<!tpu.dma_semaphore, #tpu.memory_space<semaphore_mem>>) src(%dma_wait3A_227 : memref<56x224xf32, #tpu.memory_space<hbm>>) dst(%dma_wait3A_223 : memref<56x224xf32, #tpu.memory_space<vmem>>)
    %scan3A_228 = arith.constant 0 : i32
    %scan3A_229 = arith.constant 0 : i32
    %scan3A_230 = arith.constant 56 : i32
    %scan3A_231 = arith.addi %scan3A_229, %scan3A_230 : i32
    %scan3A_232 = arith.constant 1 : i32
    scf.for %scan3A_338 = %scan3A_229 to %scan3A_231 step %scan3A_232  : i32 {
      %get3A_339 = arith.constant 1 : i32
      %get3A_340 = arith.index_cast %get3A_339 : i32 to index
      %get3A_341 = arith.index_cast %scan3A_338 : i32 to index
      %get3A_342 = arith.constant 0 : index
      %get3A_343 = tpu.vector_load %arg8[%get3A_340, %get3A_341, %get3A_342] {strides = array<i32>} : memref<2x56x224xf32, #tpu.memory_space<vmem>>, vector<1x1x16xf32>,
      %get3A_344 = vector.shape_cast %get3A_343 : vector<1x1x16xf32> to vector<16xf32>
      %mul3A_345 = arith.mulf %get3A_4, %get3A_344 : vector<16xf32>
      %get3A_346 = arith.constant 1 : i32
      %get3A_347 = arith.index_cast %get3A_346 : i32 to index
      %get3A_348 = arith.index_cast %scan3A_338 : i32 to index
      %get3A_349 = arith.constant 0 : index
      %get3A_350 = tpu.vector_load %arg9[%get3A_347, %get3A_348, %get3A_349] {strides = array<i32>} : memref<2x56x224xf32, #tpu.memory_space<vmem>>, vector<1x1x16xf32>,
      %get3A_351 = vector.shape_cast %get3A_350 : vector<1x1x16xf32> to vector<16xf32>
      %mul3A_352 = arith.mulf %sub3A_6, %get3A_351 : vector<16xf32>
      %add3A_353 = arith.addf %mul3A_345, %mul3A_352 : vector<16xf32>
      %swap3A = arith.constant 1 : i32
      %swap3A_354 = arith.index_cast %swap3A : i32 to index
      %swap3A_355 = arith.index_cast %scan3A_338 : i32 to index
      %swap3A_356 = arith.constant 0 : index
      %swap3A_357 = tpu.vector_load %arg10[%swap3A_354, %swap3A_355, %swap3A_356] {strides = array<i32>} : memref<2x56x224xf32, #tpu.memory_space<vmem>>, vector<1x1x16xf32>,
      %swap3A_358 = vector.shape_cast %swap3A_357 : vector<1x1x16xf32> to vector<16xf32>
      %swap3A_359 = vector.shape_cast %add3A_353 : vector<16xf32> to vector<1x1x16xf32>
      tpu.vector_store %arg10[%swap3A_354, %swap3A_355, %swap3A_356], %swap3A_359 {strides = array<i32>} : memref<2x56x224xf32, #tpu.memory_space<vmem>>, vector<1x1x16xf32>,
      %get3A_360 = arith.constant 1 : i32
      %get3A_361 = arith.index_cast %get3A_360 : i32 to index
      %get3A_362 = arith.index_cast %scan3A_338 : i32 to index
      %get3A_363 = arith.constant 16 : index
      %get3A_364 = tpu.vector_load %arg8[%get3A_361, %get3A_362, %get3A_363] {strides = array<i32>} : memref<2x56x224xf32, #tpu.memory_space<vmem>>, vector<1x1x16xf32>,
      %get3A_365 = vector.shape_cast %get3A_364 : vector<1x1x16xf32> to vector<16xf32>
      %mul3A_366 = arith.mulf %get3A_4, %get3A_365 : vector<16xf32>
      %get3A_367 = arith.constant 1 : i32
      %get3A_368 = arith.index_cast %get3A_367 : i32 to index
      %get3A_369 = arith.index_cast %scan3A_338 : i32 to index
      %get3A_370 = arith.constant 16 : index
      %get3A_371 = tpu.vector_load %arg9[%get3A_368, %get3A_369, %get3A_370] {strides = array<i32>} : memref<2x56x224xf32, #tpu.memory_space<vmem>>, vector<1x1x16xf32>,
      %get3A_372 = vector.shape_cast %get3A_371 : vector<1x1x16xf32> to vector<16xf32>
      %mul3A_373 = arith.mulf %sub3A_6, %get3A_372 : vector<16xf32>
      %add3A_374 = arith.addf %mul3A_366, %mul3A_373 : vector<16xf32>
      %swap3A_375 = arith.constant 1 : i32
      %swap3A_376 = arith.index_cast %swap3A_375 : i32 to index
      %swap3A_377 = arith.index_cast %scan3A_338 : i32 to index
      %swap3A_378 = arith.constant 16 : index
      %swap3A_379 = tpu.vector_load %arg10[%swap3A_376, %swap3A_377, %swap3A_378] {strides = array<i32>} : memref<2x56x224xf32, #tpu.memory_space<vmem>>, vector<1x1x16xf32>,
      %swap3A_380 = vector.shape_cast %swap3A_379 : vector<1x1x16xf32> to vector<16xf32>
      %swap3A_381 = vector.shape_cast %add3A_374 : vector<16xf32> to vector<1x1x16xf32>
      tpu.vector_store %arg10[%swap3A_376, %swap3A_377, %swap3A_378], %swap3A_381 {strides = array<i32>} : memref<2x56x224xf32, #tpu.memory_space<vmem>>, vector<1x1x16xf32>,
      %get3A_382 = arith.constant 1 : i32
      %get3A_383 = arith.index_cast %get3A_382 : i32 to index
      %get3A_384 = arith.index_cast %scan3A_338 : i32 to index
      %get3A_385 = arith.constant 32 : index
      %get3A_386 = tpu.vector_load %arg8[%get3A_383, %get3A_384, %get3A_385] {strides = array<i32>} : memref<2x56x224xf32, #tpu.memory_space<vmem>>, vector<1x1x16xf32>,
      %get3A_387 = vector.shape_cast %get3A_386 : vector<1x1x16xf32> to vector<16xf32>
      %mul3A_388 = arith.mulf %get3A_4, %get3A_387 : vector<16xf32>
      %get3A_389 = arith.constant 1 : i32
      %get3A_390 = arith.index_cast %get3A_389 : i32 to index
      %get3A_391 = arith.index_cast %scan3A_338 : i32 to index
      %get3A_392 = arith.constant 32 : index
      %get3A_393 = tpu.vector_load %arg9[%get3A_390, %get3A_391, %get3A_392] {strides = array<i32>} : memref<2x56x224xf32, #tpu.memory_space<vmem>>, vector<1x1x16xf32>,
      %get3A_394 = vector.shape_cast %get3A_393 : vector<1x1x16xf32> to vector<16xf32>
      %mul3A_395 = arith.mulf %sub3A_6, %get3A_394 : vector<16xf32>
      %add3A_396 = arith.addf %mul3A_388, %mul3A_395 : vector<16xf32>
      %swap3A_397 = arith.constant 1 : i32
      %swap3A_398 = arith.index_cast %swap3A_397 : i32 to index
      %swap3A_399 = arith.index_cast %scan3A_338 : i32 to index
      %swap3A_400 = arith.constant 32 : index
      %swap3A_401 = tpu.vector_load %arg10[%swap3A_398, %swap3A_399, %swap3A_400] {strides = array<i32>} : memref<2x56x224xf32, #tpu.memory_space<vmem>>, vector<1x1x16xf32>,
      %swap3A_402 = vector.shape_cast %swap3A_401 : vector<1x1x16xf32> to vector<16xf32>
      %swap3A_403 = vector.shape_cast %add3A_396 : vector<16xf32> to vector<1x1x16xf32>
      tpu.vector_store %arg10[%swap3A_398, %swap3A_399, %swap3A_400], %swap3A_403 {strides = array<i32>} : memref<2x56x224xf32, #tpu.memory_space<vmem>>, vector<1x1x16xf32>,
      %get3A_404 = arith.constant 1 : i32
      %get3A_405 = arith.index_cast %get3A_404 : i32 to index
      %get3A_406 = arith.index_cast %scan3A_338 : i32 to index
      %get3A_407 = arith.constant 48 : index
      %get3A_408 = tpu.vector_load %arg8[%get3A_405, %get3A_406, %get3A_407] {strides = array<i32>} : memref<2x56x224xf32, #tpu.memory_space<vmem>>, vector<1x1x16xf32>,
      %get3A_409 = vector.shape_cast %get3A_408 : vector<1x1x16xf32> to vector<16xf32>
      %mul3A_410 = arith.mulf %get3A_4, %get3A_409 : vector<16xf32>
      %get3A_411 = arith.constant 1 : i32
      %get3A_412 = arith.index_cast %get3A_411 : i32 to index
      %get3A_413 = arith.index_cast %scan3A_338 : i32 to index
      %get3A_414 = arith.constant 48 : index
      %get3A_415 = tpu.vector_load %arg9[%get3A_412, %get3A_413, %get3A_414] {strides = array<i32>} : memref<2x56x224xf32, #tpu.memory_space<vmem>>, vector<1x1x16xf32>,
      %get3A_416 = vector.shape_cast %get3A_415 : vector<1x1x16xf32> to vector<16xf32>
      %mul3A_417 = arith.mulf %sub3A_6, %get3A_416 : vector<16xf32>
      %add3A_418 = arith.addf %mul3A_410, %mul3A_417 : vector<16xf32>
      %swap3A_419 = arith.constant 1 : i32
      %swap3A_420 = arith.index_cast %swap3A_419 : i32 to index
      %swap3A_421 = arith.index_cast %scan3A_338 : i32 to index
      %swap3A_422 = arith.constant 48 : index
      %swap3A_423 = tpu.vector_load %arg10[%swap3A_420, %swap3A_421, %swap3A_422] {strides = array<i32>} : memref<2x56x224xf32, #tpu.memory_space<vmem>>, vector<1x1x16xf32>,
      %swap3A_424 = vector.shape_cast %swap3A_423 : vector<1x1x16xf32> to vector<16xf32>
      %swap3A_425 = vector.shape_cast %add3A_418 : vector<16xf32> to vector<1x1x16xf32>
      tpu.vector_store %arg10[%swap3A_420, %swap3A_421, %swap3A_422], %swap3A_425 {strides = array<i32>} : memref<2x56x224xf32, #tpu.memory_space<vmem>>, vector<1x1x16xf32>,
      %get3A_426 = arith.constant 1 : i32
      %get3A_427 = arith.index_cast %get3A_426 : i32 to index
      %get3A_428 = arith.index_cast %scan3A_338 : i32 to index
      %get3A_429 = arith.constant 64 : index
      %get3A_430 = tpu.vector_load %arg8[%get3A_427, %get3A_428, %get3A_429] {strides = array<i32>} : memref<2x56x224xf32, #tpu.memory_space<vmem>>, vector<1x1x16xf32>,
      %get3A_431 = vector.shape_cast %get3A_430 : vector<1x1x16xf32> to vector<16xf32>
      %mul3A_432 = arith.mulf %get3A_4, %get3A_431 : vector<16xf32>
      %get3A_433 = arith.constant 1 : i32
      %get3A_434 = arith.index_cast %get3A_433 : i32 to index
      %get3A_435 = arith.index_cast %scan3A_338 : i32 to index
      %get3A_436 = arith.constant 64 : index
      %get3A_437 = tpu.vector_load %arg9[%get3A_434, %get3A_435, %get3A_436] {strides = array<i32>} : memref<2x56x224xf32, #tpu.memory_space<vmem>>, vector<1x1x16xf32>,
      %get3A_438 = vector.shape_cast %get3A_437 : vector<1x1x16xf32> to vector<16xf32>
      %mul3A_439 = arith.mulf %sub3A_6, %get3A_438 : vector<16xf32>
      %add3A_440 = arith.addf %mul3A_432, %mul3A_439 : vector<16xf32>
      %swap3A_441 = arith.constant 1 : i32
      %swap3A_442 = arith.index_cast %swap3A_441 : i32 to index
      %swap3A_443 = arith.index_cast %scan3A_338 : i32 to index
      %swap3A_444 = arith.constant 64 : index
      %swap3A_445 = tpu.vector_load %arg10[%swap3A_442, %swap3A_443, %swap3A_444] {strides = array<i32>} : memref<2x56x224xf32, #tpu.memory_space<vmem>>, vector<1x1x16xf32>,
      %swap3A_446 = vector.shape_cast %swap3A_445 : vector<1x1x16xf32> to vector<16xf32>
      %swap3A_447 = vector.shape_cast %add3A_440 : vector<16xf32> to vector<1x1x16xf32>
      tpu.vector_store %arg10[%swap3A_442, %swap3A_443, %swap3A_444], %swap3A_447 {strides = array<i32>} : memref<2x56x224xf32, #tpu.memory_space<vmem>>, vector<1x1x16xf32>,
      %get3A_448 = arith.constant 1 : i32
      %get3A_449 = arith.index_cast %get3A_448 : i32 to index
      %get3A_450 = arith.index_cast %scan3A_338 : i32 to index
      %get3A_451 = arith.constant 80 : index
      %get3A_452 = tpu.vector_load %arg8[%get3A_449, %get3A_450, %get3A_451] {strides = array<i32>} : memref<2x56x224xf32, #tpu.memory_space<vmem>>, vector<1x1x16xf32>,
      %get3A_453 = vector.shape_cast %get3A_452 : vector<1x1x16xf32> to vector<16xf32>
      %mul3A_454 = arith.mulf %get3A_4, %get3A_453 : vector<16xf32>
      %get3A_455 = arith.constant 1 : i32
      %get3A_456 = arith.index_cast %get3A_455 : i32 to index
      %get3A_457 = arith.index_cast %scan3A_338 : i32 to index
      %get3A_458 = arith.constant 80 : index
      %get3A_459 = tpu.vector_load %arg9[%get3A_456, %get3A_457, %get3A_458] {strides = array<i32>} : memref<2x56x224xf32, #tpu.memory_space<vmem>>, vector<1x1x16xf32>,
      %get3A_460 = vector.shape_cast %get3A_459 : vector<1x1x16xf32> to vector<16xf32>
      %mul3A_461 = arith.mulf %sub3A_6, %get3A_460 : vector<16xf32>
      %add3A_462 = arith.addf %mul3A_454, %mul3A_461 : vector<16xf32>
      %swap3A_463 = arith.constant 1 : i32
      %swap3A_464 = arith.index_cast %swap3A_463 : i32 to index
      %swap3A_465 = arith.index_cast %scan3A_338 : i32 to index
      %swap3A_466 = arith.constant 80 : index
      %swap3A_467 = tpu.vector_load %arg10[%swap3A_464, %swap3A_465, %swap3A_466] {strides = array<i32>} : memref<2x56x224xf32, #tpu.memory_space<vmem>>, vector<1x1x16xf32>,
      %swap3A_468 = vector.shape_cast %swap3A_467 : vector<1x1x16xf32> to vector<16xf32>
      %swap3A_469 = vector.shape_cast %add3A_462 : vector<16xf32> to vector<1x1x16xf32>
      tpu.vector_store %arg10[%swap3A_464, %swap3A_465, %swap3A_466], %swap3A_469 {strides = array<i32>} : memref<2x56x224xf32, #tpu.memory_space<vmem>>, vector<1x1x16xf32>,
      %get3A_470 = arith.constant 1 : i32
      %get3A_471 = arith.index_cast %get3A_470 : i32 to index
      %get3A_472 = arith.index_cast %scan3A_338 : i32 to index
      %get3A_473 = arith.constant 96 : index
      %get3A_474 = tpu.vector_load %arg8[%get3A_471, %get3A_472, %get3A_473] {strides = array<i32>} : memref<2x56x224xf32, #tpu.memory_space<vmem>>, vector<1x1x16xf32>,
      %get3A_475 = vector.shape_cast %get3A_474 : vector<1x1x16xf32> to vector<16xf32>
      %mul3A_476 = arith.mulf %get3A_4, %get3A_475 : vector<16xf32>
      %get3A_477 = arith.constant 1 : i32
      %get3A_478 = arith.index_cast %get3A_477 : i32 to index
      %get3A_479 = arith.index_cast %scan3A_338 : i32 to index
      %get3A_480 = arith.constant 96 : index
      %get3A_481 = tpu.vector_load %arg9[%get3A_478, %get3A_479, %get3A_480] {strides = array<i32>} : memref<2x56x224xf32, #tpu.memory_space<vmem>>, vector<1x1x16xf32>,
      %get3A_482 = vector.shape_cast %get3A_481 : vector<1x1x16xf32> to vector<16xf32>
      %mul3A_483 = arith.mulf %sub3A_6, %get3A_482 : vector<16xf32>
      %add3A_484 = arith.addf %mul3A_476, %mul3A_483 : vector<16xf32>
      %swap3A_485 = arith.constant 1 : i32
      %swap3A_486 = arith.index_cast %swap3A_485 : i32 to index
      %swap3A_487 = arith.index_cast %scan3A_338 : i32 to index
      %swap3A_488 = arith.constant 96 : index
      %swap3A_489 = tpu.vector_load %arg10[%swap3A_486, %swap3A_487, %swap3A_488] {strides = array<i32>} : memref<2x56x224xf32, #tpu.memory_space<vmem>>, vector<1x1x16xf32>,
      %swap3A_490 = vector.shape_cast %swap3A_489 : vector<1x1x16xf32> to vector<16xf32>
      %swap3A_491 = vector.shape_cast %add3A_484 : vector<16xf32> to vector<1x1x16xf32>
      tpu.vector_store %arg10[%swap3A_486, %swap3A_487, %swap3A_488], %swap3A_491 {strides = array<i32>} : memref<2x56x224xf32, #tpu.memory_space<vmem>>, vector<1x1x16xf32>,
      %get3A_492 = arith.constant 1 : i32
      %get3A_493 = arith.index_cast %get3A_492 : i32 to index
      %get3A_494 = arith.index_cast %scan3A_338 : i32 to index
      %get3A_495 = arith.constant 112 : index
      %get3A_496 = tpu.vector_load %arg8[%get3A_493, %get3A_494, %get3A_495] {strides = array<i32>} : memref<2x56x224xf32, #tpu.memory_space<vmem>>, vector<1x1x16xf32>,
      %get3A_497 = vector.shape_cast %get3A_496 : vector<1x1x16xf32> to vector<16xf32>
      %mul3A_498 = arith.mulf %get3A_4, %get3A_497 : vector<16xf32>
      %get3A_499 = arith.constant 1 : i32
      %get3A_500 = arith.index_cast %get3A_499 : i32 to index
      %get3A_501 = arith.index_cast %scan3A_338 : i32 to index
      %get3A_502 = arith.constant 112 : index
      %get3A_503 = tpu.vector_load %arg9[%get3A_500, %get3A_501, %get3A_502] {strides = array<i32>} : memref<2x56x224xf32, #tpu.memory_space<vmem>>, vector<1x1x16xf32>,
      %get3A_504 = vector.shape_cast %get3A_503 : vector<1x1x16xf32> to vector<16xf32>
      %mul3A_505 = arith.mulf %sub3A_6, %get3A_504 : vector<16xf32>
      %add3A_506 = arith.addf %mul3A_498, %mul3A_505 : vector<16xf32>
      %swap3A_507 = arith.constant 1 : i32
      %swap3A_508 = arith.index_cast %swap3A_507 : i32 to index
      %swap3A_509 = arith.index_cast %scan3A_338 : i32 to index
      %swap3A_510 = arith.constant 112 : index
      %swap3A_511 = tpu.vector_load %arg10[%swap3A_508, %swap3A_509, %swap3A_510] {strides = array<i32>} : memref<2x56x224xf32, #tpu.memory_space<vmem>>, vector<1x1x16xf32>,
      %swap3A_512 = vector.shape_cast %swap3A_511 : vector<1x1x16xf32> to vector<16xf32>
      %swap3A_513 = vector.shape_cast %add3A_506 : vector<16xf32> to vector<1x1x16xf32>
      tpu.vector_store %arg10[%swap3A_508, %swap3A_509, %swap3A_510], %swap3A_513 {strides = array<i32>} : memref<2x56x224xf32, #tpu.memory_space<vmem>>, vector<1x1x16xf32>,
      %get3A_514 = arith.constant 1 : i32
      %get3A_515 = arith.index_cast %get3A_514 : i32 to index
      %get3A_516 = arith.index_cast %scan3A_338 : i32 to index
      %get3A_517 = arith.constant 128 : index
      %get3A_518 = tpu.vector_load %arg8[%get3A_515, %get3A_516, %get3A_517] {strides = array<i32>} : memref<2x56x224xf32, #tpu.memory_space<vmem>>, vector<1x1x16xf32>,
      %get3A_519 = vector.shape_cast %get3A_518 : vector<1x1x16xf32> to vector<16xf32>
      %mul3A_520 = arith.mulf %get3A_4, %get3A_519 : vector<16xf32>
      %get3A_521 = arith.constant 1 : i32
      %get3A_522 = arith.index_cast %get3A_521 : i32 to index
      %get3A_523 = arith.index_cast %scan3A_338 : i32 to index
      %get3A_524 = arith.constant 128 : index
      %get3A_525 = tpu.vector_load %arg9[%get3A_522, %get3A_523, %get3A_524] {strides = array<i32>} : memref<2x56x224xf32, #tpu.memory_space<vmem>>, vector<1x1x16xf32>,
      %get3A_526 = vector.shape_cast %get3A_525 : vector<1x1x16xf32> to vector<16xf32>
      %mul3A_527 = arith.mulf %sub3A_6, %get3A_526 : vector<16xf32>
      %add3A_528 = arith.addf %mul3A_520, %mul3A_527 : vector<16xf32>
      %swap3A_529 = arith.constant 1 : i32
      %swap3A_530 = arith.index_cast %swap3A_529 : i32 to index
      %swap3A_531 = arith.index_cast %scan3A_338 : i32 to index
      %swap3A_532 = arith.constant 128 : index
      %swap3A_533 = tpu.vector_load %arg10[%swap3A_530, %swap3A_531, %swap3A_532] {strides = array<i32>} : memref<2x56x224xf32, #tpu.memory_space<vmem>>, vector<1x1x16xf32>,
      %swap3A_534 = vector.shape_cast %swap3A_533 : vector<1x1x16xf32> to vector<16xf32>
      %swap3A_535 = vector.shape_cast %add3A_528 : vector<16xf32> to vector<1x1x16xf32>
      tpu.vector_store %arg10[%swap3A_530, %swap3A_531, %swap3A_532], %swap3A_535 {strides = array<i32>} : memref<2x56x224xf32, #tpu.memory_space<vmem>>, vector<1x1x16xf32>,
      %get3A_536 = arith.constant 1 : i32
      %get3A_537 = arith.index_cast %get3A_536 : i32 to index
      %get3A_538 = arith.index_cast %scan3A_338 : i32 to index
      %get3A_539 = arith.constant 144 : index
      %get3A_540 = tpu.vector_load %arg8[%get3A_537, %get3A_538, %get3A_539] {strides = array<i32>} : memref<2x56x224xf32, #tpu.memory_space<vmem>>, vector<1x1x16xf32>,
      %get3A_541 = vector.shape_cast %get3A_540 : vector<1x1x16xf32> to vector<16xf32>
      %mul3A_542 = arith.mulf %get3A_4, %get3A_541 : vector<16xf32>
      %get3A_543 = arith.constant 1 : i32
      %get3A_544 = arith.index_cast %get3A_543 : i32 to index
      %get3A_545 = arith.index_cast %scan3A_338 : i32 to index
      %get3A_546 = arith.constant 144 : index
      %get3A_547 = tpu.vector_load %arg9[%get3A_544, %get3A_545, %get3A_546] {strides = array<i32>} : memref<2x56x224xf32, #tpu.memory_space<vmem>>, vector<1x1x16xf32>,
      %get3A_548 = vector.shape_cast %get3A_547 : vector<1x1x16xf32> to vector<16xf32>
      %mul3A_549 = arith.mulf %sub3A_6, %get3A_548 : vector<16xf32>
      %add3A_550 = arith.addf %mul3A_542, %mul3A_549 : vector<16xf32>
      %swap3A_551 = arith.constant 1 : i32
      %swap3A_552 = arith.index_cast %swap3A_551 : i32 to index
      %swap3A_553 = arith.index_cast %scan3A_338 : i32 to index
      %swap3A_554 = arith.constant 144 : index
      %swap3A_555 = tpu.vector_load %arg10[%swap3A_552, %swap3A_553, %swap3A_554] {strides = array<i32>} : memref<2x56x224xf32, #tpu.memory_space<vmem>>, vector<1x1x16xf32>,
      %swap3A_556 = vector.shape_cast %swap3A_555 : vector<1x1x16xf32> to vector<16xf32>
      %swap3A_557 = vector.shape_cast %add3A_550 : vector<16xf32> to vector<1x1x16xf32>
      tpu.vector_store %arg10[%swap3A_552, %swap3A_553, %swap3A_554], %swap3A_557 {strides = array<i32>} : memref<2x56x224xf32, #tpu.memory_space<vmem>>, vector<1x1x16xf32>,
      %get3A_558 = arith.constant 1 : i32
      %get3A_559 = arith.index_cast %get3A_558 : i32 to index
      %get3A_560 = arith.index_cast %scan3A_338 : i32 to index
      %get3A_561 = arith.constant 160 : index
      %get3A_562 = tpu.vector_load %arg8[%get3A_559, %get3A_560, %get3A_561] {strides = array<i32>} : memref<2x56x224xf32, #tpu.memory_space<vmem>>, vector<1x1x16xf32>,
      %get3A_563 = vector.shape_cast %get3A_562 : vector<1x1x16xf32> to vector<16xf32>
      %mul3A_564 = arith.mulf %get3A_4, %get3A_563 : vector<16xf32>
      %get3A_565 = arith.constant 1 : i32
      %get3A_566 = arith.index_cast %get3A_565 : i32 to index
      %get3A_567 = arith.index_cast %scan3A_338 : i32 to index
      %get3A_568 = arith.constant 160 : index
      %get3A_569 = tpu.vector_load %arg9[%get3A_566, %get3A_567, %get3A_568] {strides = array<i32>} : memref<2x56x224xf32, #tpu.memory_space<vmem>>, vector<1x1x16xf32>,
      %get3A_570 = vector.shape_cast %get3A_569 : vector<1x1x16xf32> to vector<16xf32>
      %mul3A_571 = arith.mulf %sub3A_6, %get3A_570 : vector<16xf32>
      %add3A_572 = arith.addf %mul3A_564, %mul3A_571 : vector<16xf32>
      %swap3A_573 = arith.constant 1 : i32
      %swap3A_574 = arith.index_cast %swap3A_573 : i32 to index
      %swap3A_575 = arith.index_cast %scan3A_338 : i32 to index
      %swap3A_576 = arith.constant 160 : index
      %swap3A_577 = tpu.vector_load %arg10[%swap3A_574, %swap3A_575, %swap3A_576] {strides = array<i32>} : memref<2x56x224xf32, #tpu.memory_space<vmem>>, vector<1x1x16xf32>,
      %swap3A_578 = vector.shape_cast %swap3A_577 : vector<1x1x16xf32> to vector<16xf32>
      %swap3A_579 = vector.shape_cast %add3A_572 : vector<16xf32> to vector<1x1x16xf32>
      tpu.vector_store %arg10[%swap3A_574, %swap3A_575, %swap3A_576], %swap3A_579 {strides = array<i32>} : memref<2x56x224xf32, #tpu.memory_space<vmem>>, vector<1x1x16xf32>,
      %get3A_580 = arith.constant 1 : i32
      %get3A_581 = arith.index_cast %get3A_580 : i32 to index
      %get3A_582 = arith.index_cast %scan3A_338 : i32 to index
      %get3A_583 = arith.constant 176 : index
      %get3A_584 = tpu.vector_load %arg8[%get3A_581, %get3A_582, %get3A_583] {strides = array<i32>} : memref<2x56x224xf32, #tpu.memory_space<vmem>>, vector<1x1x16xf32>,
      %get3A_585 = vector.shape_cast %get3A_584 : vector<1x1x16xf32> to vector<16xf32>
      %mul3A_586 = arith.mulf %get3A_4, %get3A_585 : vector<16xf32>
      %get3A_587 = arith.constant 1 : i32
      %get3A_588 = arith.index_cast %get3A_587 : i32 to index
      %get3A_589 = arith.index_cast %scan3A_338 : i32 to index
      %get3A_590 = arith.constant 176 : index
      %get3A_591 = tpu.vector_load %arg9[%get3A_588, %get3A_589, %get3A_590] {strides = array<i32>} : memref<2x56x224xf32, #tpu.memory_space<vmem>>, vector<1x1x16xf32>,
      %get3A_592 = vector.shape_cast %get3A_591 : vector<1x1x16xf32> to vector<16xf32>
      %mul3A_593 = arith.mulf %sub3A_6, %get3A_592 : vector<16xf32>
      %add3A_594 = arith.addf %mul3A_586, %mul3A_593 : vector<16xf32>
      %swap3A_595 = arith.constant 1 : i32
      %swap3A_596 = arith.index_cast %swap3A_595 : i32 to index
      %swap3A_597 = arith.index_cast %scan3A_338 : i32 to index
      %swap3A_598 = arith.constant 176 : index
      %swap3A_599 = tpu.vector_load %arg10[%swap3A_596, %swap3A_597, %swap3A_598] {strides = array<i32>} : memref<2x56x224xf32, #tpu.memory_space<vmem>>, vector<1x1x16xf32>,
      %swap3A_600 = vector.shape_cast %swap3A_599 : vector<1x1x16xf32> to vector<16xf32>
      %swap3A_601 = vector.shape_cast %add3A_594 : vector<16xf32> to vector<1x1x16xf32>
      tpu.vector_store %arg10[%swap3A_596, %swap3A_597, %swap3A_598], %swap3A_601 {strides = array<i32>} : memref<2x56x224xf32, #tpu.memory_space<vmem>>, vector<1x1x16xf32>,
      %get3A_602 = arith.constant 1 : i32
      %get3A_603 = arith.index_cast %get3A_602 : i32 to index
      %get3A_604 = arith.index_cast %scan3A_338 : i32 to index
      %get3A_605 = arith.constant 192 : index
      %get3A_606 = tpu.vector_load %arg8[%get3A_603, %get3A_604, %get3A_605] {strides = array<i32>} : memref<2x56x224xf32, #tpu.memory_space<vmem>>, vector<1x1x16xf32>,
      %get3A_607 = vector.shape_cast %get3A_606 : vector<1x1x16xf32> to vector<16xf32>
      %mul3A_608 = arith.mulf %get3A_4, %get3A_607 : vector<16xf32>
      %get3A_609 = arith.constant 1 : i32
      %get3A_610 = arith.index_cast %get3A_609 : i32 to index
      %get3A_611 = arith.index_cast %scan3A_338 : i32 to index
      %get3A_612 = arith.constant 192 : index
      %get3A_613 = tpu.vector_load %arg9[%get3A_610, %get3A_611, %get3A_612] {strides = array<i32>} : memref<2x56x224xf32, #tpu.memory_space<vmem>>, vector<1x1x16xf32>,
      %get3A_614 = vector.shape_cast %get3A_613 : vector<1x1x16xf32> to vector<16xf32>
      %mul3A_615 = arith.mulf %sub3A_6, %get3A_614 : vector<16xf32>
      %add3A_616 = arith.addf %mul3A_608, %mul3A_615 : vector<16xf32>
      %swap3A_617 = arith.constant 1 : i32
      %swap3A_618 = arith.index_cast %swap3A_617 : i32 to index
      %swap3A_619 = arith.index_cast %scan3A_338 : i32 to index
      %swap3A_620 = arith.constant 192 : index
      %swap3A_621 = tpu.vector_load %arg10[%swap3A_618, %swap3A_619, %swap3A_620] {strides = array<i32>} : memref<2x56x224xf32, #tpu.memory_space<vmem>>, vector<1x1x16xf32>,
      %swap3A_622 = vector.shape_cast %swap3A_621 : vector<1x1x16xf32> to vector<16xf32>
      %swap3A_623 = vector.shape_cast %add3A_616 : vector<16xf32> to vector<1x1x16xf32>
      tpu.vector_store %arg10[%swap3A_618, %swap3A_619, %swap3A_620], %swap3A_623 {strides = array<i32>} : memref<2x56x224xf32, #tpu.memory_space<vmem>>, vector<1x1x16xf32>,
      %get3A_624 = arith.constant 1 : i32
      %get3A_625 = arith.index_cast %get3A_624 : i32 to index
      %get3A_626 = arith.index_cast %scan3A_338 : i32 to index
      %get3A_627 = arith.constant 208 : index
      %get3A_628 = tpu.vector_load %arg8[%get3A_625, %get3A_626, %get3A_627] {strides = array<i32>} : memref<2x56x224xf32, #tpu.memory_space<vmem>>, vector<1x1x16xf32>,
      %get3A_629 = vector.shape_cast %get3A_628 : vector<1x1x16xf32> to vector<16xf32>
      %mul3A_630 = arith.mulf %get3A_4, %get3A_629 : vector<16xf32>
      %get3A_631 = arith.constant 1 : i32
      %get3A_632 = arith.index_cast %get3A_631 : i32 to index
      %get3A_633 = arith.index_cast %scan3A_338 : i32 to index
      %get3A_634 = arith.constant 208 : index
      %get3A_635 = tpu.vector_load %arg9[%get3A_632, %get3A_633, %get3A_634] {strides = array<i32>} : memref<2x56x224xf32, #tpu.memory_space<vmem>>, vector<1x1x16xf32>,
      %get3A_636 = vector.shape_cast %get3A_635 : vector<1x1x16xf32> to vector<16xf32>
      %mul3A_637 = arith.mulf %sub3A_6, %get3A_636 : vector<16xf32>
      %add3A_638 = arith.addf %mul3A_630, %mul3A_637 : vector<16xf32>
      %swap3A_639 = arith.constant 1 : i32
      %swap3A_640 = arith.index_cast %swap3A_639 : i32 to index
      %swap3A_641 = arith.index_cast %scan3A_338 : i32 to index
      %swap3A_642 = arith.constant 208 : index
      %swap3A_643 = tpu.vector_load %arg10[%swap3A_640, %swap3A_641, %swap3A_642] {strides = array<i32>} : memref<2x56x224xf32, #tpu.memory_space<vmem>>, vector<1x1x16xf32>,
      %swap3A_644 = vector.shape_cast %swap3A_643 : vector<1x1x16xf32> to vector<16xf32>
      %swap3A_645 = vector.shape_cast %add3A_638 : vector<16xf32> to vector<1x1x16xf32>
      tpu.vector_store %arg10[%swap3A_640, %swap3A_641, %swap3A_642], %swap3A_645 {strides = array<i32>} : memref<2x56x224xf32, #tpu.memory_space<vmem>>, vector<1x1x16xf32>,
    }
    %scan3A_233 = arith.constant 56 : i32
    %add3A_234 = arith.constant 1 : i32
    %add3A_235 = arith.addi %mul3A_2, %add3A_234 : i32
    %dma_start3A_236 = arith.constant 1 : i32
    %dma_start3A_237 = arith.constant 0 : i32
    %dma_start3A_238 = arith.constant 0 : i32
    %dma_start3A_239 = tpu.memref_slice %arg10[%dma_start3A_236, %dma_start3A_237, %dma_start3A_238] : memref<2x56x224xf32, #tpu.memory_space<vmem>> -> memref<1x56x224xf32, #tpu.memory_space<vmem>>
    %dma_start3A_240 = tpu.memref_squeeze %dma_start3A_239 : memref<1x56x224xf32, #tpu.memory_space<vmem>> -> memref<56x224xf32, #tpu.memory_space<vmem>>
    %dma_start3A_241 = arith.constant 0 : i32
    %dma_start3A_242 = arith.constant 0 : i32
    %dma_start3A_243 = tpu.memref_slice %arg5[%add3A_235, %dma_start3A_241, %dma_start3A_242] : memref<3072x56x224xf32, #tpu.memory_space<hbm>> -> memref<1x56x224xf32, #tpu.memory_space<hbm>>
    %dma_start3A_244 = tpu.memref_squeeze %dma_start3A_243 : memref<1x56x224xf32, #tpu.memory_space<hbm>> -> memref<56x224xf32, #tpu.memory_space<hbm>>
    %dma_start3A_245 = arith.constant 0 : i32
    %dma_start3A_246 = arith.constant 0 : i32
    %dma_start3A_247 = tpu.memref_slice %arg5[%add3A_235, %dma_start3A_245, %dma_start3A_246] : memref<3072x56x224xf32, #tpu.memory_space<hbm>> -> memref<1x56x224xf32, #tpu.memory_space<hbm>>
    %dma_start3A_248 = tpu.memref_squeeze %dma_start3A_247 : memref<1x56x224xf32, #tpu.memory_space<hbm>> -> memref<56x224xf32, #tpu.memory_space<hbm>>
    %dma_start3A_249 = arith.constant 0 : i32
    %dma_start3A_250 = arith.constant 0 : i32
    %dma_start3A_251 = tpu.memref_slice %arg10[%dma_start3A_236, %dma_start3A_249, %dma_start3A_250] : memref<2x56x224xf32, #tpu.memory_space<vmem>> -> memref<1x56x224xf32, #tpu.memory_space<vmem>>
    %dma_start3A_252 = tpu.memref_squeeze %dma_start3A_251 : memref<1x56x224xf32, #tpu.memory_space<vmem>> -> memref<56x224xf32, #tpu.memory_space<vmem>>
    tpu.enqueue_dma source(%dma_start3A_252 : memref<56x224xf32, #tpu.memory_space<vmem>>) target(%dma_start3A_248 : memref<56x224xf32, #tpu.memory_space<hbm>>) target_semaphore(%arg13 : memref<!tpu.dma_semaphore, #tpu.memory_space<semaphore_mem>>)
    %add3A_253 = arith.constant 3 : i32
    %add3A_254 = arith.addi %mul3A_2, %add3A_253 : i32
    %dma_start3A_255 = arith.constant 1 : i32
    %dma_start3A_256 = arith.constant 0 : i32
    %dma_start3A_257 = arith.constant 0 : i32
    %dma_start3A_258 = tpu.memref_slice %arg8[%dma_start3A_255, %dma_start3A_256, %dma_start3A_257] : memref<2x56x224xf32, #tpu.memory_space<vmem>> -> memref<1x56x224xf32, #tpu.memory_space<vmem>>
    %dma_start3A_259 = tpu.memref_squeeze %dma_start3A_258 : memref<1x56x224xf32, #tpu.memory_space<vmem>> -> memref<56x224xf32, #tpu.memory_space<vmem>>
    %dma_start3A_260 = arith.constant 0 : i32
    %dma_start3A_261 = arith.constant 0 : i32
    %dma_start3A_262 = tpu.memref_slice %arg2[%add3A_254, %dma_start3A_260, %dma_start3A_261] : memref<3072x56x224xf32, #tpu.memory_space<hbm>> -> memref<1x56x224xf32, #tpu.memory_space<hbm>>
    %dma_start3A_263 = tpu.memref_squeeze %dma_start3A_262 : memref<1x56x224xf32, #tpu.memory_space<hbm>> -> memref<56x224xf32, #tpu.memory_space<hbm>>
    %dma_start3A_264 = arith.constant 0 : i32
    %dma_start3A_265 = arith.constant 0 : i32
    %dma_start3A_266 = tpu.memref_slice %arg8[%dma_start3A_255, %dma_start3A_264, %dma_start3A_265] : memref<2x56x224xf32, #tpu.memory_space<vmem>> -> memref<1x56x224xf32, #tpu.memory_space<vmem>>
    %dma_start3A_267 = tpu.memref_squeeze %dma_start3A_266 : memref<1x56x224xf32, #tpu.memory_space<vmem>> -> memref<56x224xf32, #tpu.memory_space<vmem>>
    %dma_start3A_268 = arith.constant 0 : i32
    %dma_start3A_269 = arith.constant 0 : i32
    %dma_start3A_270 = tpu.memref_slice %arg2[%add3A_254, %dma_start3A_268, %dma_start3A_269] : memref<3072x56x224xf32, #tpu.memory_space<hbm>> -> memref<1x56x224xf32, #tpu.memory_space<hbm>>
    %dma_start3A_271 = tpu.memref_squeeze %dma_start3A_270 : memref<1x56x224xf32, #tpu.memory_space<hbm>> -> memref<56x224xf32, #tpu.memory_space<hbm>>
    tpu.enqueue_dma source(%dma_start3A_271 : memref<56x224xf32, #tpu.memory_space<hbm>>) target(%dma_start3A_267 : memref<56x224xf32, #tpu.memory_space<vmem>>) target_semaphore(%arg11 : memref<!tpu.dma_semaphore, #tpu.memory_space<semaphore_mem>>)
    %get3A_272 = arith.constant 3 : i32
    %get3A_273 = arith.index_cast %get3A_272 : i32 to index
    %get3A_274 = arith.constant 0 : index
    %get3A_275 = tpu.vector_load %arg6[%get3A_273, %get3A_274] {strides = array<i32>} : memref<96x16xi32, #tpu.memory_space<vmem>>, vector<1x16xi32>,
    %get3A_276 = vector.shape_cast %get3A_275 : vector<1x16xi32> to vector<16xi32>
    %slice3A_277 = vector.extract_strided_slice %get3A_276 {offsets = [0], sizes = [1], strides = [1]} : vector<16xi32> to vector<1xi32>
    %squeeze3A_278 = vector.extract %slice3A_277[0] : i32 from vector<1xi32>
    %dma_start3A_279 = arith.constant 1 : i32
    %dma_start3A_280 = arith.constant 0 : i32
    %dma_start3A_281 = arith.constant 0 : i32
    %dma_start3A_282 = tpu.memref_slice %arg9[%dma_start3A_279, %dma_start3A_280, %dma_start3A_281] : memref<2x56x224xf32, #tpu.memory_space<vmem>> -> memref<1x56x224xf32, #tpu.memory_space<vmem>>
    %dma_start3A_283 = tpu.memref_squeeze %dma_start3A_282 : memref<1x56x224xf32, #tpu.memory_space<vmem>> -> memref<56x224xf32, #tpu.memory_space<vmem>>
    %dma_start3A_284 = arith.constant 0 : i32
    %dma_start3A_285 = arith.constant 0 : i32
    %dma_start3A_286 = tpu.memref_slice %arg2[%squeeze3A_278, %dma_start3A_284, %dma_start3A_285] : memref<3072x56x224xf32, #tpu.memory_space<hbm>> -> memref<1x56x224xf32, #tpu.memory_space<hbm>>
    %dma_start3A_287 = tpu.memref_squeeze %dma_start3A_286 : memref<1x56x224xf32, #tpu.memory_space<hbm>> -> memref<56x224xf32, #tpu.memory_space<hbm>>
    %dma_start3A_288 = arith.constant 0 : i32
    %dma_start3A_289 = arith.constant 0 : i32
    %dma_start3A_290 = tpu.memref_slice %arg9[%dma_start3A_279, %dma_start3A_288, %dma_start3A_289] : memref<2x56x224xf32, #tpu.memory_space<vmem>> -> memref<1x56x224xf32, #tpu.memory_space<vmem>>
    %dma_start3A_291 = tpu.memref_squeeze %dma_start3A_290 : memref<1x56x224xf32, #tpu.memory_space<vmem>> -> memref<56x224xf32, #tpu.memory_space<vmem>>
    %dma_start3A_292 = arith.constant 0 : i32
    %dma_start3A_293 = arith.constant 0 : i32
    %dma_start3A_294 = tpu.memref_slice %arg2[%squeeze3A_278, %dma_start3A_292, %dma_start3A_293] : memref<3072x56x224xf32, #tpu.memory_space<hbm>> -> memref<1x56x224xf32, #tpu.memory_space<hbm>>
    %dma_start3A_295 = tpu.memref_squeeze %dma_start3A_294 : memref<1x56x224xf32, #tpu.memory_space<hbm>> -> memref<56x224xf32, #tpu.memory_space<hbm>>
    tpu.enqueue_dma source(%dma_start3A_295 : memref<56x224xf32, #tpu.memory_space<hbm>>) target(%dma_start3A_291 : memref<56x224xf32, #tpu.memory_space<vmem>>) target_semaphore(%arg12 : memref<!tpu.dma_semaphore, #tpu.memory_space<semaphore_mem>>)
    %scan3A_296 = arith.constant 0 : i32
    %scan3A_297 = arith.constant 1 : i32
    %scan3A_298 = arith.constant 47 : i32
    %scan3A_299 = arith.addi %scan3A_297, %scan3A_298 : i32
    %scan3A_300 = arith.constant 1 : i32
    scf.for %scan3A_338 = %scan3A_297 to %scan3A_299 step %scan3A_300  : i32 {
      %mul3A_339 = arith.constant 2 : i32
      %mul3A_340 = arith.muli %mul3A_339, %scan3A_338 : i32
      %add3A_341 = arith.constant 0 : i32
      %add3A_342 = arith.addi %mul3A_340, %add3A_341 : i32
      %dma_wait3A_343 = arith.constant 0 : i32
      %dma_wait3A_344 = arith.constant 0 : i32
      %dma_wait3A_345 = arith.constant 0 : i32
      %dma_wait3A_346 = arith.constant 0 : i32
      %dma_wait3A_347 = tpu.memref_slice %arg8[%dma_wait3A_344, %dma_wait3A_345, %dma_wait3A_346] : memref<2x56x224xf32, #tpu.memory_space<vmem>> -> memref<1x56x224xf32, #tpu.memory_space<vmem>>
      %dma_wait3A_348 = tpu.memref_squeeze %dma_wait3A_347 : memref<1x56x224xf32, #tpu.memory_space<vmem>> -> memref<56x224xf32, #tpu.memory_space<vmem>>
      %dma_wait3A_349 = arith.constant 0 : i32
      %dma_wait3A_350 = arith.constant 0 : i32
      %dma_wait3A_351 = tpu.memref_slice %arg2[%dma_wait3A_343, %dma_wait3A_349, %dma_wait3A_350] : memref<3072x56x224xf32, #tpu.memory_space<hbm>> -> memref<1x56x224xf32, #tpu.memory_space<hbm>>
      %dma_wait3A_352 = tpu.memref_squeeze %dma_wait3A_351 : memref<1x56x224xf32, #tpu.memory_space<hbm>> -> memref<56x224xf32, #tpu.memory_space<hbm>>
      %dma_wait3A_353 = arith.constant 0 : i32
      %dma_wait3A_354 = arith.constant 0 : i32
      %dma_wait3A_355 = tpu.memref_slice %arg8[%dma_wait3A_344, %dma_wait3A_353, %dma_wait3A_354] : memref<2x56x224xf32, #tpu.memory_space<vmem>> -> memref<1x56x224xf32, #tpu.memory_space<vmem>>
      %dma_wait3A_356 = tpu.memref_squeeze %dma_wait3A_355 : memref<1x56x224xf32, #tpu.memory_space<vmem>> -> memref<56x224xf32, #tpu.memory_space<vmem>>
      %dma_wait3A_357 = arith.constant 0 : i32
      %dma_wait3A_358 = arith.constant 0 : i32
      %dma_wait3A_359 = tpu.memref_slice %arg2[%dma_wait3A_343, %dma_wait3A_357, %dma_wait3A_358] : memref<3072x56x224xf32, #tpu.memory_space<hbm>> -> memref<1x56x224xf32, #tpu.memory_space<hbm>>
      %dma_wait3A_360 = tpu.memref_squeeze %dma_wait3A_359 : memref<1x56x224xf32, #tpu.memory_space<hbm>> -> memref<56x224xf32, #tpu.memory_space<hbm>>
      tpu.wait_dma2 semaphore(%arg11 : memref<!tpu.dma_semaphore, #tpu.memory_space<semaphore_mem>>) src(%dma_wait3A_360 : memref<56x224xf32, #tpu.memory_space<hbm>>) dst(%dma_wait3A_356 : memref<56x224xf32, #tpu.memory_space<vmem>>)
      %dma_wait3A_361 = arith.constant 0 : i32
      %dma_wait3A_362 = arith.constant 0 : i32
      %dma_wait3A_363 = arith.constant 0 : i32
      %dma_wait3A_364 = arith.constant 0 : i32
      %dma_wait3A_365 = tpu.memref_slice %arg9[%dma_wait3A_362, %dma_wait3A_363, %dma_wait3A_364] : memref<2x56x224xf32, #tpu.memory_space<vmem>> -> memref<1x56x224xf32, #tpu.memory_space<vmem>>
      %dma_wait3A_366 = tpu.memref_squeeze %dma_wait3A_365 : memref<1x56x224xf32, #tpu.memory_space<vmem>> -> memref<56x224xf32, #tpu.memory_space<vmem>>
      %dma_wait3A_367 = arith.constant 0 : i32
      %dma_wait3A_368 = arith.constant 0 : i32
      %dma_wait3A_369 = tpu.memref_slice %arg2[%dma_wait3A_361, %dma_wait3A_367, %dma_wait3A_368] : memref<3072x56x224xf32, #tpu.memory_space<hbm>> -> memref<1x56x224xf32, #tpu.memory_space<hbm>>
      %dma_wait3A_370 = tpu.memref_squeeze %dma_wait3A_369 : memref<1x56x224xf32, #tpu.memory_space<hbm>> -> memref<56x224xf32, #tpu.memory_space<hbm>>
      %dma_wait3A_371 = arith.constant 0 : i32
      %dma_wait3A_372 = arith.constant 0 : i32
      %dma_wait3A_373 = tpu.memref_slice %arg9[%dma_wait3A_362, %dma_wait3A_371, %dma_wait3A_372] : memref<2x56x224xf32, #tpu.memory_space<vmem>> -> memref<1x56x224xf32, #tpu.memory_space<vmem>>
      %dma_wait3A_374 = tpu.memref_squeeze %dma_wait3A_373 : memref<1x56x224xf32, #tpu.memory_space<vmem>> -> memref<56x224xf32, #tpu.memory_space<vmem>>
      %dma_wait3A_375 = arith.constant 0 : i32
      %dma_wait3A_376 = arith.constant 0 : i32
      %dma_wait3A_377 = tpu.memref_slice %arg2[%dma_wait3A_361, %dma_wait3A_375, %dma_wait3A_376] : memref<3072x56x224xf32, #tpu.memory_space<hbm>> -> memref<1x56x224xf32, #tpu.memory_space<hbm>>
      %dma_wait3A_378 = tpu.memref_squeeze %dma_wait3A_377 : memref<1x56x224xf32, #tpu.memory_space<hbm>> -> memref<56x224xf32, #tpu.memory_space<hbm>>
      tpu.wait_dma2 semaphore(%arg12 : memref<!tpu.dma_semaphore, #tpu.memory_space<semaphore_mem>>) src(%dma_wait3A_378 : memref<56x224xf32, #tpu.memory_space<hbm>>) dst(%dma_wait3A_374 : memref<56x224xf32, #tpu.memory_space<vmem>>)
      %dma_wait3A_379 = arith.constant 0 : i32
      %dma_wait3A_380 = arith.constant 0 : i32
      %dma_wait3A_381 = arith.constant 0 : i32
      %dma_wait3A_382 = arith.constant 0 : i32
      %dma_wait3A_383 = tpu.memref_slice %arg10[%dma_wait3A_379, %dma_wait3A_381, %dma_wait3A_382] : memref<2x56x224xf32, #tpu.memory_space<vmem>> -> memref<1x56x224xf32, #tpu.memory_space<vmem>>
      %dma_wait3A_384 = tpu.memref_squeeze %dma_wait3A_383 : memref<1x56x224xf32, #tpu.memory_space<vmem>> -> memref<56x224xf32, #tpu.memory_space<vmem>>
      %dma_wait3A_385 = arith.constant 0 : i32
      %dma_wait3A_386 = arith.constant 0 : i32
      %dma_wait3A_387 = tpu.memref_slice %arg5[%dma_wait3A_380, %dma_wait3A_385, %dma_wait3A_386] : memref<3072x56x224xf32, #tpu.memory_space<hbm>> -> memref<1x56x224xf32, #tpu.memory_space<hbm>>
      %dma_wait3A_388 = tpu.memref_squeeze %dma_wait3A_387 : memref<1x56x224xf32, #tpu.memory_space<hbm>> -> memref<56x224xf32, #tpu.memory_space<hbm>>
      %dma_wait3A_389 = arith.constant 0 : i32
      %dma_wait3A_390 = arith.constant 0 : i32
      %dma_wait3A_391 = tpu.memref_slice %arg5[%dma_wait3A_380, %dma_wait3A_389, %dma_wait3A_390] : memref<3072x56x224xf32, #tpu.memory_space<hbm>> -> memref<1x56x224xf32, #tpu.memory_space<hbm>>
      %dma_wait3A_392 = tpu.memref_squeeze %dma_wait3A_391 : memref<1x56x224xf32, #tpu.memory_space<hbm>> -> memref<56x224xf32, #tpu.memory_space<hbm>>
      %dma_wait3A_393 = arith.constant 0 : i32
      %dma_wait3A_394 = arith.constant 0 : i32
      %dma_wait3A_395 = tpu.memref_slice %arg10[%dma_wait3A_379, %dma_wait3A_393, %dma_wait3A_394] : memref<2x56x224xf32, #tpu.memory_space<vmem>> -> memref<1x56x224xf32, #tpu.memory_space<vmem>>
      %dma_wait3A_396 = tpu.memref_squeeze %dma_wait3A_395 : memref<1x56x224xf32, #tpu.memory_space<vmem>> -> memref<56x224xf32, #tpu.memory_space<vmem>>
      tpu.wait_dma2 semaphore(%arg13 : memref<!tpu.dma_semaphore, #tpu.memory_space<semaphore_mem>>) src(%dma_wait3A_396 : memref<56x224xf32, #tpu.memory_space<vmem>>) dst(%dma_wait3A_392 : memref<56x224xf32, #tpu.memory_space<hbm>>)
      %scan3A_397 = arith.constant 0 : i32
      %scan3A_398 = arith.constant 0 : i32
      %scan3A_399 = arith.constant 56 : i32
      %scan3A_400 = arith.addi %scan3A_398, %scan3A_399 : i32
      %scan3A_401 = arith.constant 1 : i32
      scf.for %scan3A_514 = %scan3A_398 to %scan3A_400 step %scan3A_401  : i32 {
        %get3A_515 = arith.constant 0 : i32
        %get3A_516 = arith.index_cast %get3A_515 : i32 to index
        %get3A_517 = arith.index_cast %scan3A_514 : i32 to index
        %get3A_518 = arith.constant 0 : index
        %get3A_519 = tpu.vector_load %arg8[%get3A_516, %get3A_517, %get3A_518] {strides = array<i32>} : memref<2x56x224xf32, #tpu.memory_space<vmem>>, vector<1x1x16xf32>,
        %get3A_520 = vector.shape_cast %get3A_519 : vector<1x1x16xf32> to vector<16xf32>
        %mul3A_521 = arith.mulf %get3A_4, %get3A_520 : vector<16xf32>
        %get3A_522 = arith.constant 0 : i32
        %get3A_523 = arith.index_cast %get3A_522 : i32 to index
        %get3A_524 = arith.index_cast %scan3A_514 : i32 to index
        %get3A_525 = arith.constant 0 : index
        %get3A_526 = tpu.vector_load %arg9[%get3A_523, %get3A_524, %get3A_525] {strides = array<i32>} : memref<2x56x224xf32, #tpu.memory_space<vmem>>, vector<1x1x16xf32>,
        %get3A_527 = vector.shape_cast %get3A_526 : vector<1x1x16xf32> to vector<16xf32>
        %mul3A_528 = arith.mulf %sub3A_6, %get3A_527 : vector<16xf32>
        %add3A_529 = arith.addf %mul3A_521, %mul3A_528 : vector<16xf32>
        %swap3A = arith.constant 0 : i32
        %swap3A_530 = arith.index_cast %swap3A : i32 to index
        %swap3A_531 = arith.index_cast %scan3A_514 : i32 to index
        %swap3A_532 = arith.constant 0 : index
        %swap3A_533 = tpu.vector_load %arg10[%swap3A_530, %swap3A_531, %swap3A_532] {strides = array<i32>} : memref<2x56x224xf32, #tpu.memory_space<vmem>>, vector<1x1x16xf32>,
        %swap3A_534 = vector.shape_cast %swap3A_533 : vector<1x1x16xf32> to vector<16xf32>
        %swap3A_535 = vector.shape_cast %add3A_529 : vector<16xf32> to vector<1x1x16xf32>
        tpu.vector_store %arg10[%swap3A_530, %swap3A_531, %swap3A_532], %swap3A_535 {strides = array<i32>} : memref<2x56x224xf32, #tpu.memory_space<vmem>>, vector<1x1x16xf32>,
        %get3A_536 = arith.constant 0 : i32
        %get3A_537 = arith.index_cast %get3A_536 : i32 to index
        %get3A_538 = arith.index_cast %scan3A_514 : i32 to index
        %get3A_539 = arith.constant 16 : index
        %get3A_540 = tpu.vector_load %arg8[%get3A_537, %get3A_538, %get3A_539] {strides = array<i32>} : memref<2x56x224xf32, #tpu.memory_space<vmem>>, vector<1x1x16xf32>,
        %get3A_541 = vector.shape_cast %get3A_540 : vector<1x1x16xf32> to vector<16xf32>
        %mul3A_542 = arith.mulf %get3A_4, %get3A_541 : vector<16xf32>
        %get3A_543 = arith.constant 0 : i32
        %get3A_544 = arith.index_cast %get3A_543 : i32 to index
        %get3A_545 = arith.index_cast %scan3A_514 : i32 to index
        %get3A_546 = arith.constant 16 : index
        %get3A_547 = tpu.vector_load %arg9[%get3A_544, %get3A_545, %get3A_546] {strides = array<i32>} : memref<2x56x224xf32, #tpu.memory_space<vmem>>, vector<1x1x16xf32>,
        %get3A_548 = vector.shape_cast %get3A_547 : vector<1x1x16xf32> to vector<16xf32>
        %mul3A_549 = arith.mulf %sub3A_6, %get3A_548 : vector<16xf32>
        %add3A_550 = arith.addf %mul3A_542, %mul3A_549 : vector<16xf32>
        %swap3A_551 = arith.constant 0 : i32
        %swap3A_552 = arith.index_cast %swap3A_551 : i32 to index
        %swap3A_553 = arith.index_cast %scan3A_514 : i32 to index
        %swap3A_554 = arith.constant 16 : index
        %swap3A_555 = tpu.vector_load %arg10[%swap3A_552, %swap3A_553, %swap3A_554] {strides = array<i32>} : memref<2x56x224xf32, #tpu.memory_space<vmem>>, vector<1x1x16xf32>,
        %swap3A_556 = vector.shape_cast %swap3A_555 : vector<1x1x16xf32> to vector<16xf32>
        %swap3A_557 = vector.shape_cast %add3A_550 : vector<16xf32> to vector<1x1x16xf32>
        tpu.vector_store %arg10[%swap3A_552, %swap3A_553, %swap3A_554], %swap3A_557 {strides = array<i32>} : memref<2x56x224xf32, #tpu.memory_space<vmem>>, vector<1x1x16xf32>,
        %get3A_558 = arith.constant 0 : i32
        %get3A_559 = arith.index_cast %get3A_558 : i32 to index
        %get3A_560 = arith.index_cast %scan3A_514 : i32 to index
        %get3A_561 = arith.constant 32 : index
        %get3A_562 = tpu.vector_load %arg8[%get3A_559, %get3A_560, %get3A_561] {strides = array<i32>} : memref<2x56x224xf32, #tpu.memory_space<vmem>>, vector<1x1x16xf32>,
        %get3A_563 = vector.shape_cast %get3A_562 : vector<1x1x16xf32> to vector<16xf32>
        %mul3A_564 = arith.mulf %get3A_4, %get3A_563 : vector<16xf32>
        %get3A_565 = arith.constant 0 : i32
        %get3A_566 = arith.index_cast %get3A_565 : i32 to index
        %get3A_567 = arith.index_cast %scan3A_514 : i32 to index
        %get3A_568 = arith.constant 32 : index
        %get3A_569 = tpu.vector_load %arg9[%get3A_566, %get3A_567, %get3A_568] {strides = array<i32>} : memref<2x56x224xf32, #tpu.memory_space<vmem>>, vector<1x1x16xf32>,
        %get3A_570 = vector.shape_cast %get3A_569 : vector<1x1x16xf32> to vector<16xf32>
        %mul3A_571 = arith.mulf %sub3A_6, %get3A_570 : vector<16xf32>
        %add3A_572 = arith.addf %mul3A_564, %mul3A_571 : vector<16xf32>
        %swap3A_573 = arith.constant 0 : i32
        %swap3A_574 = arith.index_cast %swap3A_573 : i32 to index
        %swap3A_575 = arith.index_cast %scan3A_514 : i32 to index
        %swap3A_576 = arith.constant 32 : index
        %swap3A_577 = tpu.vector_load %arg10[%swap3A_574, %swap3A_575, %swap3A_576] {strides = array<i32>} : memref<2x56x224xf32, #tpu.memory_space<vmem>>, vector<1x1x16xf32>,
        %swap3A_578 = vector.shape_cast %swap3A_577 : vector<1x1x16xf32> to vector<16xf32>
        %swap3A_579 = vector.shape_cast %add3A_572 : vector<16xf32> to vector<1x1x16xf32>
        tpu.vector_store %arg10[%swap3A_574, %swap3A_575, %swap3A_576], %swap3A_579 {strides = array<i32>} : memref<2x56x224xf32, #tpu.memory_space<vmem>>, vector<1x1x16xf32>,
        %get3A_580 = arith.constant 0 : i32
        %get3A_581 = arith.index_cast %get3A_580 : i32 to index
        %get3A_582 = arith.index_cast %scan3A_514 : i32 to index
        %get3A_583 = arith.constant 48 : index
        %get3A_584 = tpu.vector_load %arg8[%get3A_581, %get3A_582, %get3A_583] {strides = array<i32>} : memref<2x56x224xf32, #tpu.memory_space<vmem>>, vector<1x1x16xf32>,
        %get3A_585 = vector.shape_cast %get3A_584 : vector<1x1x16xf32> to vector<16xf32>
        %mul3A_586 = arith.mulf %get3A_4, %get3A_585 : vector<16xf32>
        %get3A_587 = arith.constant 0 : i32
        %get3A_588 = arith.index_cast %get3A_587 : i32 to index
        %get3A_589 = arith.index_cast %scan3A_514 : i32 to index
        %get3A_590 = arith.constant 48 : index
        %get3A_591 = tpu.vector_load %arg9[%get3A_588, %get3A_589, %get3A_590] {strides = array<i32>} : memref<2x56x224xf32, #tpu.memory_space<vmem>>, vector<1x1x16xf32>,
        %get3A_592 = vector.shape_cast %get3A_591 : vector<1x1x16xf32> to vector<16xf32>
        %mul3A_593 = arith.mulf %sub3A_6, %get3A_592 : vector<16xf32>
        %add3A_594 = arith.addf %mul3A_586, %mul3A_593 : vector<16xf32>
        %swap3A_595 = arith.constant 0 : i32
        %swap3A_596 = arith.index_cast %swap3A_595 : i32 to index
        %swap3A_597 = arith.index_cast %scan3A_514 : i32 to index
        %swap3A_598 = arith.constant 48 : index
        %swap3A_599 = tpu.vector_load %arg10[%swap3A_596, %swap3A_597, %swap3A_598] {strides = array<i32>} : memref<2x56x224xf32, #tpu.memory_space<vmem>>, vector<1x1x16xf32>,
        %swap3A_600 = vector.shape_cast %swap3A_599 : vector<1x1x16xf32> to vector<16xf32>
        %swap3A_601 = vector.shape_cast %add3A_594 : vector<16xf32> to vector<1x1x16xf32>
        tpu.vector_store %arg10[%swap3A_596, %swap3A_597, %swap3A_598], %swap3A_601 {strides = array<i32>} : memref<2x56x224xf32, #tpu.memory_space<vmem>>, vector<1x1x16xf32>,
        %get3A_602 = arith.constant 0 : i32
        %get3A_603 = arith.index_cast %get3A_602 : i32 to index
        %get3A_604 = arith.index_cast %scan3A_514 : i32 to index
        %get3A_605 = arith.constant 64 : index
        %get3A_606 = tpu.vector_load %arg8[%get3A_603, %get3A_604, %get3A_605] {strides = array<i32>} : memref<2x56x224xf32, #tpu.memory_space<vmem>>, vector<1x1x16xf32>,
        %get3A_607 = vector.shape_cast %get3A_606 : vector<1x1x16xf32> to vector<16xf32>
        %mul3A_608 = arith.mulf %get3A_4, %get3A_607 : vector<16xf32>
        %get3A_609 = arith.constant 0 : i32
        %get3A_610 = arith.index_cast %get3A_609 : i32 to index
        %get3A_611 = arith.index_cast %scan3A_514 : i32 to index
        %get3A_612 = arith.constant 64 : index
        %get3A_613 = tpu.vector_load %arg9[%get3A_610, %get3A_611, %get3A_612] {strides = array<i32>} : memref<2x56x224xf32, #tpu.memory_space<vmem>>, vector<1x1x16xf32>,
        %get3A_614 = vector.shape_cast %get3A_613 : vector<1x1x16xf32> to vector<16xf32>
        %mul3A_615 = arith.mulf %sub3A_6, %get3A_614 : vector<16xf32>
        %add3A_616 = arith.addf %mul3A_608, %mul3A_615 : vector<16xf32>
        %swap3A_617 = arith.constant 0 : i32
        %swap3A_618 = arith.index_cast %swap3A_617 : i32 to index
        %swap3A_619 = arith.index_cast %scan3A_514 : i32 to index
        %swap3A_620 = arith.constant 64 : index
        %swap3A_621 = tpu.vector_load %arg10[%swap3A_618, %swap3A_619, %swap3A_620] {strides = array<i32>} : memref<2x56x224xf32, #tpu.memory_space<vmem>>, vector<1x1x16xf32>,
        %swap3A_622 = vector.shape_cast %swap3A_621 : vector<1x1x16xf32> to vector<16xf32>
        %swap3A_623 = vector.shape_cast %add3A_616 : vector<16xf32> to vector<1x1x16xf32>
        tpu.vector_store %arg10[%swap3A_618, %swap3A_619, %swap3A_620], %swap3A_623 {strides = array<i32>} : memref<2x56x224xf32, #tpu.memory_space<vmem>>, vector<1x1x16xf32>,
        %get3A_624 = arith.constant 0 : i32
        %get3A_625 = arith.index_cast %get3A_624 : i32 to index
        %get3A_626 = arith.index_cast %scan3A_514 : i32 to index
        %get3A_627 = arith.constant 80 : index
        %get3A_628 = tpu.vector_load %arg8[%get3A_625, %get3A_626, %get3A_627] {strides = array<i32>} : memref<2x56x224xf32, #tpu.memory_space<vmem>>, vector<1x1x16xf32>,
        %get3A_629 = vector.shape_cast %get3A_628 : vector<1x1x16xf32> to vector<16xf32>
        %mul3A_630 = arith.mulf %get3A_4, %get3A_629 : vector<16xf32>
        %get3A_631 = arith.constant 0 : i32
        %get3A_632 = arith.index_cast %get3A_631 : i32 to index
        %get3A_633 = arith.index_cast %scan3A_514 : i32 to index
        %get3A_634 = arith.constant 80 : index
        %get3A_635 = tpu.vector_load %arg9[%get3A_632, %get3A_633, %get3A_634] {strides = array<i32>} : memref<2x56x224xf32, #tpu.memory_space<vmem>>, vector<1x1x16xf32>,
        %get3A_636 = vector.shape_cast %get3A_635 : vector<1x1x16xf32> to vector<16xf32>
        %mul3A_637 = arith.mulf %sub3A_6, %get3A_636 : vector<16xf32>
        %add3A_638 = arith.addf %mul3A_630, %mul3A_637 : vector<16xf32>
        %swap3A_639 = arith.constant 0 : i32
        %swap3A_640 = arith.index_cast %swap3A_639 : i32 to index
        %swap3A_641 = arith.index_cast %scan3A_514 : i32 to index
        %swap3A_642 = arith.constant 80 : index
        %swap3A_643 = tpu.vector_load %arg10[%swap3A_640, %swap3A_641, %swap3A_642] {strides = array<i32>} : memref<2x56x224xf32, #tpu.memory_space<vmem>>, vector<1x1x16xf32>,
        %swap3A_644 = vector.shape_cast %swap3A_643 : vector<1x1x16xf32> to vector<16xf32>
        %swap3A_645 = vector.shape_cast %add3A_638 : vector<16xf32> to vector<1x1x16xf32>
        tpu.vector_store %arg10[%swap3A_640, %swap3A_641, %swap3A_642], %swap3A_645 {strides = array<i32>} : memref<2x56x224xf32, #tpu.memory_space<vmem>>, vector<1x1x16xf32>,
        %get3A_646 = arith.constant 0 : i32
        %get3A_647 = arith.index_cast %get3A_646 : i32 to index
        %get3A_648 = arith.index_cast %scan3A_514 : i32 to index
        %get3A_649 = arith.constant 96 : index
        %get3A_650 = tpu.vector_load %arg8[%get3A_647, %get3A_648, %get3A_649] {strides = array<i32>} : memref<2x56x224xf32, #tpu.memory_space<vmem>>, vector<1x1x16xf32>,
        %get3A_651 = vector.shape_cast %get3A_650 : vector<1x1x16xf32> to vector<16xf32>
        %mul3A_652 = arith.mulf %get3A_4, %get3A_651 : vector<16xf32>
        %get3A_653 = arith.constant 0 : i32
        %get3A_654 = arith.index_cast %get3A_653 : i32 to index
        %get3A_655 = arith.index_cast %scan3A_514 : i32 to index
        %get3A_656 = arith.constant 96 : index
        %get3A_657 = tpu.vector_load %arg9[%get3A_654, %get3A_655, %get3A_656] {strides = array<i32>} : memref<2x56x224xf32, #tpu.memory_space<vmem>>, vector<1x1x16xf32>,
        %get3A_658 = vector.shape_cast %get3A_657 : vector<1x1x16xf32> to vector<16xf32>
        %mul3A_659 = arith.mulf %sub3A_6, %get3A_658 : vector<16xf32>
        %add3A_660 = arith.addf %mul3A_652, %mul3A_659 : vector<16xf32>
        %swap3A_661 = arith.constant 0 : i32
        %swap3A_662 = arith.index_cast %swap3A_661 : i32 to index
        %swap3A_663 = arith.index_cast %scan3A_514 : i32 to index
        %swap3A_664 = arith.constant 96 : index
        %swap3A_665 = tpu.vector_load %arg10[%swap3A_662, %swap3A_663, %swap3A_664] {strides = array<i32>} : memref<2x56x224xf32, #tpu.memory_space<vmem>>, vector<1x1x16xf32>,
        %swap3A_666 = vector.shape_cast %swap3A_665 : vector<1x1x16xf32> to vector<16xf32>
        %swap3A_667 = vector.shape_cast %add3A_660 : vector<16xf32> to vector<1x1x16xf32>
        tpu.vector_store %arg10[%swap3A_662, %swap3A_663, %swap3A_664], %swap3A_667 {strides = array<i32>} : memref<2x56x224xf32, #tpu.memory_space<vmem>>, vector<1x1x16xf32>,
        %get3A_668 = arith.constant 0 : i32
        %get3A_669 = arith.index_cast %get3A_668 : i32 to index
        %get3A_670 = arith.index_cast %scan3A_514 : i32 to index
        %get3A_671 = arith.constant 112 : index
        %get3A_672 = tpu.vector_load %arg8[%get3A_669, %get3A_670, %get3A_671] {strides = array<i32>} : memref<2x56x224xf32, #tpu.memory_space<vmem>>, vector<1x1x16xf32>,
        %get3A_673 = vector.shape_cast %get3A_672 : vector<1x1x16xf32> to vector<16xf32>
        %mul3A_674 = arith.mulf %get3A_4, %get3A_673 : vector<16xf32>
        %get3A_675 = arith.constant 0 : i32
        %get3A_676 = arith.index_cast %get3A_675 : i32 to index
        %get3A_677 = arith.index_cast %scan3A_514 : i32 to index
        %get3A_678 = arith.constant 112 : index
        %get3A_679 = tpu.vector_load %arg9[%get3A_676, %get3A_677, %get3A_678] {strides = array<i32>} : memref<2x56x224xf32, #tpu.memory_space<vmem>>, vector<1x1x16xf32>,
        %get3A_680 = vector.shape_cast %get3A_679 : vector<1x1x16xf32> to vector<16xf32>
        %mul3A_681 = arith.mulf %sub3A_6, %get3A_680 : vector<16xf32>
        %add3A_682 = arith.addf %mul3A_674, %mul3A_681 : vector<16xf32>
        %swap3A_683 = arith.constant 0 : i32
        %swap3A_684 = arith.index_cast %swap3A_683 : i32 to index
        %swap3A_685 = arith.index_cast %scan3A_514 : i32 to index
        %swap3A_686 = arith.constant 112 : index
        %swap3A_687 = tpu.vector_load %arg10[%swap3A_684, %swap3A_685, %swap3A_686] {strides = array<i32>} : memref<2x56x224xf32, #tpu.memory_space<vmem>>, vector<1x1x16xf32>,
        %swap3A_688 = vector.shape_cast %swap3A_687 : vector<1x1x16xf32> to vector<16xf32>
        %swap3A_689 = vector.shape_cast %add3A_682 : vector<16xf32> to vector<1x1x16xf32>
        tpu.vector_store %arg10[%swap3A_684, %swap3A_685, %swap3A_686], %swap3A_689 {strides = array<i32>} : memref<2x56x224xf32, #tpu.memory_space<vmem>>, vector<1x1x16xf32>,
        %get3A_690 = arith.constant 0 : i32
        %get3A_691 = arith.index_cast %get3A_690 : i32 to index
        %get3A_692 = arith.index_cast %scan3A_514 : i32 to index
        %get3A_693 = arith.constant 128 : index
        %get3A_694 = tpu.vector_load %arg8[%get3A_691, %get3A_692, %get3A_693] {strides = array<i32>} : memref<2x56x224xf32, #tpu.memory_space<vmem>>, vector<1x1x16xf32>,
        %get3A_695 = vector.shape_cast %get3A_694 : vector<1x1x16xf32> to vector<16xf32>
        %mul3A_696 = arith.mulf %get3A_4, %get3A_695 : vector<16xf32>
        %get3A_697 = arith.constant 0 : i32
        %get3A_698 = arith.index_cast %get3A_697 : i32 to index
        %get3A_699 = arith.index_cast %scan3A_514 : i32 to index
        %get3A_700 = arith.constant 128 : index
        %get3A_701 = tpu.vector_load %arg9[%get3A_698, %get3A_699, %get3A_700] {strides = array<i32>} : memref<2x56x224xf32, #tpu.memory_space<vmem>>, vector<1x1x16xf32>,
        %get3A_702 = vector.shape_cast %get3A_701 : vector<1x1x16xf32> to vector<16xf32>
        %mul3A_703 = arith.mulf %sub3A_6, %get3A_702 : vector<16xf32>
        %add3A_704 = arith.addf %mul3A_696, %mul3A_703 : vector<16xf32>
        %swap3A_705 = arith.constant 0 : i32
        %swap3A_706 = arith.index_cast %swap3A_705 : i32 to index
        %swap3A_707 = arith.index_cast %scan3A_514 : i32 to index
        %swap3A_708 = arith.constant 128 : index
        %swap3A_709 = tpu.vector_load %arg10[%swap3A_706, %swap3A_707, %swap3A_708] {strides = array<i32>} : memref<2x56x224xf32, #tpu.memory_space<vmem>>, vector<1x1x16xf32>,
        %swap3A_710 = vector.shape_cast %swap3A_709 : vector<1x1x16xf32> to vector<16xf32>
        %swap3A_711 = vector.shape_cast %add3A_704 : vector<16xf32> to vector<1x1x16xf32>
        tpu.vector_store %arg10[%swap3A_706, %swap3A_707, %swap3A_708], %swap3A_711 {strides = array<i32>} : memref<2x56x224xf32, #tpu.memory_space<vmem>>, vector<1x1x16xf32>,
        %get3A_712 = arith.constant 0 : i32
        %get3A_713 = arith.index_cast %get3A_712 : i32 to index
        %get3A_714 = arith.index_cast %scan3A_514 : i32 to index
        %get3A_715 = arith.constant 144 : index
        %get3A_716 = tpu.vector_load %arg8[%get3A_713, %get3A_714, %get3A_715] {strides = array<i32>} : memref<2x56x224xf32, #tpu.memory_space<vmem>>, vector<1x1x16xf32>,
        %get3A_717 = vector.shape_cast %get3A_716 : vector<1x1x16xf32> to vector<16xf32>
        %mul3A_718 = arith.mulf %get3A_4, %get3A_717 : vector<16xf32>
        %get3A_719 = arith.constant 0 : i32
        %get3A_720 = arith.index_cast %get3A_719 : i32 to index
        %get3A_721 = arith.index_cast %scan3A_514 : i32 to index
        %get3A_722 = arith.constant 144 : index
        %get3A_723 = tpu.vector_load %arg9[%get3A_720, %get3A_721, %get3A_722] {strides = array<i32>} : memref<2x56x224xf32, #tpu.memory_space<vmem>>, vector<1x1x16xf32>,
        %get3A_724 = vector.shape_cast %get3A_723 : vector<1x1x16xf32> to vector<16xf32>
        %mul3A_725 = arith.mulf %sub3A_6, %get3A_724 : vector<16xf32>
        %add3A_726 = arith.addf %mul3A_718, %mul3A_725 : vector<16xf32>
        %swap3A_727 = arith.constant 0 : i32
        %swap3A_728 = arith.index_cast %swap3A_727 : i32 to index
        %swap3A_729 = arith.index_cast %scan3A_514 : i32 to index
        %swap3A_730 = arith.constant 144 : index
        %swap3A_731 = tpu.vector_load %arg10[%swap3A_728, %swap3A_729, %swap3A_730] {strides = array<i32>} : memref<2x56x224xf32, #tpu.memory_space<vmem>>, vector<1x1x16xf32>,
        %swap3A_732 = vector.shape_cast %swap3A_731 : vector<1x1x16xf32> to vector<16xf32>
        %swap3A_733 = vector.shape_cast %add3A_726 : vector<16xf32> to vector<1x1x16xf32>
        tpu.vector_store %arg10[%swap3A_728, %swap3A_729, %swap3A_730], %swap3A_733 {strides = array<i32>} : memref<2x56x224xf32, #tpu.memory_space<vmem>>, vector<1x1x16xf32>,
        %get3A_734 = arith.constant 0 : i32
        %get3A_735 = arith.index_cast %get3A_734 : i32 to index
        %get3A_736 = arith.index_cast %scan3A_514 : i32 to index
        %get3A_737 = arith.constant 160 : index
        %get3A_738 = tpu.vector_load %arg8[%get3A_735, %get3A_736, %get3A_737] {strides = array<i32>} : memref<2x56x224xf32, #tpu.memory_space<vmem>>, vector<1x1x16xf32>,
        %get3A_739 = vector.shape_cast %get3A_738 : vector<1x1x16xf32> to vector<16xf32>
        %mul3A_740 = arith.mulf %get3A_4, %get3A_739 : vector<16xf32>
        %get3A_741 = arith.constant 0 : i32
        %get3A_742 = arith.index_cast %get3A_741 : i32 to index
        %get3A_743 = arith.index_cast %scan3A_514 : i32 to index
        %get3A_744 = arith.constant 160 : index
        %get3A_745 = tpu.vector_load %arg9[%get3A_742, %get3A_743, %get3A_744] {strides = array<i32>} : memref<2x56x224xf32, #tpu.memory_space<vmem>>, vector<1x1x16xf32>,
        %get3A_746 = vector.shape_cast %get3A_745 : vector<1x1x16xf32> to vector<16xf32>
        %mul3A_747 = arith.mulf %sub3A_6, %get3A_746 : vector<16xf32>
        %add3A_748 = arith.addf %mul3A_740, %mul3A_747 : vector<16xf32>
        %swap3A_749 = arith.constant 0 : i32
        %swap3A_750 = arith.index_cast %swap3A_749 : i32 to index
        %swap3A_751 = arith.index_cast %scan3A_514 : i32 to index
        %swap3A_752 = arith.constant 160 : index
        %swap3A_753 = tpu.vector_load %arg10[%swap3A_750, %swap3A_751, %swap3A_752] {strides = array<i32>} : memref<2x56x224xf32, #tpu.memory_space<vmem>>, vector<1x1x16xf32>,
        %swap3A_754 = vector.shape_cast %swap3A_753 : vector<1x1x16xf32> to vector<16xf32>
        %swap3A_755 = vector.shape_cast %add3A_748 : vector<16xf32> to vector<1x1x16xf32>
        tpu.vector_store %arg10[%swap3A_750, %swap3A_751, %swap3A_752], %swap3A_755 {strides = array<i32>} : memref<2x56x224xf32, #tpu.memory_space<vmem>>, vector<1x1x16xf32>,
        %get3A_756 = arith.constant 0 : i32
        %get3A_757 = arith.index_cast %get3A_756 : i32 to index
        %get3A_758 = arith.index_cast %scan3A_514 : i32 to index
        %get3A_759 = arith.constant 176 : index
        %get3A_760 = tpu.vector_load %arg8[%get3A_757, %get3A_758, %get3A_759] {strides = array<i32>} : memref<2x56x224xf32, #tpu.memory_space<vmem>>, vector<1x1x16xf32>,
        %get3A_761 = vector.shape_cast %get3A_760 : vector<1x1x16xf32> to vector<16xf32>
        %mul3A_762 = arith.mulf %get3A_4, %get3A_761 : vector<16xf32>
        %get3A_763 = arith.constant 0 : i32
        %get3A_764 = arith.index_cast %get3A_763 : i32 to index
        %get3A_765 = arith.index_cast %scan3A_514 : i32 to index
        %get3A_766 = arith.constant 176 : index
        %get3A_767 = tpu.vector_load %arg9[%get3A_764, %get3A_765, %get3A_766] {strides = array<i32>} : memref<2x56x224xf32, #tpu.memory_space<vmem>>, vector<1x1x16xf32>,
        %get3A_768 = vector.shape_cast %get3A_767 : vector<1x1x16xf32> to vector<16xf32>
        %mul3A_769 = arith.mulf %sub3A_6, %get3A_768 : vector<16xf32>
        %add3A_770 = arith.addf %mul3A_762, %mul3A_769 : vector<16xf32>
        %swap3A_771 = arith.constant 0 : i32
        %swap3A_772 = arith.index_cast %swap3A_771 : i32 to index
        %swap3A_773 = arith.index_cast %scan3A_514 : i32 to index
        %swap3A_774 = arith.constant 176 : index
        %swap3A_775 = tpu.vector_load %arg10[%swap3A_772, %swap3A_773, %swap3A_774] {strides = array<i32>} : memref<2x56x224xf32, #tpu.memory_space<vmem>>, vector<1x1x16xf32>,
        %swap3A_776 = vector.shape_cast %swap3A_775 : vector<1x1x16xf32> to vector<16xf32>
        %swap3A_777 = vector.shape_cast %add3A_770 : vector<16xf32> to vector<1x1x16xf32>
        tpu.vector_store %arg10[%swap3A_772, %swap3A_773, %swap3A_774], %swap3A_777 {strides = array<i32>} : memref<2x56x224xf32, #tpu.memory_space<vmem>>, vector<1x1x16xf32>,
        %get3A_778 = arith.constant 0 : i32
        %get3A_779 = arith.index_cast %get3A_778 : i32 to index
        %get3A_780 = arith.index_cast %scan3A_514 : i32 to index
        %get3A_781 = arith.constant 192 : index
        %get3A_782 = tpu.vector_load %arg8[%get3A_779, %get3A_780, %get3A_781] {strides = array<i32>} : memref<2x56x224xf32, #tpu.memory_space<vmem>>, vector<1x1x16xf32>,
        %get3A_783 = vector.shape_cast %get3A_782 : vector<1x1x16xf32> to vector<16xf32>
        %mul3A_784 = arith.mulf %get3A_4, %get3A_783 : vector<16xf32>
        %get3A_785 = arith.constant 0 : i32
        %get3A_786 = arith.index_cast %get3A_785 : i32 to index
        %get3A_787 = arith.index_cast %scan3A_514 : i32 to index
        %get3A_788 = arith.constant 192 : index
        %get3A_789 = tpu.vector_load %arg9[%get3A_786, %get3A_787, %get3A_788] {strides = array<i32>} : memref<2x56x224xf32, #tpu.memory_space<vmem>>, vector<1x1x16xf32>,
        %get3A_790 = vector.shape_cast %get3A_789 : vector<1x1x16xf32> to vector<16xf32>
        %mul3A_791 = arith.mulf %sub3A_6, %get3A_790 : vector<16xf32>
        %add3A_792 = arith.addf %mul3A_784, %mul3A_791 : vector<16xf32>
        %swap3A_793 = arith.constant 0 : i32
        %swap3A_794 = arith.index_cast %swap3A_793 : i32 to index
        %swap3A_795 = arith.index_cast %scan3A_514 : i32 to index
        %swap3A_796 = arith.constant 192 : index
        %swap3A_797 = tpu.vector_load %arg10[%swap3A_794, %swap3A_795, %swap3A_796] {strides = array<i32>} : memref<2x56x224xf32, #tpu.memory_space<vmem>>, vector<1x1x16xf32>,
        %swap3A_798 = vector.shape_cast %swap3A_797 : vector<1x1x16xf32> to vector<16xf32>
        %swap3A_799 = vector.shape_cast %add3A_792 : vector<16xf32> to vector<1x1x16xf32>
        tpu.vector_store %arg10[%swap3A_794, %swap3A_795, %swap3A_796], %swap3A_799 {strides = array<i32>} : memref<2x56x224xf32, #tpu.memory_space<vmem>>, vector<1x1x16xf32>,
        %get3A_800 = arith.constant 0 : i32
        %get3A_801 = arith.index_cast %get3A_800 : i32 to index
        %get3A_802 = arith.index_cast %scan3A_514 : i32 to index
        %get3A_803 = arith.constant 208 : index
        %get3A_804 = tpu.vector_load %arg8[%get3A_801, %get3A_802, %get3A_803] {strides = array<i32>} : memref<2x56x224xf32, #tpu.memory_space<vmem>>, vector<1x1x16xf32>,
        %get3A_805 = vector.shape_cast %get3A_804 : vector<1x1x16xf32> to vector<16xf32>
        %mul3A_806 = arith.mulf %get3A_4, %get3A_805 : vector<16xf32>
        %get3A_807 = arith.constant 0 : i32
        %get3A_808 = arith.index_cast %get3A_807 : i32 to index
        %get3A_809 = arith.index_cast %scan3A_514 : i32 to index
        %get3A_810 = arith.constant 208 : index
        %get3A_811 = tpu.vector_load %arg9[%get3A_808, %get3A_809, %get3A_810] {strides = array<i32>} : memref<2x56x224xf32, #tpu.memory_space<vmem>>, vector<1x1x16xf32>,
        %get3A_812 = vector.shape_cast %get3A_811 : vector<1x1x16xf32> to vector<16xf32>
        %mul3A_813 = arith.mulf %sub3A_6, %get3A_812 : vector<16xf32>
        %add3A_814 = arith.addf %mul3A_806, %mul3A_813 : vector<16xf32>
        %swap3A_815 = arith.constant 0 : i32
        %swap3A_816 = arith.index_cast %swap3A_815 : i32 to index
        %swap3A_817 = arith.index_cast %scan3A_514 : i32 to index
        %swap3A_818 = arith.constant 208 : index
        %swap3A_819 = tpu.vector_load %arg10[%swap3A_816, %swap3A_817, %swap3A_818] {strides = array<i32>} : memref<2x56x224xf32, #tpu.memory_space<vmem>>, vector<1x1x16xf32>,
        %swap3A_820 = vector.shape_cast %swap3A_819 : vector<1x1x16xf32> to vector<16xf32>
        %swap3A_821 = vector.shape_cast %add3A_814 : vector<16xf32> to vector<1x1x16xf32>
        tpu.vector_store %arg10[%swap3A_816, %swap3A_817, %swap3A_818], %swap3A_821 {strides = array<i32>} : memref<2x56x224xf32, #tpu.memory_space<vmem>>, vector<1x1x16xf32>,
      }
      %scan3A_402 = arith.constant 56 : i32
      %add3A_403 = arith.addi %mul3A_2, %add3A_342 : i32
      %dma_start3A_404 = arith.constant 0 : i32
      %dma_start3A_405 = arith.constant 0 : i32
      %dma_start3A_406 = arith.constant 0 : i32
      %dma_start3A_407 = tpu.memref_slice %arg10[%dma_start3A_404, %dma_start3A_405, %dma_start3A_406] : memref<2x56x224xf32, #tpu.memory_space<vmem>> -> memref<1x56x224xf32, #tpu.memory_space<vmem>>
      %dma_start3A_408 = tpu.memref_squeeze %dma_start3A_407 : memref<1x56x224xf32, #tpu.memory_space<vmem>> -> memref<56x224xf32, #tpu.memory_space<vmem>>
      %dma_start3A_409 = arith.constant 0 : i32
      %dma_start3A_410 = arith.constant 0 : i32
      %dma_start3A_411 = tpu.memref_slice %arg5[%add3A_403, %dma_start3A_409, %dma_start3A_410] : memref<3072x56x224xf32, #tpu.memory_space<hbm>> -> memref<1x56x224xf32, #tpu.memory_space<hbm>>
      %dma_start3A_412 = tpu.memref_squeeze %dma_start3A_411 : memref<1x56x224xf32, #tpu.memory_space<hbm>> -> memref<56x224xf32, #tpu.memory_space<hbm>>
      %dma_start3A_413 = arith.constant 0 : i32
      %dma_start3A_414 = arith.constant 0 : i32
      %dma_start3A_415 = tpu.memref_slice %arg5[%add3A_403, %dma_start3A_413, %dma_start3A_414] : memref<3072x56x224xf32, #tpu.memory_space<hbm>> -> memref<1x56x224xf32, #tpu.memory_space<hbm>>
      %dma_start3A_416 = tpu.memref_squeeze %dma_start3A_415 : memref<1x56x224xf32, #tpu.memory_space<hbm>> -> memref<56x224xf32, #tpu.memory_space<hbm>>
      %dma_start3A_417 = arith.constant 0 : i32
      %dma_start3A_418 = arith.constant 0 : i32
      %dma_start3A_419 = tpu.memref_slice %arg10[%dma_start3A_404, %dma_start3A_417, %dma_start3A_418] : memref<2x56x224xf32, #tpu.memory_space<vmem>> -> memref<1x56x224xf32, #tpu.memory_space<vmem>>
      %dma_start3A_420 = tpu.memref_squeeze %dma_start3A_419 : memref<1x56x224xf32, #tpu.memory_space<vmem>> -> memref<56x224xf32, #tpu.memory_space<vmem>>
      tpu.enqueue_dma source(%dma_start3A_420 : memref<56x224xf32, #tpu.memory_space<vmem>>) target(%dma_start3A_416 : memref<56x224xf32, #tpu.memory_space<hbm>>) target_semaphore(%arg13 : memref<!tpu.dma_semaphore, #tpu.memory_space<semaphore_mem>>)
      %add3A_421 = arith.constant 2 : i32
      %add3A_422 = arith.addi %add3A_342, %add3A_421 : i32
      %lt3A = arith.constant 96 : i32
      %lt3A_423 = arith.cmpi slt, %add3A_422, %lt3A : i32
      %convert_element_type3A = arith.extui %lt3A_423 : i1 to i32
      %cond3A = arith.constant 0 : i32
      %cond3A_424 = arith.cmpi ne, %convert_element_type3A, %cond3A : i32
      scf.if %cond3A_424 {
        %add3A_514 = arith.constant 2 : i32
        %add3A_515 = arith.addi %add3A_342, %add3A_514 : i32
        %add3A_516 = arith.addi %mul3A_2, %add3A_515 : i32
        %dma_start3A_517 = arith.constant 0 : i32
        %dma_start3A_518 = arith.constant 0 : i32
        %dma_start3A_519 = arith.constant 0 : i32
        %dma_start3A_520 = tpu.memref_slice %arg8[%dma_start3A_517, %dma_start3A_518, %dma_start3A_519] : memref<2x56x224xf32, #tpu.memory_space<vmem>> -> memref<1x56x224xf32, #tpu.memory_space<vmem>>
        %dma_start3A_521 = tpu.memref_squeeze %dma_start3A_520 : memref<1x56x224xf32, #tpu.memory_space<vmem>> -> memref<56x224xf32, #tpu.memory_space<vmem>>
        %dma_start3A_522 = arith.constant 0 : i32
        %dma_start3A_523 = arith.constant 0 : i32
        %dma_start3A_524 = tpu.memref_slice %arg2[%add3A_516, %dma_start3A_522, %dma_start3A_523] : memref<3072x56x224xf32, #tpu.memory_space<hbm>> -> memref<1x56x224xf32, #tpu.memory_space<hbm>>
        %dma_start3A_525 = tpu.memref_squeeze %dma_start3A_524 : memref<1x56x224xf32, #tpu.memory_space<hbm>> -> memref<56x224xf32, #tpu.memory_space<hbm>>
        %dma_start3A_526 = arith.constant 0 : i32
        %dma_start3A_527 = arith.constant 0 : i32
        %dma_start3A_528 = tpu.memref_slice %arg8[%dma_start3A_517, %dma_start3A_526, %dma_start3A_527] : memref<2x56x224xf32, #tpu.memory_space<vmem>> -> memref<1x56x224xf32, #tpu.memory_space<vmem>>
        %dma_start3A_529 = tpu.memref_squeeze %dma_start3A_528 : memref<1x56x224xf32, #tpu.memory_space<vmem>> -> memref<56x224xf32, #tpu.memory_space<vmem>>
        %dma_start3A_530 = arith.constant 0 : i32
        %dma_start3A_531 = arith.constant 0 : i32
        %dma_start3A_532 = tpu.memref_slice %arg2[%add3A_516, %dma_start3A_530, %dma_start3A_531] : memref<3072x56x224xf32, #tpu.memory_space<hbm>> -> memref<1x56x224xf32, #tpu.memory_space<hbm>>
        %dma_start3A_533 = tpu.memref_squeeze %dma_start3A_532 : memref<1x56x224xf32, #tpu.memory_space<hbm>> -> memref<56x224xf32, #tpu.memory_space<hbm>>
        tpu.enqueue_dma source(%dma_start3A_533 : memref<56x224xf32, #tpu.memory_space<hbm>>) target(%dma_start3A_529 : memref<56x224xf32, #tpu.memory_space<vmem>>) target_semaphore(%arg11 : memref<!tpu.dma_semaphore, #tpu.memory_space<semaphore_mem>>)
        %get3A_534 = arith.index_cast %add3A_515 : i32 to index
        %get3A_535 = arith.constant 0 : index
        %get3A_536 = tpu.vector_load %arg6[%get3A_534, %get3A_535] {strides = array<i32>} : memref<96x16xi32, #tpu.memory_space<vmem>>, vector<1x16xi32>,
        %get3A_537 = vector.shape_cast %get3A_536 : vector<1x16xi32> to vector<16xi32>
        %slice3A_538 = vector.extract_strided_slice %get3A_537 {offsets = [0], sizes = [1], strides = [1]} : vector<16xi32> to vector<1xi32>
        %squeeze3A_539 = vector.extract %slice3A_538[0] : i32 from vector<1xi32>
        %dma_start3A_540 = arith.constant 0 : i32
        %dma_start3A_541 = arith.constant 0 : i32
        %dma_start3A_542 = arith.constant 0 : i32
        %dma_start3A_543 = tpu.memref_slice %arg9[%dma_start3A_540, %dma_start3A_541, %dma_start3A_542] : memref<2x56x224xf32, #tpu.memory_space<vmem>> -> memref<1x56x224xf32, #tpu.memory_space<vmem>>
        %dma_start3A_544 = tpu.memref_squeeze %dma_start3A_543 : memref<1x56x224xf32, #tpu.memory_space<vmem>> -> memref<56x224xf32, #tpu.memory_space<vmem>>
        %dma_start3A_545 = arith.constant 0 : i32
        %dma_start3A_546 = arith.constant 0 : i32
        %dma_start3A_547 = tpu.memref_slice %arg2[%squeeze3A_539, %dma_start3A_545, %dma_start3A_546] : memref<3072x56x224xf32, #tpu.memory_space<hbm>> -> memref<1x56x224xf32, #tpu.memory_space<hbm>>
        %dma_start3A_548 = tpu.memref_squeeze %dma_start3A_547 : memref<1x56x224xf32, #tpu.memory_space<hbm>> -> memref<56x224xf32, #tpu.memory_space<hbm>>
        %dma_start3A_549 = arith.constant 0 : i32
        %dma_start3A_550 = arith.constant 0 : i32
        %dma_start3A_551 = tpu.memref_slice %arg9[%dma_start3A_540, %dma_start3A_549, %dma_start3A_550] : memref<2x56x224xf32, #tpu.memory_space<vmem>> -> memref<1x56x224xf32, #tpu.memory_space<vmem>>
        %dma_start3A_552 = tpu.memref_squeeze %dma_start3A_551 : memref<1x56x224xf32, #tpu.memory_space<vmem>> -> memref<56x224xf32, #tpu.memory_space<vmem>>
        %dma_start3A_553 = arith.constant 0 : i32
        %dma_start3A_554 = arith.constant 0 : i32
        %dma_start3A_555 = tpu.memref_slice %arg2[%squeeze3A_539, %dma_start3A_553, %dma_start3A_554] : memref<3072x56x224xf32, #tpu.memory_space<hbm>> -> memref<1x56x224xf32, #tpu.memory_space<hbm>>
        %dma_start3A_556 = tpu.memref_squeeze %dma_start3A_555 : memref<1x56x224xf32, #tpu.memory_space<hbm>> -> memref<56x224xf32, #tpu.memory_space<hbm>>
        tpu.enqueue_dma source(%dma_start3A_556 : memref<56x224xf32, #tpu.memory_space<hbm>>) target(%dma_start3A_552 : memref<56x224xf32, #tpu.memory_space<vmem>>) target_semaphore(%arg12 : memref<!tpu.dma_semaphore, #tpu.memory_space<semaphore_mem>>)
      } else {
      }
      %mul3A_425 = arith.constant 2 : i32
      %mul3A_426 = arith.muli %mul3A_425, %scan3A_338 : i32
      %add3A_427 = arith.constant 1 : i32
      %add3A_428 = arith.addi %mul3A_426, %add3A_427 : i32
      %dma_wait3A_429 = arith.constant 0 : i32
      %dma_wait3A_430 = arith.constant 1 : i32
      %dma_wait3A_431 = arith.constant 0 : i32
      %dma_wait3A_432 = arith.constant 0 : i32
      %dma_wait3A_433 = tpu.memref_slice %arg8[%dma_wait3A_430, %dma_wait3A_431, %dma_wait3A_432] : memref<2x56x224xf32, #tpu.memory_space<vmem>> -> memref<1x56x224xf32, #tpu.memory_space<vmem>>
      %dma_wait3A_434 = tpu.memref_squeeze %dma_wait3A_433 : memref<1x56x224xf32, #tpu.memory_space<vmem>> -> memref<56x224xf32, #tpu.memory_space<vmem>>
      %dma_wait3A_435 = arith.constant 0 : i32
      %dma_wait3A_436 = arith.constant 0 : i32
      %dma_wait3A_437 = tpu.memref_slice %arg2[%dma_wait3A_429, %dma_wait3A_435, %dma_wait3A_436] : memref<3072x56x224xf32, #tpu.memory_space<hbm>> -> memref<1x56x224xf32, #tpu.memory_space<hbm>>
      %dma_wait3A_438 = tpu.memref_squeeze %dma_wait3A_437 : memref<1x56x224xf32, #tpu.memory_space<hbm>> -> memref<56x224xf32, #tpu.memory_space<hbm>>
      %dma_wait3A_439 = arith.constant 0 : i32
      %dma_wait3A_440 = arith.constant 0 : i32
      %dma_wait3A_441 = tpu.memref_slice %arg8[%dma_wait3A_430, %dma_wait3A_439, %dma_wait3A_440] : memref<2x56x224xf32, #tpu.memory_space<vmem>> -> memref<1x56x224xf32, #tpu.memory_space<vmem>>
      %dma_wait3A_442 = tpu.memref_squeeze %dma_wait3A_441 : memref<1x56x224xf32, #tpu.memory_space<vmem>> -> memref<56x224xf32, #tpu.memory_space<vmem>>
      %dma_wait3A_443 = arith.constant 0 : i32
      %dma_wait3A_444 = arith.constant 0 : i32
      %dma_wait3A_445 = tpu.memref_slice %arg2[%dma_wait3A_429, %dma_wait3A_443, %dma_wait3A_444] : memref<3072x56x224xf32, #tpu.memory_space<hbm>> -> memref<1x56x224xf32, #tpu.memory_space<hbm>>
      %dma_wait3A_446 = tpu.memref_squeeze %dma_wait3A_445 : memref<1x56x224xf32, #tpu.memory_space<hbm>> -> memref<56x224xf32, #tpu.memory_space<hbm>>
      tpu.wait_dma2 semaphore(%arg11 : memref<!tpu.dma_semaphore, #tpu.memory_space<semaphore_mem>>) src(%dma_wait3A_446 : memref<56x224xf32, #tpu.memory_space<hbm>>) dst(%dma_wait3A_442 : memref<56x224xf32, #tpu.memory_space<vmem>>)
      %dma_wait3A_447 = arith.constant 0 : i32
      %dma_wait3A_448 = arith.constant 1 : i32
      %dma_wait3A_449 = arith.constant 0 : i32
      %dma_wait3A_450 = arith.constant 0 : i32
      %dma_wait3A_451 = tpu.memref_slice %arg9[%dma_wait3A_448, %dma_wait3A_449, %dma_wait3A_450] : memref<2x56x224xf32, #tpu.memory_space<vmem>> -> memref<1x56x224xf32, #tpu.memory_space<vmem>>
      %dma_wait3A_452 = tpu.memref_squeeze %dma_wait3A_451 : memref<1x56x224xf32, #tpu.memory_space<vmem>> -> memref<56x224xf32, #tpu.memory_space<vmem>>
      %dma_wait3A_453 = arith.constant 0 : i32
      %dma_wait3A_454 = arith.constant 0 : i32
      %dma_wait3A_455 = tpu.memref_slice %arg2[%dma_wait3A_447, %dma_wait3A_453, %dma_wait3A_454] : memref<3072x56x224xf32, #tpu.memory_space<hbm>> -> memref<1x56x224xf32, #tpu.memory_space<hbm>>
      %dma_wait3A_456 = tpu.memref_squeeze %dma_wait3A_455 : memref<1x56x224xf32, #tpu.memory_space<hbm>> -> memref<56x224xf32, #tpu.memory_space<hbm>>
      %dma_wait3A_457 = arith.constant 0 : i32
      %dma_wait3A_458 = arith.constant 0 : i32
      %dma_wait3A_459 = tpu.memref_slice %arg9[%dma_wait3A_448, %dma_wait3A_457, %dma_wait3A_458] : memref<2x56x224xf32, #tpu.memory_space<vmem>> -> memref<1x56x224xf32, #tpu.memory_space<vmem>>
      %dma_wait3A_460 = tpu.memref_squeeze %dma_wait3A_459 : memref<1x56x224xf32, #tpu.memory_space<vmem>> -> memref<56x224xf32, #tpu.memory_space<vmem>>
      %dma_wait3A_461 = arith.constant 0 : i32
      %dma_wait3A_462 = arith.constant 0 : i32
      %dma_wait3A_463 = tpu.memref_slice %arg2[%dma_wait3A_447, %dma_wait3A_461, %dma_wait3A_462] : memref<3072x56x224xf32, #tpu.memory_space<hbm>> -> memref<1x56x224xf32, #tpu.memory_space<hbm>>
      %dma_wait3A_464 = tpu.memref_squeeze %dma_wait3A_463 : memref<1x56x224xf32, #tpu.memory_space<hbm>> -> memref<56x224xf32, #tpu.memory_space<hbm>>
      tpu.wait_dma2 semaphore(%arg12 : memref<!tpu.dma_semaphore, #tpu.memory_space<semaphore_mem>>) src(%dma_wait3A_464 : memref<56x224xf32, #tpu.memory_space<hbm>>) dst(%dma_wait3A_460 : memref<56x224xf32, #tpu.memory_space<vmem>>)
      %dma_wait3A_465 = arith.constant 1 : i32
      %dma_wait3A_466 = arith.constant 0 : i32
      %dma_wait3A_467 = arith.constant 0 : i32
      %dma_wait3A_468 = arith.constant 0 : i32
      %dma_wait3A_469 = tpu.memref_slice %arg10[%dma_wait3A_465, %dma_wait3A_467, %dma_wait3A_468] : memref<2x56x224xf32, #tpu.memory_space<vmem>> -> memref<1x56x224xf32, #tpu.memory_space<vmem>>
      %dma_wait3A_470 = tpu.memref_squeeze %dma_wait3A_469 : memref<1x56x224xf32, #tpu.memory_space<vmem>> -> memref<56x224xf32, #tpu.memory_space<vmem>>
      %dma_wait3A_471 = arith.constant 0 : i32
      %dma_wait3A_472 = arith.constant 0 : i32
      %dma_wait3A_473 = tpu.memref_slice %arg5[%dma_wait3A_466, %dma_wait3A_471, %dma_wait3A_472] : memref<3072x56x224xf32, #tpu.memory_space<hbm>> -> memref<1x56x224xf32, #tpu.memory_space<hbm>>
      %dma_wait3A_474 = tpu.memref_squeeze %dma_wait3A_473 : memref<1x56x224xf32, #tpu.memory_space<hbm>> -> memref<56x224xf32, #tpu.memory_space<hbm>>
      %dma_wait3A_475 = arith.constant 0 : i32
      %dma_wait3A_476 = arith.constant 0 : i32
      %dma_wait3A_477 = tpu.memref_slice %arg5[%dma_wait3A_466, %dma_wait3A_475, %dma_wait3A_476] : memref<3072x56x224xf32, #tpu.memory_space<hbm>> -> memref<1x56x224xf32, #tpu.memory_space<hbm>>
      %dma_wait3A_478 = tpu.memref_squeeze %dma_wait3A_477 : memref<1x56x224xf32, #tpu.memory_space<hbm>> -> memref<56x224xf32, #tpu.memory_space<hbm>>
      %dma_wait3A_479 = arith.constant 0 : i32
      %dma_wait3A_480 = arith.constant 0 : i32
      %dma_wait3A_481 = tpu.memref_slice %arg10[%dma_wait3A_465, %dma_wait3A_479, %dma_wait3A_480] : memref<2x56x224xf32, #tpu.memory_space<vmem>> -> memref<1x56x224xf32, #tpu.memory_space<vmem>>
      %dma_wait3A_482 = tpu.memref_squeeze %dma_wait3A_481 : memref<1x56x224xf32, #tpu.memory_space<vmem>> -> memref<56x224xf32, #tpu.memory_space<vmem>>
      tpu.wait_dma2 semaphore(%arg13 : memref<!tpu.dma_semaphore, #tpu.memory_space<semaphore_mem>>) src(%dma_wait3A_482 : memref<56x224xf32, #tpu.memory_space<vmem>>) dst(%dma_wait3A_478 : memref<56x224xf32, #tpu.memory_space<hbm>>)
      %scan3A_483 = arith.constant 0 : i32
      %scan3A_484 = arith.constant 0 : i32
      %scan3A_485 = arith.constant 56 : i32
      %scan3A_486 = arith.addi %scan3A_484, %scan3A_485 : i32
      %scan3A_487 = arith.constant 1 : i32
      scf.for %scan3A_514 = %scan3A_484 to %scan3A_486 step %scan3A_487  : i32 {
        %get3A_515 = arith.constant 1 : i32
        %get3A_516 = arith.index_cast %get3A_515 : i32 to index
        %get3A_517 = arith.index_cast %scan3A_514 : i32 to index
        %get3A_518 = arith.constant 0 : index
        %get3A_519 = tpu.vector_load %arg8[%get3A_516, %get3A_517, %get3A_518] {strides = array<i32>} : memref<2x56x224xf32, #tpu.memory_space<vmem>>, vector<1x1x16xf32>,
        %get3A_520 = vector.shape_cast %get3A_519 : vector<1x1x16xf32> to vector<16xf32>
        %mul3A_521 = arith.mulf %get3A_4, %get3A_520 : vector<16xf32>
        %get3A_522 = arith.constant 1 : i32
        %get3A_523 = arith.index_cast %get3A_522 : i32 to index
        %get3A_524 = arith.index_cast %scan3A_514 : i32 to index
        %get3A_525 = arith.constant 0 : index
        %get3A_526 = tpu.vector_load %arg9[%get3A_523, %get3A_524, %get3A_525] {strides = array<i32>} : memref<2x56x224xf32, #tpu.memory_space<vmem>>, vector<1x1x16xf32>,
        %get3A_527 = vector.shape_cast %get3A_526 : vector<1x1x16xf32> to vector<16xf32>
        %mul3A_528 = arith.mulf %sub3A_6, %get3A_527 : vector<16xf32>
        %add3A_529 = arith.addf %mul3A_521, %mul3A_528 : vector<16xf32>
        %swap3A = arith.constant 1 : i32
        %swap3A_530 = arith.index_cast %swap3A : i32 to index
        %swap3A_531 = arith.index_cast %scan3A_514 : i32 to index
        %swap3A_532 = arith.constant 0 : index
        %swap3A_533 = tpu.vector_load %arg10[%swap3A_530, %swap3A_531, %swap3A_532] {strides = array<i32>} : memref<2x56x224xf32, #tpu.memory_space<vmem>>, vector<1x1x16xf32>,
        %swap3A_534 = vector.shape_cast %swap3A_533 : vector<1x1x16xf32> to vector<16xf32>
        %swap3A_535 = vector.shape_cast %add3A_529 : vector<16xf32> to vector<1x1x16xf32>
        tpu.vector_store %arg10[%swap3A_530, %swap3A_531, %swap3A_532], %swap3A_535 {strides = array<i32>} : memref<2x56x224xf32, #tpu.memory_space<vmem>>, vector<1x1x16xf32>,
        %get3A_536 = arith.constant 1 : i32
        %get3A_537 = arith.index_cast %get3A_536 : i32 to index
        %get3A_538 = arith.index_cast %scan3A_514 : i32 to index
        %get3A_539 = arith.constant 16 : index
        %get3A_540 = tpu.vector_load %arg8[%get3A_537, %get3A_538, %get3A_539] {strides = array<i32>} : memref<2x56x224xf32, #tpu.memory_space<vmem>>, vector<1x1x16xf32>,
        %get3A_541 = vector.shape_cast %get3A_540 : vector<1x1x16xf32> to vector<16xf32>
        %mul3A_542 = arith.mulf %get3A_4, %get3A_541 : vector<16xf32>
        %get3A_543 = arith.constant 1 : i32
        %get3A_544 = arith.index_cast %get3A_543 : i32 to index
        %get3A_545 = arith.index_cast %scan3A_514 : i32 to index
        %get3A_546 = arith.constant 16 : index
        %get3A_547 = tpu.vector_load %arg9[%get3A_544, %get3A_545, %get3A_546] {strides = array<i32>} : memref<2x56x224xf32, #tpu.memory_space<vmem>>, vector<1x1x16xf32>,
        %get3A_548 = vector.shape_cast %get3A_547 : vector<1x1x16xf32> to vector<16xf32>
        %mul3A_549 = arith.mulf %sub3A_6, %get3A_548 : vector<16xf32>
        %add3A_550 = arith.addf %mul3A_542, %mul3A_549 : vector<16xf32>
        %swap3A_551 = arith.constant 1 : i32
        %swap3A_552 = arith.index_cast %swap3A_551 : i32 to index
        %swap3A_553 = arith.index_cast %scan3A_514 : i32 to index
        %swap3A_554 = arith.constant 16 : index
        %swap3A_555 = tpu.vector_load %arg10[%swap3A_552, %swap3A_553, %swap3A_554] {strides = array<i32>} : memref<2x56x224xf32, #tpu.memory_space<vmem>>, vector<1x1x16xf32>,
        %swap3A_556 = vector.shape_cast %swap3A_555 : vector<1x1x16xf32> to vector<16xf32>
        %swap3A_557 = vector.shape_cast %add3A_550 : vector<16xf32> to vector<1x1x16xf32>
        tpu.vector_store %arg10[%swap3A_552, %swap3A_553, %swap3A_554], %swap3A_557 {strides = array<i32>} : memref<2x56x224xf32, #tpu.memory_space<vmem>>, vector<1x1x16xf32>,
        %get3A_558 = arith.constant 1 : i32
        %get3A_559 = arith.index_cast %get3A_558 : i32 to index
        %get3A_560 = arith.index_cast %scan3A_514 : i32 to index
        %get3A_561 = arith.constant 32 : index
        %get3A_562 = tpu.vector_load %arg8[%get3A_559, %get3A_560, %get3A_561] {strides = array<i32>} : memref<2x56x224xf32, #tpu.memory_space<vmem>>, vector<1x1x16xf32>,
        %get3A_563 = vector.shape_cast %get3A_562 : vector<1x1x16xf32> to vector<16xf32>
        %mul3A_564 = arith.mulf %get3A_4, %get3A_563 : vector<16xf32>
        %get3A_565 = arith.constant 1 : i32
        %get3A_566 = arith.index_cast %get3A_565 : i32 to index
        %get3A_567 = arith.index_cast %scan3A_514 : i32 to index
        %get3A_568 = arith.constant 32 : index
        %get3A_569 = tpu.vector_load %arg9[%get3A_566, %get3A_567, %get3A_568] {strides = array<i32>} : memref<2x56x224xf32, #tpu.memory_space<vmem>>, vector<1x1x16xf32>,
        %get3A_570 = vector.shape_cast %get3A_569 : vector<1x1x16xf32> to vector<16xf32>
        %mul3A_571 = arith.mulf %sub3A_6, %get3A_570 : vector<16xf32>
        %add3A_572 = arith.addf %mul3A_564, %mul3A_571 : vector<16xf32>
        %swap3A_573 = arith.constant 1 : i32
        %swap3A_574 = arith.index_cast %swap3A_573 : i32 to index
        %swap3A_575 = arith.index_cast %scan3A_514 : i32 to index
        %swap3A_576 = arith.constant 32 : index
        %swap3A_577 = tpu.vector_load %arg10[%swap3A_574, %swap3A_575, %swap3A_576] {strides = array<i32>} : memref<2x56x224xf32, #tpu.memory_space<vmem>>, vector<1x1x16xf32>,
        %swap3A_578 = vector.shape_cast %swap3A_577 : vector<1x1x16xf32> to vector<16xf32>
        %swap3A_579 = vector.shape_cast %add3A_572 : vector<16xf32> to vector<1x1x16xf32>
        tpu.vector_store %arg10[%swap3A_574, %swap3A_575, %swap3A_576], %swap3A_579 {strides = array<i32>} : memref<2x56x224xf32, #tpu.memory_space<vmem>>, vector<1x1x16xf32>,
        %get3A_580 = arith.constant 1 : i32
        %get3A_581 = arith.index_cast %get3A_580 : i32 to index
        %get3A_582 = arith.index_cast %scan3A_514 : i32 to index
        %get3A_583 = arith.constant 48 : index
        %get3A_584 = tpu.vector_load %arg8[%get3A_581, %get3A_582, %get3A_583] {strides = array<i32>} : memref<2x56x224xf32, #tpu.memory_space<vmem>>, vector<1x1x16xf32>,
        %get3A_585 = vector.shape_cast %get3A_584 : vector<1x1x16xf32> to vector<16xf32>
        %mul3A_586 = arith.mulf %get3A_4, %get3A_585 : vector<16xf32>
        %get3A_587 = arith.constant 1 : i32
        %get3A_588 = arith.index_cast %get3A_587 : i32 to index
        %get3A_589 = arith.index_cast %scan3A_514 : i32 to index
        %get3A_590 = arith.constant 48 : index
        %get3A_591 = tpu.vector_load %arg9[%get3A_588, %get3A_589, %get3A_590] {strides = array<i32>} : memref<2x56x224xf32, #tpu.memory_space<vmem>>, vector<1x1x16xf32>,
        %get3A_592 = vector.shape_cast %get3A_591 : vector<1x1x16xf32> to vector<16xf32>
        %mul3A_593 = arith.mulf %sub3A_6, %get3A_592 : vector<16xf32>
        %add3A_594 = arith.addf %mul3A_586, %mul3A_593 : vector<16xf32>
        %swap3A_595 = arith.constant 1 : i32
        %swap3A_596 = arith.index_cast %swap3A_595 : i32 to index
        %swap3A_597 = arith.index_cast %scan3A_514 : i32 to index
        %swap3A_598 = arith.constant 48 : index
        %swap3A_599 = tpu.vector_load %arg10[%swap3A_596, %swap3A_597, %swap3A_598] {strides = array<i32>} : memref<2x56x224xf32, #tpu.memory_space<vmem>>, vector<1x1x16xf32>,
        %swap3A_600 = vector.shape_cast %swap3A_599 : vector<1x1x16xf32> to vector<16xf32>
        %swap3A_601 = vector.shape_cast %add3A_594 : vector<16xf32> to vector<1x1x16xf32>
        tpu.vector_store %arg10[%swap3A_596, %swap3A_597, %swap3A_598], %swap3A_601 {strides = array<i32>} : memref<2x56x224xf32, #tpu.memory_space<vmem>>, vector<1x1x16xf32>,
        %get3A_602 = arith.constant 1 : i32
        %get3A_603 = arith.index_cast %get3A_602 : i32 to index
        %get3A_604 = arith.index_cast %scan3A_514 : i32 to index
        %get3A_605 = arith.constant 64 : index
        %get3A_606 = tpu.vector_load %arg8[%get3A_603, %get3A_604, %get3A_605] {strides = array<i32>} : memref<2x56x224xf32, #tpu.memory_space<vmem>>, vector<1x1x16xf32>,
        %get3A_607 = vector.shape_cast %get3A_606 : vector<1x1x16xf32> to vector<16xf32>
        %mul3A_608 = arith.mulf %get3A_4, %get3A_607 : vector<16xf32>
        %get3A_609 = arith.constant 1 : i32
        %get3A_610 = arith.index_cast %get3A_609 : i32 to index
        %get3A_611 = arith.index_cast %scan3A_514 : i32 to index
        %get3A_612 = arith.constant 64 : index
        %get3A_613 = tpu.vector_load %arg9[%get3A_610, %get3A_611, %get3A_612] {strides = array<i32>} : memref<2x56x224xf32, #tpu.memory_space<vmem>>, vector<1x1x16xf32>,
        %get3A_614 = vector.shape_cast %get3A_613 : vector<1x1x16xf32> to vector<16xf32>
        %mul3A_615 = arith.mulf %sub3A_6, %get3A_614 : vector<16xf32>
        %add3A_616 = arith.addf %mul3A_608, %mul3A_615 : vector<16xf32>
        %swap3A_617 = arith.constant 1 : i32
        %swap3A_618 = arith.index_cast %swap3A_617 : i32 to index
        %swap3A_619 = arith.index_cast %scan3A_514 : i32 to index
        %swap3A_620 = arith.constant 64 : index
        %swap3A_621 = tpu.vector_load %arg10[%swap3A_618, %swap3A_619, %swap3A_620] {strides = array<i32>} : memref<2x56x224xf32, #tpu.memory_space<vmem>>, vector<1x1x16xf32>,
        %swap3A_622 = vector.shape_cast %swap3A_621 : vector<1x1x16xf32> to vector<16xf32>
        %swap3A_623 = vector.shape_cast %add3A_616 : vector<16xf32> to vector<1x1x16xf32>
        tpu.vector_store %arg10[%swap3A_618, %swap3A_619, %swap3A_620], %swap3A_623 {strides = array<i32>} : memref<2x56x224xf32, #tpu.memory_space<vmem>>, vector<1x1x16xf32>,
        %get3A_624 = arith.constant 1 : i32
        %get3A_625 = arith.index_cast %get3A_624 : i32 to index
        %get3A_626 = arith.index_cast %scan3A_514 : i32 to index
        %get3A_627 = arith.constant 80 : index
        %get3A_628 = tpu.vector_load %arg8[%get3A_625, %get3A_626, %get3A_627] {strides = array<i32>} : memref<2x56x224xf32, #tpu.memory_space<vmem>>, vector<1x1x16xf32>,
        %get3A_629 = vector.shape_cast %get3A_628 : vector<1x1x16xf32> to vector<16xf32>
        %mul3A_630 = arith.mulf %get3A_4, %get3A_629 : vector<16xf32>
        %get3A_631 = arith.constant 1 : i32
        %get3A_632 = arith.index_cast %get3A_631 : i32 to index
        %get3A_633 = arith.index_cast %scan3A_514 : i32 to index
        %get3A_634 = arith.constant 80 : index
        %get3A_635 = tpu.vector_load %arg9[%get3A_632, %get3A_633, %get3A_634] {strides = array<i32>} : memref<2x56x224xf32, #tpu.memory_space<vmem>>, vector<1x1x16xf32>,
        %get3A_636 = vector.shape_cast %get3A_635 : vector<1x1x16xf32> to vector<16xf32>
        %mul3A_637 = arith.mulf %sub3A_6, %get3A_636 : vector<16xf32>
        %add3A_638 = arith.addf %mul3A_630, %mul3A_637 : vector<16xf32>
        %swap3A_639 = arith.constant 1 : i32
        %swap3A_640 = arith.index_cast %swap3A_639 : i32 to index
        %swap3A_641 = arith.index_cast %scan3A_514 : i32 to index
        %swap3A_642 = arith.constant 80 : index
        %swap3A_643 = tpu.vector_load %arg10[%swap3A_640, %swap3A_641, %swap3A_642] {strides = array<i32>} : memref<2x56x224xf32, #tpu.memory_space<vmem>>, vector<1x1x16xf32>,
        %swap3A_644 = vector.shape_cast %swap3A_643 : vector<1x1x16xf32> to vector<16xf32>
        %swap3A_645 = vector.shape_cast %add3A_638 : vector<16xf32> to vector<1x1x16xf32>
        tpu.vector_store %arg10[%swap3A_640, %swap3A_641, %swap3A_642], %swap3A_645 {strides = array<i32>} : memref<2x56x224xf32, #tpu.memory_space<vmem>>, vector<1x1x16xf32>,
        %get3A_646 = arith.constant 1 : i32
        %get3A_647 = arith.index_cast %get3A_646 : i32 to index
        %get3A_648 = arith.index_cast %scan3A_514 : i32 to index
        %get3A_649 = arith.constant 96 : index
        %get3A_650 = tpu.vector_load %arg8[%get3A_647, %get3A_648, %get3A_649] {strides = array<i32>} : memref<2x56x224xf32, #tpu.memory_space<vmem>>, vector<1x1x16xf32>,
        %get3A_651 = vector.shape_cast %get3A_650 : vector<1x1x16xf32> to vector<16xf32>
        %mul3A_652 = arith.mulf %get3A_4, %get3A_651 : vector<16xf32>
        %get3A_653 = arith.constant 1 : i32
        %get3A_654 = arith.index_cast %get3A_653 : i32 to index
        %get3A_655 = arith.index_cast %scan3A_514 : i32 to index
        %get3A_656 = arith.constant 96 : index
        %get3A_657 = tpu.vector_load %arg9[%get3A_654, %get3A_655, %get3A_656] {strides = array<i32>} : memref<2x56x224xf32, #tpu.memory_space<vmem>>, vector<1x1x16xf32>,
        %get3A_658 = vector.shape_cast %get3A_657 : vector<1x1x16xf32> to vector<16xf32>
        %mul3A_659 = arith.mulf %sub3A_6, %get3A_658 : vector<16xf32>
        %add3A_660 = arith.addf %mul3A_652, %mul3A_659 : vector<16xf32>
        %swap3A_661 = arith.constant 1 : i32
        %swap3A_662 = arith.index_cast %swap3A_661 : i32 to index
        %swap3A_663 = arith.index_cast %scan3A_514 : i32 to index
        %swap3A_664 = arith.constant 96 : index
        %swap3A_665 = tpu.vector_load %arg10[%swap3A_662, %swap3A_663, %swap3A_664] {strides = array<i32>} : memref<2x56x224xf32, #tpu.memory_space<vmem>>, vector<1x1x16xf32>,
        %swap3A_666 = vector.shape_cast %swap3A_665 : vector<1x1x16xf32> to vector<16xf32>
        %swap3A_667 = vector.shape_cast %add3A_660 : vector<16xf32> to vector<1x1x16xf32>
        tpu.vector_store %arg10[%swap3A_662, %swap3A_663, %swap3A_664], %swap3A_667 {strides = array<i32>} : memref<2x56x224xf32, #tpu.memory_space<vmem>>, vector<1x1x16xf32>,
        %get3A_668 = arith.constant 1 : i32
        %get3A_669 = arith.index_cast %get3A_668 : i32 to index
        %get3A_670 = arith.index_cast %scan3A_514 : i32 to index
        %get3A_671 = arith.constant 112 : index
        %get3A_672 = tpu.vector_load %arg8[%get3A_669, %get3A_670, %get3A_671] {strides = array<i32>} : memref<2x56x224xf32, #tpu.memory_space<vmem>>, vector<1x1x16xf32>,
        %get3A_673 = vector.shape_cast %get3A_672 : vector<1x1x16xf32> to vector<16xf32>
        %mul3A_674 = arith.mulf %get3A_4, %get3A_673 : vector<16xf32>
        %get3A_675 = arith.constant 1 : i32
        %get3A_676 = arith.index_cast %get3A_675 : i32 to index
        %get3A_677 = arith.index_cast %scan3A_514 : i32 to index
        %get3A_678 = arith.constant 112 : index
        %get3A_679 = tpu.vector_load %arg9[%get3A_676, %get3A_677, %get3A_678] {strides = array<i32>} : memref<2x56x224xf32, #tpu.memory_space<vmem>>, vector<1x1x16xf32>,
        %get3A_680 = vector.shape_cast %get3A_679 : vector<1x1x16xf32> to vector<16xf32>
        %mul3A_681 = arith.mulf %sub3A_6, %get3A_680 : vector<16xf32>
        %add3A_682 = arith.addf %mul3A_674, %mul3A_681 : vector<16xf32>
        %swap3A_683 = arith.constant 1 : i32
        %swap3A_684 = arith.index_cast %swap3A_683 : i32 to index
        %swap3A_685 = arith.index_cast %scan3A_514 : i32 to index
        %swap3A_686 = arith.constant 112 : index
        %swap3A_687 = tpu.vector_load %arg10[%swap3A_684, %swap3A_685, %swap3A_686] {strides = array<i32>} : memref<2x56x224xf32, #tpu.memory_space<vmem>>, vector<1x1x16xf32>,
        %swap3A_688 = vector.shape_cast %swap3A_687 : vector<1x1x16xf32> to vector<16xf32>
        %swap3A_689 = vector.shape_cast %add3A_682 : vector<16xf32> to vector<1x1x16xf32>
        tpu.vector_store %arg10[%swap3A_684, %swap3A_685, %swap3A_686], %swap3A_689 {strides = array<i32>} : memref<2x56x224xf32, #tpu.memory_space<vmem>>, vector<1x1x16xf32>,
        %get3A_690 = arith.constant 1 : i32
        %get3A_691 = arith.index_cast %get3A_690 : i32 to index
        %get3A_692 = arith.index_cast %scan3A_514 : i32 to index
        %get3A_693 = arith.constant 128 : index
        %get3A_694 = tpu.vector_load %arg8[%get3A_691, %get3A_692, %get3A_693] {strides = array<i32>} : memref<2x56x224xf32, #tpu.memory_space<vmem>>, vector<1x1x16xf32>,
        %get3A_695 = vector.shape_cast %get3A_694 : vector<1x1x16xf32> to vector<16xf32>
        %mul3A_696 = arith.mulf %get3A_4, %get3A_695 : vector<16xf32>
        %get3A_697 = arith.constant 1 : i32
        %get3A_698 = arith.index_cast %get3A_697 : i32 to index
        %get3A_699 = arith.index_cast %scan3A_514 : i32 to index
        %get3A_700 = arith.constant 128 : index
        %get3A_701 = tpu.vector_load %arg9[%get3A_698, %get3A_699, %get3A_700] {strides = array<i32>} : memref<2x56x224xf32, #tpu.memory_space<vmem>>, vector<1x1x16xf32>,
        %get3A_702 = vector.shape_cast %get3A_701 : vector<1x1x16xf32> to vector<16xf32>
        %mul3A_703 = arith.mulf %sub3A_6, %get3A_702 : vector<16xf32>
        %add3A_704 = arith.addf %mul3A_696, %mul3A_703 : vector<16xf32>
        %swap3A_705 = arith.constant 1 : i32
        %swap3A_706 = arith.index_cast %swap3A_705 : i32 to index
        %swap3A_707 = arith.index_cast %scan3A_514 : i32 to index
        %swap3A_708 = arith.constant 128 : index
        %swap3A_709 = tpu.vector_load %arg10[%swap3A_706, %swap3A_707, %swap3A_708] {strides = array<i32>} : memref<2x56x224xf32, #tpu.memory_space<vmem>>, vector<1x1x16xf32>,
        %swap3A_710 = vector.shape_cast %swap3A_709 : vector<1x1x16xf32> to vector<16xf32>
        %swap3A_711 = vector.shape_cast %add3A_704 : vector<16xf32> to vector<1x1x16xf32>
        tpu.vector_store %arg10[%swap3A_706, %swap3A_707, %swap3A_708], %swap3A_711 {strides = array<i32>} : memref<2x56x224xf32, #tpu.memory_space<vmem>>, vector<1x1x16xf32>,
        %get3A_712 = arith.constant 1 : i32
        %get3A_713 = arith.index_cast %get3A_712 : i32 to index
        %get3A_714 = arith.index_cast %scan3A_514 : i32 to index
        %get3A_715 = arith.constant 144 : index
        %get3A_716 = tpu.vector_load %arg8[%get3A_713, %get3A_714, %get3A_715] {strides = array<i32>} : memref<2x56x224xf32, #tpu.memory_space<vmem>>, vector<1x1x16xf32>,
        %get3A_717 = vector.shape_cast %get3A_716 : vector<1x1x16xf32> to vector<16xf32>
        %mul3A_718 = arith.mulf %get3A_4, %get3A_717 : vector<16xf32>
        %get3A_719 = arith.constant 1 : i32
        %get3A_720 = arith.index_cast %get3A_719 : i32 to index
        %get3A_721 = arith.index_cast %scan3A_514 : i32 to index
        %get3A_722 = arith.constant 144 : index
        %get3A_723 = tpu.vector_load %arg9[%get3A_720, %get3A_721, %get3A_722] {strides = array<i32>} : memref<2x56x224xf32, #tpu.memory_space<vmem>>, vector<1x1x16xf32>,
        %get3A_724 = vector.shape_cast %get3A_723 : vector<1x1x16xf32> to vector<16xf32>
        %mul3A_725 = arith.mulf %sub3A_6, %get3A_724 : vector<16xf32>
        %add3A_726 = arith.addf %mul3A_718, %mul3A_725 : vector<16xf32>
        %swap3A_727 = arith.constant 1 : i32
        %swap3A_728 = arith.index_cast %swap3A_727 : i32 to index
        %swap3A_729 = arith.index_cast %scan3A_514 : i32 to index
        %swap3A_730 = arith.constant 144 : index
        %swap3A_731 = tpu.vector_load %arg10[%swap3A_728, %swap3A_729, %swap3A_730] {strides = array<i32>} : memref<2x56x224xf32, #tpu.memory_space<vmem>>, vector<1x1x16xf32>,
        %swap3A_732 = vector.shape_cast %swap3A_731 : vector<1x1x16xf32> to vector<16xf32>
        %swap3A_733 = vector.shape_cast %add3A_726 : vector<16xf32> to vector<1x1x16xf32>
        tpu.vector_store %arg10[%swap3A_728, %swap3A_729, %swap3A_730], %swap3A_733 {strides = array<i32>} : memref<2x56x224xf32, #tpu.memory_space<vmem>>, vector<1x1x16xf32>,
        %get3A_734 = arith.constant 1 : i32
        %get3A_735 = arith.index_cast %get3A_734 : i32 to index
        %get3A_736 = arith.index_cast %scan3A_514 : i32 to index
        %get3A_737 = arith.constant 160 : index
        %get3A_738 = tpu.vector_load %arg8[%get3A_735, %get3A_736, %get3A_737] {strides = array<i32>} : memref<2x56x224xf32, #tpu.memory_space<vmem>>, vector<1x1x16xf32>,
        %get3A_739 = vector.shape_cast %get3A_738 : vector<1x1x16xf32> to vector<16xf32>
        %mul3A_740 = arith.mulf %get3A_4, %get3A_739 : vector<16xf32>
        %get3A_741 = arith.constant 1 : i32
        %get3A_742 = arith.index_cast %get3A_741 : i32 to index
        %get3A_743 = arith.index_cast %scan3A_514 : i32 to index
        %get3A_744 = arith.constant 160 : index
        %get3A_745 = tpu.vector_load %arg9[%get3A_742, %get3A_743, %get3A_744] {strides = array<i32>} : memref<2x56x224xf32, #tpu.memory_space<vmem>>, vector<1x1x16xf32>,
        %get3A_746 = vector.shape_cast %get3A_745 : vector<1x1x16xf32> to vector<16xf32>
        %mul3A_747 = arith.mulf %sub3A_6, %get3A_746 : vector<16xf32>
        %add3A_748 = arith.addf %mul3A_740, %mul3A_747 : vector<16xf32>
        %swap3A_749 = arith.constant 1 : i32
        %swap3A_750 = arith.index_cast %swap3A_749 : i32 to index
        %swap3A_751 = arith.index_cast %scan3A_514 : i32 to index
        %swap3A_752 = arith.constant 160 : index
        %swap3A_753 = tpu.vector_load %arg10[%swap3A_750, %swap3A_751, %swap3A_752] {strides = array<i32>} : memref<2x56x224xf32, #tpu.memory_space<vmem>>, vector<1x1x16xf32>,
        %swap3A_754 = vector.shape_cast %swap3A_753 : vector<1x1x16xf32> to vector<16xf32>
        %swap3A_755 = vector.shape_cast %add3A_748 : vector<16xf32> to vector<1x1x16xf32>
        tpu.vector_store %arg10[%swap3A_750, %swap3A_751, %swap3A_752], %swap3A_755 {strides = array<i32>} : memref<2x56x224xf32, #tpu.memory_space<vmem>>, vector<1x1x16xf32>,
        %get3A_756 = arith.constant 1 : i32
        %get3A_757 = arith.index_cast %get3A_756 : i32 to index
        %get3A_758 = arith.index_cast %scan3A_514 : i32 to index
        %get3A_759 = arith.constant 176 : index
        %get3A_760 = tpu.vector_load %arg8[%get3A_757, %get3A_758, %get3A_759] {strides = array<i32>} : memref<2x56x224xf32, #tpu.memory_space<vmem>>, vector<1x1x16xf32>,
        %get3A_761 = vector.shape_cast %get3A_760 : vector<1x1x16xf32> to vector<16xf32>
        %mul3A_762 = arith.mulf %get3A_4, %get3A_761 : vector<16xf32>
        %get3A_763 = arith.constant 1 : i32
        %get3A_764 = arith.index_cast %get3A_763 : i32 to index
        %get3A_765 = arith.index_cast %scan3A_514 : i32 to index
        %get3A_766 = arith.constant 176 : index
        %get3A_767 = tpu.vector_load %arg9[%get3A_764, %get3A_765, %get3A_766] {strides = array<i32>} : memref<2x56x224xf32, #tpu.memory_space<vmem>>, vector<1x1x16xf32>,
        %get3A_768 = vector.shape_cast %get3A_767 : vector<1x1x16xf32> to vector<16xf32>
        %mul3A_769 = arith.mulf %sub3A_6, %get3A_768 : vector<16xf32>
        %add3A_770 = arith.addf %mul3A_762, %mul3A_769 : vector<16xf32>
        %swap3A_771 = arith.constant 1 : i32
        %swap3A_772 = arith.index_cast %swap3A_771 : i32 to index
        %swap3A_773 = arith.index_cast %scan3A_514 : i32 to index
        %swap3A_774 = arith.constant 176 : index
        %swap3A_775 = tpu.vector_load %arg10[%swap3A_772, %swap3A_773, %swap3A_774] {strides = array<i32>} : memref<2x56x224xf32, #tpu.memory_space<vmem>>, vector<1x1x16xf32>,
        %swap3A_776 = vector.shape_cast %swap3A_775 : vector<1x1x16xf32> to vector<16xf32>
        %swap3A_777 = vector.shape_cast %add3A_770 : vector<16xf32> to vector<1x1x16xf32>
        tpu.vector_store %arg10[%swap3A_772, %swap3A_773, %swap3A_774], %swap3A_777 {strides = array<i32>} : memref<2x56x224xf32, #tpu.memory_space<vmem>>, vector<1x1x16xf32>,
        %get3A_778 = arith.constant 1 : i32
        %get3A_779 = arith.index_cast %get3A_778 : i32 to index
        %get3A_780 = arith.index_cast %scan3A_514 : i32 to index
        %get3A_781 = arith.constant 192 : index
        %get3A_782 = tpu.vector_load %arg8[%get3A_779, %get3A_780, %get3A_781] {strides = array<i32>} : memref<2x56x224xf32, #tpu.memory_space<vmem>>, vector<1x1x16xf32>,
        %get3A_783 = vector.shape_cast %get3A_782 : vector<1x1x16xf32> to vector<16xf32>
        %mul3A_784 = arith.mulf %get3A_4, %get3A_783 : vector<16xf32>
        %get3A_785 = arith.constant 1 : i32
        %get3A_786 = arith.index_cast %get3A_785 : i32 to index
        %get3A_787 = arith.index_cast %scan3A_514 : i32 to index
        %get3A_788 = arith.constant 192 : index
        %get3A_789 = tpu.vector_load %arg9[%get3A_786, %get3A_787, %get3A_788] {strides = array<i32>} : memref<2x56x224xf32, #tpu.memory_space<vmem>>, vector<1x1x16xf32>,
        %get3A_790 = vector.shape_cast %get3A_789 : vector<1x1x16xf32> to vector<16xf32>
        %mul3A_791 = arith.mulf %sub3A_6, %get3A_790 : vector<16xf32>
        %add3A_792 = arith.addf %mul3A_784, %mul3A_791 : vector<16xf32>
        %swap3A_793 = arith.constant 1 : i32
        %swap3A_794 = arith.index_cast %swap3A_793 : i32 to index
        %swap3A_795 = arith.index_cast %scan3A_514 : i32 to index
        %swap3A_796 = arith.constant 192 : index
        %swap3A_797 = tpu.vector_load %arg10[%swap3A_794, %swap3A_795, %swap3A_796] {strides = array<i32>} : memref<2x56x224xf32, #tpu.memory_space<vmem>>, vector<1x1x16xf32>,
        %swap3A_798 = vector.shape_cast %swap3A_797 : vector<1x1x16xf32> to vector<16xf32>
        %swap3A_799 = vector.shape_cast %add3A_792 : vector<16xf32> to vector<1x1x16xf32>
        tpu.vector_store %arg10[%swap3A_794, %swap3A_795, %swap3A_796], %swap3A_799 {strides = array<i32>} : memref<2x56x224xf32, #tpu.memory_space<vmem>>, vector<1x1x16xf32>,
        %get3A_800 = arith.constant 1 : i32
        %get3A_801 = arith.index_cast %get3A_800 : i32 to index
        %get3A_802 = arith.index_cast %scan3A_514 : i32 to index
        %get3A_803 = arith.constant 208 : index
        %get3A_804 = tpu.vector_load %arg8[%get3A_801, %get3A_802, %get3A_803] {strides = array<i32>} : memref<2x56x224xf32, #tpu.memory_space<vmem>>, vector<1x1x16xf32>,
        %get3A_805 = vector.shape_cast %get3A_804 : vector<1x1x16xf32> to vector<16xf32>
        %mul3A_806 = arith.mulf %get3A_4, %get3A_805 : vector<16xf32>
        %get3A_807 = arith.constant 1 : i32
        %get3A_808 = arith.index_cast %get3A_807 : i32 to index
        %get3A_809 = arith.index_cast %scan3A_514 : i32 to index
        %get3A_810 = arith.constant 208 : index
        %get3A_811 = tpu.vector_load %arg9[%get3A_808, %get3A_809, %get3A_810] {strides = array<i32>} : memref<2x56x224xf32, #tpu.memory_space<vmem>>, vector<1x1x16xf32>,
        %get3A_812 = vector.shape_cast %get3A_811 : vector<1x1x16xf32> to vector<16xf32>
        %mul3A_813 = arith.mulf %sub3A_6, %get3A_812 : vector<16xf32>
        %add3A_814 = arith.addf %mul3A_806, %mul3A_813 : vector<16xf32>
        %swap3A_815 = arith.constant 1 : i32
        %swap3A_816 = arith.index_cast %swap3A_815 : i32 to index
        %swap3A_817 = arith.index_cast %scan3A_514 : i32 to index
        %swap3A_818 = arith.constant 208 : index
        %swap3A_819 = tpu.vector_load %arg10[%swap3A_816, %swap3A_817, %swap3A_818] {strides = array<i32>} : memref<2x56x224xf32, #tpu.memory_space<vmem>>, vector<1x1x16xf32>,
        %swap3A_820 = vector.shape_cast %swap3A_819 : vector<1x1x16xf32> to vector<16xf32>
        %swap3A_821 = vector.shape_cast %add3A_814 : vector<16xf32> to vector<1x1x16xf32>
        tpu.vector_store %arg10[%swap3A_816, %swap3A_817, %swap3A_818], %swap3A_821 {strides = array<i32>} : memref<2x56x224xf32, #tpu.memory_space<vmem>>, vector<1x1x16xf32>,
      }
      %scan3A_488 = arith.constant 56 : i32
      %add3A_489 = arith.addi %mul3A_2, %add3A_428 : i32
      %dma_start3A_490 = arith.constant 1 : i32
      %dma_start3A_491 = arith.constant 0 : i32
      %dma_start3A_492 = arith.constant 0 : i32
      %dma_start3A_493 = tpu.memref_slice %arg10[%dma_start3A_490, %dma_start3A_491, %dma_start3A_492] : memref<2x56x224xf32, #tpu.memory_space<vmem>> -> memref<1x56x224xf32, #tpu.memory_space<vmem>>
      %dma_start3A_494 = tpu.memref_squeeze %dma_start3A_493 : memref<1x56x224xf32, #tpu.memory_space<vmem>> -> memref<56x224xf32, #tpu.memory_space<vmem>>
      %dma_start3A_495 = arith.constant 0 : i32
      %dma_start3A_496 = arith.constant 0 : i32
      %dma_start3A_497 = tpu.memref_slice %arg5[%add3A_489, %dma_start3A_495, %dma_start3A_496] : memref<3072x56x224xf32, #tpu.memory_space<hbm>> -> memref<1x56x224xf32, #tpu.memory_space<hbm>>
      %dma_start3A_498 = tpu.memref_squeeze %dma_start3A_497 : memref<1x56x224xf32, #tpu.memory_space<hbm>> -> memref<56x224xf32, #tpu.memory_space<hbm>>
      %dma_start3A_499 = arith.constant 0 : i32
      %dma_start3A_500 = arith.constant 0 : i32
      %dma_start3A_501 = tpu.memref_slice %arg5[%add3A_489, %dma_start3A_499, %dma_start3A_500] : memref<3072x56x224xf32, #tpu.memory_space<hbm>> -> memref<1x56x224xf32, #tpu.memory_space<hbm>>
      %dma_start3A_502 = tpu.memref_squeeze %dma_start3A_501 : memref<1x56x224xf32, #tpu.memory_space<hbm>> -> memref<56x224xf32, #tpu.memory_space<hbm>>
      %dma_start3A_503 = arith.constant 0 : i32
      %dma_start3A_504 = arith.constant 0 : i32
      %dma_start3A_505 = tpu.memref_slice %arg10[%dma_start3A_490, %dma_start3A_503, %dma_start3A_504] : memref<2x56x224xf32, #tpu.memory_space<vmem>> -> memref<1x56x224xf32, #tpu.memory_space<vmem>>
      %dma_start3A_506 = tpu.memref_squeeze %dma_start3A_505 : memref<1x56x224xf32, #tpu.memory_space<vmem>> -> memref<56x224xf32, #tpu.memory_space<vmem>>
      tpu.enqueue_dma source(%dma_start3A_506 : memref<56x224xf32, #tpu.memory_space<vmem>>) target(%dma_start3A_502 : memref<56x224xf32, #tpu.memory_space<hbm>>) target_semaphore(%arg13 : memref<!tpu.dma_semaphore, #tpu.memory_space<semaphore_mem>>)
      %add3A_507 = arith.constant 2 : i32
      %add3A_508 = arith.addi %add3A_428, %add3A_507 : i32
      %lt3A_509 = arith.constant 96 : i32
      %lt3A_510 = arith.cmpi slt, %add3A_508, %lt3A_509 : i32
      %convert_element_type3A_511 = arith.extui %lt3A_510 : i1 to i32
      %cond3A_512 = arith.constant 0 : i32
      %cond3A_513 = arith.cmpi ne, %convert_element_type3A_511, %cond3A_512 : i32
      scf.if %cond3A_513 {
        %add3A_514 = arith.constant 2 : i32
        %add3A_515 = arith.addi %add3A_428, %add3A_514 : i32
        %add3A_516 = arith.addi %mul3A_2, %add3A_515 : i32
        %dma_start3A_517 = arith.constant 1 : i32
        %dma_start3A_518 = arith.constant 0 : i32
        %dma_start3A_519 = arith.constant 0 : i32
        %dma_start3A_520 = tpu.memref_slice %arg8[%dma_start3A_517, %dma_start3A_518, %dma_start3A_519] : memref<2x56x224xf32, #tpu.memory_space<vmem>> -> memref<1x56x224xf32, #tpu.memory_space<vmem>>
        %dma_start3A_521 = tpu.memref_squeeze %dma_start3A_520 : memref<1x56x224xf32, #tpu.memory_space<vmem>> -> memref<56x224xf32, #tpu.memory_space<vmem>>
        %dma_start3A_522 = arith.constant 0 : i32
        %dma_start3A_523 = arith.constant 0 : i32
        %dma_start3A_524 = tpu.memref_slice %arg2[%add3A_516, %dma_start3A_522, %dma_start3A_523] : memref<3072x56x224xf32, #tpu.memory_space<hbm>> -> memref<1x56x224xf32, #tpu.memory_space<hbm>>
        %dma_start3A_525 = tpu.memref_squeeze %dma_start3A_524 : memref<1x56x224xf32, #tpu.memory_space<hbm>> -> memref<56x224xf32, #tpu.memory_space<hbm>>
        %dma_start3A_526 = arith.constant 0 : i32
        %dma_start3A_527 = arith.constant 0 : i32
        %dma_start3A_528 = tpu.memref_slice %arg8[%dma_start3A_517, %dma_start3A_526, %dma_start3A_527] : memref<2x56x224xf32, #tpu.memory_space<vmem>> -> memref<1x56x224xf32, #tpu.memory_space<vmem>>
        %dma_start3A_529 = tpu.memref_squeeze %dma_start3A_528 : memref<1x56x224xf32, #tpu.memory_space<vmem>> -> memref<56x224xf32, #tpu.memory_space<vmem>>
        %dma_start3A_530 = arith.constant 0 : i32
        %dma_start3A_531 = arith.constant 0 : i32
        %dma_start3A_532 = tpu.memref_slice %arg2[%add3A_516, %dma_start3A_530, %dma_start3A_531] : memref<3072x56x224xf32, #tpu.memory_space<hbm>> -> memref<1x56x224xf32, #tpu.memory_space<hbm>>
        %dma_start3A_533 = tpu.memref_squeeze %dma_start3A_532 : memref<1x56x224xf32, #tpu.memory_space<hbm>> -> memref<56x224xf32, #tpu.memory_space<hbm>>
        tpu.enqueue_dma source(%dma_start3A_533 : memref<56x224xf32, #tpu.memory_space<hbm>>) target(%dma_start3A_529 : memref<56x224xf32, #tpu.memory_space<vmem>>) target_semaphore(%arg11 : memref<!tpu.dma_semaphore, #tpu.memory_space<semaphore_mem>>)
        %get3A_534 = arith.index_cast %add3A_515 : i32 to index
        %get3A_535 = arith.constant 0 : index
        %get3A_536 = tpu.vector_load %arg6[%get3A_534, %get3A_535] {strides = array<i32>} : memref<96x16xi32, #tpu.memory_space<vmem>>, vector<1x16xi32>,
        %get3A_537 = vector.shape_cast %get3A_536 : vector<1x16xi32> to vector<16xi32>
        %slice3A_538 = vector.extract_strided_slice %get3A_537 {offsets = [0], sizes = [1], strides = [1]} : vector<16xi32> to vector<1xi32>
        %squeeze3A_539 = vector.extract %slice3A_538[0] : i32 from vector<1xi32>
        %dma_start3A_540 = arith.constant 1 : i32
        %dma_start3A_541 = arith.constant 0 : i32
        %dma_start3A_542 = arith.constant 0 : i32
        %dma_start3A_543 = tpu.memref_slice %arg9[%dma_start3A_540, %dma_start3A_541, %dma_start3A_542] : memref<2x56x224xf32, #tpu.memory_space<vmem>> -> memref<1x56x224xf32, #tpu.memory_space<vmem>>
        %dma_start3A_544 = tpu.memref_squeeze %dma_start3A_543 : memref<1x56x224xf32, #tpu.memory_space<vmem>> -> memref<56x224xf32, #tpu.memory_space<vmem>>
        %dma_start3A_545 = arith.constant 0 : i32
        %dma_start3A_546 = arith.constant 0 : i32
        %dma_start3A_547 = tpu.memref_slice %arg2[%squeeze3A_539, %dma_start3A_545, %dma_start3A_546] : memref<3072x56x224xf32, #tpu.memory_space<hbm>> -> memref<1x56x224xf32, #tpu.memory_space<hbm>>
        %dma_start3A_548 = tpu.memref_squeeze %dma_start3A_547 : memref<1x56x224xf32, #tpu.memory_space<hbm>> -> memref<56x224xf32, #tpu.memory_space<hbm>>
        %dma_start3A_549 = arith.constant 0 : i32
        %dma_start3A_550 = arith.constant 0 : i32
        %dma_start3A_551 = tpu.memref_slice %arg9[%dma_start3A_540, %dma_start3A_549, %dma_start3A_550] : memref<2x56x224xf32, #tpu.memory_space<vmem>> -> memref<1x56x224xf32, #tpu.memory_space<vmem>>
        %dma_start3A_552 = tpu.memref_squeeze %dma_start3A_551 : memref<1x56x224xf32, #tpu.memory_space<vmem>> -> memref<56x224xf32, #tpu.memory_space<vmem>>
        %dma_start3A_553 = arith.constant 0 : i32
        %dma_start3A_554 = arith.constant 0 : i32
        %dma_start3A_555 = tpu.memref_slice %arg2[%squeeze3A_539, %dma_start3A_553, %dma_start3A_554] : memref<3072x56x224xf32, #tpu.memory_space<hbm>> -> memref<1x56x224xf32, #tpu.memory_space<hbm>>
        %dma_start3A_556 = tpu.memref_squeeze %dma_start3A_555 : memref<1x56x224xf32, #tpu.memory_space<hbm>> -> memref<56x224xf32, #tpu.memory_space<hbm>>
        tpu.enqueue_dma source(%dma_start3A_556 : memref<56x224xf32, #tpu.memory_space<hbm>>) target(%dma_start3A_552 : memref<56x224xf32, #tpu.memory_space<vmem>>) target_semaphore(%arg12 : memref<!tpu.dma_semaphore, #tpu.memory_space<semaphore_mem>>)
      } else {
      }
    }
    %scan3A_301 = arith.constant 47 : i32
    %dma_wait3A_302 = arith.constant 0 : i32
    %dma_wait3A_303 = arith.constant 0 : i32
    %dma_wait3A_304 = arith.constant 0 : i32
    %dma_wait3A_305 = arith.constant 0 : i32
    %dma_wait3A_306 = tpu.memref_slice %arg10[%dma_wait3A_302, %dma_wait3A_304, %dma_wait3A_305] : memref<2x56x224xf32, #tpu.memory_space<vmem>> -> memref<1x56x224xf32, #tpu.memory_space<vmem>>
    %dma_wait3A_307 = tpu.memref_squeeze %dma_wait3A_306 : memref<1x56x224xf32, #tpu.memory_space<vmem>> -> memref<56x224xf32, #tpu.memory_space<vmem>>
    %dma_wait3A_308 = arith.constant 0 : i32
    %dma_wait3A_309 = arith.constant 0 : i32
    %dma_wait3A_310 = tpu.memref_slice %arg5[%dma_wait3A_303, %dma_wait3A_308, %dma_wait3A_309] : memref<3072x56x224xf32, #tpu.memory_space<hbm>> -> memref<1x56x224xf32, #tpu.memory_space<hbm>>
    %dma_wait3A_311 = tpu.memref_squeeze %dma_wait3A_310 : memref<1x56x224xf32, #tpu.memory_space<hbm>> -> memref<56x224xf32, #tpu.memory_space<hbm>>
    %dma_wait3A_312 = arith.constant 0 : i32
    %dma_wait3A_313 = arith.constant 0 : i32
    %dma_wait3A_314 = tpu.memref_slice %arg5[%dma_wait3A_303, %dma_wait3A_312, %dma_wait3A_313] : memref<3072x56x224xf32, #tpu.memory_space<hbm>> -> memref<1x56x224xf32, #tpu.memory_space<hbm>>
    %dma_wait3A_315 = tpu.memref_squeeze %dma_wait3A_314 : memref<1x56x224xf32, #tpu.memory_space<hbm>> -> memref<56x224xf32, #tpu.memory_space<hbm>>
    %dma_wait3A_316 = arith.constant 0 : i32
    %dma_wait3A_317 = arith.constant 0 : i32
    %dma_wait3A_318 = tpu.memref_slice %arg10[%dma_wait3A_302, %dma_wait3A_316, %dma_wait3A_317] : memref<2x56x224xf32, #tpu.memory_space<vmem>> -> memref<1x56x224xf32, #tpu.memory_space<vmem>>
    %dma_wait3A_319 = tpu.memref_squeeze %dma_wait3A_318 : memref<1x56x224xf32, #tpu.memory_space<vmem>> -> memref<56x224xf32, #tpu.memory_space<vmem>>
    tpu.wait_dma2 semaphore(%arg13 : memref<!tpu.dma_semaphore, #tpu.memory_space<semaphore_mem>>) src(%dma_wait3A_319 : memref<56x224xf32, #tpu.memory_space<vmem>>) dst(%dma_wait3A_315 : memref<56x224xf32, #tpu.memory_space<hbm>>)
    %dma_wait3A_320 = arith.constant 1 : i32
    %dma_wait3A_321 = arith.constant 0 : i32
    %dma_wait3A_322 = arith.constant 0 : i32
    %dma_wait3A_323 = arith.constant 0 : i32
    %dma_wait3A_324 = tpu.memref_slice %arg10[%dma_wait3A_320, %dma_wait3A_322, %dma_wait3A_323] : memref<2x56x224xf32, #tpu.memory_space<vmem>> -> memref<1x56x224xf32, #tpu.memory_space<vmem>>
    %dma_wait3A_325 = tpu.memref_squeeze %dma_wait3A_324 : memref<1x56x224xf32, #tpu.memory_space<vmem>> -> memref<56x224xf32, #tpu.memory_space<vmem>>
    %dma_wait3A_326 = arith.constant 0 : i32
    %dma_wait3A_327 = arith.constant 0 : i32
    %dma_wait3A_328 = tpu.memref_slice %arg5[%dma_wait3A_321, %dma_wait3A_326, %dma_wait3A_327] : memref<3072x56x224xf32, #tpu.memory_space<hbm>> -> memref<1x56x224xf32, #tpu.memory_space<hbm>>
    %dma_wait3A_329 = tpu.memref_squeeze %dma_wait3A_328 : memref<1x56x224xf32, #tpu.memory_space<hbm>> -> memref<56x224xf32, #tpu.memory_space<hbm>>
    %dma_wait3A_330 = arith.constant 0 : i32
    %dma_wait3A_331 = arith.constant 0 : i32
    %dma_wait3A_332 = tpu.memref_slice %arg5[%dma_wait3A_321, %dma_wait3A_330, %dma_wait3A_331] : memref<3072x56x224xf32, #tpu.memory_space<hbm>> -> memref<1x56x224xf32, #tpu.memory_space<hbm>>
    %dma_wait3A_333 = tpu.memref_squeeze %dma_wait3A_332 : memref<1x56x224xf32, #tpu.memory_space<hbm>> -> memref<56x224xf32, #tpu.memory_space<hbm>>
    %dma_wait3A_334 = arith.constant 0 : i32
    %dma_wait3A_335 = arith.constant 0 : i32
    %dma_wait3A_336 = tpu.memref_slice %arg10[%dma_wait3A_320, %dma_wait3A_334, %dma_wait3A_335] : memref<2x56x224xf32, #tpu.memory_space<vmem>> -> memref<1x56x224xf32, #tpu.memory_space<vmem>>
    %dma_wait3A_337 = tpu.memref_squeeze %dma_wait3A_336 : memref<1x56x224xf32, #tpu.memory_space<vmem>> -> memref<56x224xf32, #tpu.memory_space<vmem>>
    tpu.wait_dma2 semaphore(%arg13 : memref<!tpu.dma_semaphore, #tpu.memory_space<semaphore_mem>>) src(%dma_wait3A_337 : memref<56x224xf32, #tpu.memory_space<vmem>>) dst(%dma_wait3A_333 : memref<56x224xf32, #tpu.memory_space<hbm>>)
    return
  }
}

module attributes {stable_mosaic.version = 14 : i64} {
  func.func @_y_body(%arg0: memref<256x256xf32, #tpu.memory_space<vmem>>, %arg1: memref<256x1000xf32, #tpu.memory_space<vmem>>, %arg2: memref<256x1000xf32, #tpu.memory_space<vmem>>) attributes {dimension_semantics = [], scalar_prefetch = 0 : i64, scratch_operands = 0 : i64, tpu.core_type = #tpu.core_type<tc>} {
    %get3A = arith.constant 0 : index
    %get3A_0 = arith.constant 0 : index
    %get3A_1 = vector.load %arg0[%get3A, %get3A_0] : memref<256x256xf32, #tpu.memory_space<vmem>>, vector<256x256xf32>
    %get3A_2 = arith.constant 0 : index
    %get3A_3 = arith.constant 0 : index
    %get3A_4 = vector.load %arg1[%get3A_2, %get3A_3] : memref<256x1000xf32, #tpu.memory_space<vmem>>, vector<256x1000xf32>
    %dot_general3A = arith.constant dense<0.000000e+00> : vector<256x1000xf32>
    %dot_general3A_5 = tpu.matmul %get3A_1, %get3A_4, %dot_general3A {dimension_numbers = #tpu.dot_dimension_numbers<[1], [0], [0], [1], [0, 0, 1, 1], [], []>, transpose_lhs_hint = false} : vector<256x256xf32>, vector<256x1000xf32>, vector<256x1000xf32> -> vector<256x1000xf32>
    %swap3A = arith.constant 0 : index
    %swap3A_6 = arith.constant 0 : index
    %swap3A_7 = vector.load %arg2[%swap3A, %swap3A_6] : memref<256x1000xf32, #tpu.memory_space<vmem>>, vector<256x1000xf32>
    tpu.vector_store %arg2[%swap3A, %swap3A_6], %dot_general3A_5 {strides = array<i32>} : memref<256x1000xf32, #tpu.memory_space<vmem>>, vector<256x1000xf32>,
    return
  }
}

</mosaic_0001>

<sc_bundles>
// kernel: kernel.6.cloned.1.call-start
scs
__scs_entry_jumppad:
0x0: {  	(pc) =	sbr.rel $0x88, $3  }
0x1: {  	(tag) =	ssettag $0x0;
	lr =	simm.s32 $0x1  }
0x2: {  	[smem:$0x3F9F] =	sst lr;
	_ =	strace $0xD0000000  }
0x3: {  	_ = 	snop  }
0x4: {  	_ = 	snop  }
0x5: {  	_ = 	snop  }
0x6: {  	_ = 	snop  }
0x7: {  	_ = 	snop  }
__scs_overlays_trampoline_lowered:
0x8: {  	[smem:$0x3FAE] =	sst s0  }
0x9: {  	[smem:$0x3FAF] =	sst s1  }
0xa: {  	[smem:$0x3FB0] =	sst s2  }
0xb: {  	[smem:$0x3FB1] =	sst s3  }
0xc: {  	[smem:$0x3FB2] =	sst s4  }
0xd: {  	[smem:$0x3FB3] =	sst s5  }
0xe: {  	[smem:$0x3FB4] =	sst s6  }
0xf: {  	[smem:$0x3FB5] =	sst s7  }
0x10: {  	[smem:$0x3FB6] =	sst s8  }
0x11: {  	[smem:$0x3FB7] =	sst s9;
	s0 =	simm.s32 @!p0 $0x0  }
0x12: {  	s1 =	sld [smem:$0x3F9D];
	s0 =	simm.s32 @p0 $0x1  }
0x13: {  	[smem:$0x3FB8] =	sst s0;
	s0 =	simm.s32 @!p1 $0x0  }
0x14: {  	s2 =	sld [smem:$0x3F9C];
	s0 =	simm.s32 @p1 $0x1  }
0x15: {  	[smem:$0x3FB9] =	sst s0;
	s0 =	simm.s32 @!p2 $0x0  }
0x16: {  	s3 =	sld [smem:$0x3FDB];
	s0 =	simm.s32 @p2 $0x1  }
0x17: {  	s4 =	simm.s32 $0x1BF5;
	[smem:$0x3FBB] =	sst s0  }
0x18: {  	s0 =	sld [smem:$0x3F9E];
	_ =	swait.ge [sflag:s4], $0x0  }
0x19: {  	s7 =	sld [smem:$0x3F9F]  }
0x1a: {  	s8 =	sadd.s32 $0xFFFFE003, lr  }
0x1b: {  	s9 =	sadd.s32 $0xFFFFFEF7, lr;
	s5 =	simm.s32 $0xFFFFFFFF;
	p2 =	slt.u32 s8, $0xFFFFF086  }
0x1c: {  	p1 =	slt.u32 s9, $0xF7A;
	s5 =	simm.s32 @!p2 $0x0  }
0x1d: {  	s5 =	simm.s32 @p1 $0x1;
	p0 =	seq.s32 s7, s2  }
0x1e: {  	s7 =	smul.u32 @!p0 $0xF7A, s2;
	p2 =	seq.s32 @!p0 s5, $0x0  }
0x1f: {  	s9 =	smul.u32 $0xF7A, s1;
	s8 =	simm.s32 @!p0 $0x1BF5;
	p2 =	por !p2, p0  }
0x20: {  	[sflag:s8] =	ssyncset.s32 @!p0 $0xFFFFF086;
	s6 =	sadd.s32 @!p0 s3, s7;
	s7 =	simm.s32 @!p0 $0x108  }
0x21: {  	s3 =	sadd.s32 s3, s9;
	s6 =	sadd.s32 @!p0 $0x88, s6;
	s7 =	simm.s32 @p2 $0x1082  }
0x22: {  	[simem:s7], [sflag:s8] =	dma.local @!p0 [hbm:s6], $0xF7A  }
0x23: {  	s9 =	sor.u32 $0xD0000000, s2;
	s6 =	simm.s32 $0x108;
	_ =	swait.ge @!p0 [sflag:s8], $0x0  }
0x24: {  	s3 =	sadd.s32 $0x88, s3;
	s6 =	simm.s32 @!p1 $0x1082;
	[sflag:s4] =	ssyncset.s32 $0xFFFFF086  }
0x25: {  	[simem:s6], [sflag:s4] =	dma.local [hbm:s3], $0xF7A  }
0x26: {  	[smem:$0x3F9F] =	sst s1;
	(tag) =	ssettag s2;
	_ =	strace s9  }
0x27: {  	s1 =	sld [smem:$0x3FAF]  }
0x28: {  	s2 =	sld [smem:$0x3FB0]  }
0x29: {  	s4 =	sld [smem:$0x3FB2]  }
0x2a: {  	p0 =	seq.s32 s5, $0x0;
	s5 =	sld [smem:$0x3FB3]  }
0x2b: {  	s6 =	sld [smem:$0x3FB4]  }
0x2c: {  	s7 =	sld [smem:$0x3FB5]  }
0x2d: {  	s3 =	simm.s32 $0x108;
	s8 =	sld [smem:$0x3FB6]  }
0x2e: {  	s3 =	simm.s32 @!p0 $0x1082;
	s9 =	sld [smem:$0x3FB7]  }
0x2f: {  	lr =	sadd.s32 s0, s3;
	s0 =	sld [smem:$0x3FAE]  }
0x30: {  	s3 =	sld [smem:$0x3FB1]  }
0x31: {  	[smem:$0x3FBA] =	sst s10  }
0x32: {  	s10 =	sld [smem:$0x3FB8];
	_ =	sdelay $0x3  }
0x33: {  	p0 =	seq.s32 s10, $0x1;
	s10 =	sld [smem:$0x3FBA];
	_ =	sdelay $0x3  }
0x34: {  	[smem:$0x3FBA] =	sst s10  }
0x35: {  	s10 =	sld [smem:$0x3FB9];
	_ =	sdelay $0x3  }
0x36: {  	p1 =	seq.s32 s10, $0x1;
	s10 =	sld [smem:$0x3FBA];
	_ =	sdelay $0x3  }
0x37: {  	[smem:$0x3FBA] =	sst s10  }
0x38: {  	s10 =	sld [smem:$0x3FBB]  }
0x39: {  	_ = 	snop;
	(pc) =	sbr.ind lr, $3  }
0x3a: {  	_ = 	snop  }
0x3b: {  	_ = 	snop  }
0x3c: {  	p2 =	seq.s32 s10, $0x1;
	s10 =	sld [smem:$0x3FBA]  }
0x3d: {  	_ =	shalt  }
0x3e: {  	_ =	shalt  }
0x3f: {  	_ =	shalt  }
0x40: {  	_ =	shalt  }
0x41: {  	_ =	shalt  }
0x42: {  	_ =	shalt  }
0x43: {  	_ =	shalt  }
0x44: {  	_ =	shalt  }
0x45: {  	_ =	shalt  }
0x46: {  	_ =	shalt  }
0x47: {  	_ =	shalt  }
0x48: {  	_ =	shalt  }
0x49: {  	_ =	shalt  }
0x4a: {  	_ =	shalt  }
0x4b: {  	_ =	shalt  }
0x4c: {  	_ =	shalt  }
0x4d: {  	_ =	shalt  }
0x4e: {  	_ =	shalt  }
0x4f: {  	_ =	shalt  }
0x50: {  	_ =	shalt  }
0x51: {  	_ =	shalt  }
0x52: {  	_ =	shalt  }
0x53: {  	_ =	shalt  }
0x54: {  	_ =	shalt  }
0x55: {  	_ =	shalt  }
0x56: {  	_ =	shalt  }
0x57: {  	_ =	shalt  }
0x58: {  	_ =	shalt  }
0x59: {  	_ =	shalt  }
0x5a: {  	_ =	shalt  }
0x5b: {  	_ =	shalt  }
0x5c: {  	_ =	shalt  }
0x5d: {  	_ =	shalt  }
0x5e: {  	_ =	shalt  }
0x5f: {  	_ =	shalt  }
0x60: {  	_ =	shalt  }
0x61: {  	_ =	shalt  }
0x62: {  	_ =	shalt  }
0x63: {  	_ =	shalt  }
0x64: {  	_ =	shalt  }
0x65: {  	_ =	shalt  }
0x66: {  	_ =	shalt  }
0x67: {  	_ =	shalt  }
0x68: {  	_ =	shalt  }
0x69: {  	_ =	shalt  }
0x6a: {  	_ =	shalt  }
0x6b: {  	_ =	shalt  }
0x6c: {  	_ =	shalt  }
0x6d: {  	_ =	shalt  }
0x6e: {  	_ =	shalt  }
0x6f: {  	_ =	shalt  }
0x70: {  	_ =	shalt  }
0x71: {  	_ =	shalt  }
0x72: {  	_ =	shalt  }
0x73: {  	_ =	shalt  }
0x74: {  	_ =	shalt  }
0x75: {  	_ =	shalt  }
0x76: {  	_ =	shalt  }
0x77: {  	_ =	shalt  }
0x78: {  	_ =	shalt  }
0x79: {  	_ =	shalt  }
0x7a: {  	_ =	shalt  }
0x7b: {  	_ =	shalt  }
0x7c: {  	_ =	shalt  }
0x7d: {  	_ =	shalt  }
0x7e: {  	_ =	shalt  }
0x7f: {  	_ =	shalt  }
0x80: {  	_ =	shalt  }
0x81: {  	_ =	shalt  }
0x82: {  	_ =	shalt  }
0x83: {  	_ =	shalt  }
0x84: {  	_ =	shalt  }
0x85: {  	_ =	shalt  }
0x86: {  	_ =	shalt  }
0x87: {  	_ =	shalt  }
.Lfunc_end0:
.L_simem_size_0:
called_computation.1_lowered:
.L_overlay_start_0:
0x88: {  	s2 =	sld [smem:$0x3FD9]  }
0x89: {  	s3 =	sld [smem:$0x3FFE];
	_ =	sdelay $0x1  }
0x8a: {  	s1 =	srdreg.scid  }
0x8b: {  	s0 =	sand.u32 $0x1, s1  }
0x8c: {  	s14 =	sshll.u32 s0, $0xA;
	s2 =	sadd.s32 s3, s2  }
0x8d: {  	s2 =	sadd.s32 s2, s14  }
0x8e: {  	[smem:$0x3FC6] =	sst s2  }
0x8f: {  	_ = 	snop  }
0x90: {  	s2 =	sld [smem:$0x3FD0];
	_ =	sdelay $0x2  }
0x91: {  	s15 =	simm.s32 $0xA;
	s4 =	simm.s32 $0x10  }
0x92: {  	[smem:s4], [sflag:s15] =	dma.local [hbm:s2], $0x1  }
0x93: {  	_ =	swait.eq [sflag:s15], $0x1  }
0x94: {  	[sflag:s15] =	ssyncset.done $0x0  }
0x95: {  	s16 =	sld [smem:$0x10];
	[sflag:s15] =	ssyncadd.s32 $0xFFFFFFFF  }
0x96: {  	s17 =	sld [smem:$0x11];
	(tm) =	ssettm $0x1  }
0x97: {  	s18 =	sld [smem:$0x3FFB];
	_ =	sdelay $0x3  }
0x98: {  	_ =	strace s18  }
0x99: {  	s4 =	sld [smem:$0x3FFC];
	_ =	sdelay $0x3  }
0x9a: {  	_ =	strace s4  }
0x9b: {  	s4 =	sld [smem:$0x3FFD];
	_ =	sdelay $0x3  }
0x9c: {  	_ =	strace s4  }
0x9d: {  	_ =	strace $0x8FFFFFFF  }
0x9e: {  	s19 =	sld [smem:$0x3FDB];
	_ =	sdelay $0x1  }
0x9f: {  	s5 =	simm.s32 $_scs_section_size  }
0xa0: {  	s6 =	simm.s32 $_size__tile_overlayer_lowered;
	s7 =	simm.s32 $_tile_overlayer_lowered  }
0xa1: {  	s22 =	simm.s32 $0x1BFF;
	s21 =	sshll.u32 s7, $0x1;
	s4 =	sadd.s32 s5, s19  }
0xa2: {  	s8 =	simm.s32 $0x0;
	s20 =	sshll.u32 s6, $0x1;
	s6 =	sadd.s32 s21, s4  }
0xa3: {  	[timem:s8], [sflag:s22] =	dma.local [hbm:s6], s20  }
0xa4: {  	_ =	swait.ge [sflag:s22], s20  }
0xa5: {  	s5 =	ssub.s32 $0x0, s20;
	[sflag:s22] =	ssyncset.done $0x0  }
0xa6: {  	[sflag:s22] =	ssyncadd.s32 s5;
	_ =	sdelay $0x1  }
0xa7: {  	s23 =	simm.s32 $0x1B8B  }
0xa8: {  	_ =	swait.ge [sflag:s23], $0x1  }
0xa9: {  	[sflag:s23] =	ssyncset.done $0x0  }
0xaa: {  	s25 =	simm.s32 $0x1B8E;
	s24 =	sld [smem:$0x3FFE];
	[sflag:s23] =	ssyncadd.s32 $0xFFFFFFFF  }
0xab: {  	s26 =	simm.s32 $execute0_lowered;
	[smem:$0x3FD2] =	sst s25  }
0xac: {  	s6 =	sshll.u32 s26, $0x1;
	_ =	strace $0x80000046;
	[dreg:$0x1] =	wrdreg $0xFFFFFFFF  }
0xad: {  	s28 =	simm.s32 $_size_execute0_lowered;
	s4 =	sadd.s32 s4, s6;
	[dreg:$0x0] =	wrdreg $0x0  }
0xae: {  	s6 =	sshll.u32 s28, $0x1;
	[dreg:$0x2] =	wrdreg s4  }
0xaf: {  	[dreg:$0x3] =	wrdreg s6  }
0xb0: {  	[dreg:$0x4] =	wrdreg $0xC0  }
0xb1: {  	_ =	task [dreg:s8], $0x5FFFF  }
0xb2: {  	[dreg:$0x1] =	wrdreg $0xFFFFFFFF  }
0xb3: {  	[dreg:$0x0] =	wrdreg $0x60  }
0xb4: {  	[dreg:$0x2] =	wrdreg s24  }
0xb5: {  	[dreg:$0x3] =	wrdreg s16  }
0xb6: {  	[dreg:$0x4] =	wrdreg s17  }
0xb7: {  	[dreg:$0x5] =	wrdreg $0x9  }
0xb8: {  	_ =	task.clear_ibuf [dreg:s8], $0x6FFFF;
	_ =	strace $0x90000046  }
0xb9: {  	s29 =	simm.s32 $0x9;
	_ =	strace $0x80000048  }
0xba: {  	_ =	swait.ge [sflag:s29], $0x1  }
0xbb: {  	[sflag:s29] =	ssyncadd.s32 $0xFFFFFFFF  }
0xbc: {  	_ =	strace $0x90000048  }
0xbd: {  	_ =	sfence  }
0xbe: {  	s30 =	sld [smem:$0x0];
	_ =	sdelay $0x2  }
0xbf: {  	s31 =	sshll.u32 s1, $0xD;
	s1 =	sshrl.u32 s1, $0x2  }
0xc0: {  	s3 =	sand.u32 $0x4000, s31;
	s1 =	sadd.s32 s1, s30  }
0xc1: {  	s0 =	sor.u32 s3, s0;
	s1 =	sshll.u32 s1, $0x11  }
0xc2: {  	s0 =	sor.u32 s1, s0  }
0xc3: {  	s0 =	sadd.s32 $0x8F2B, s0  }
0xc4: {  	[sflag:s0] =	ssyncadd.remote.s32 $0x1  }
0xc5: {  	_ =	sfence.sel $0xFFFF  }
0xc6: {  	[dreg:$0x0] =	wrdreg $0xFFFFFFFF;
	(pc) =	sbr.abs _section_cstart, $3  }
0xc7: {  	[dreg:$0x1] =	wrdreg $0xFFFFFFFF  }
0xc8: {  	_ =	task.clear_ibuf [dreg:s8], $0x2FFFF;
	_ =	strace $0x9FFFFFFF  }
0xc9: {  	(tm) =	ssettm $0x7FFFFFFF  }
tec
execute0_lowered:
.L_overlay_start_1:
0x0: {  	(tag) =	ssettag $0x1  }
0x1: {  	s0 =	rddreg [dreg:$0x0]  }
0x2: {  	s1 =	rddreg [dreg:$0x1];
	s3 =	simm.s32 $0x0;
	s2 =	srdreg.scid  }
0x3: {  	s4 =	stileid.u32;
	s16 =	simm.s32 $0x4;
	s18 =	simm.s32 $0x3080  }
0x4: {  	s19 =	simm.s32 $0xA080;
	s20 =	simm.s32 $0x6880;
	s21 =	simm.s32 $0xD880  }
0x5: {  	s22 =	simm.s32 $0x1;
	s23 =	simm.s32 $0x2;
	s24 =	simm.s32 $0x11080  }
0x6: {  	s25 =	simm.s32 $0x14880;
	s2 =	sand.u32 $0x1, s2;
	s4 =	sshll.u32 s4, $0x1  }
0x7: {  	s26 =	simm.s32 $0x3;
	s28 =	simm.s32 $0x0;
	s6 =	sor.u32 s2, s4  }
0x8: {  	[smem:$0x7FF] =	sst s3;
	s5 =	sadd.s32 $0x544000, s0;
	s10 =	smul.u32 $0x2A000, s6  }
0x9: {  	_ =	strace $0x80000047;
	s2 =	ssub.s32 $0x2, s2;
	s7 =	smul.u32 $0x600, s6  }
.Ltmp0:
0xa: {  	s4 =	sadd.s32 $0x4000, s0;
	s30 =	sshrl.u32 s2, $0x1;
	(pc) =	sbr.rel .LBB2_1-.Ltmp0, $4  }
0xb: {  	s6 =	smul.u32 $0x60, s6;
	s0 =	ssub.s32 s2, s30;
	s31 =	sor.u32 $0x700, s10  }
0xc: {  	s7 =	sadd.s32 s1, s7;
	s8 =	sadd.s32 s4, s10;
	s10 =	sadd.s32 s5, s10  }
0xd: {  	s14 =	sor.u32 $0x1, s6;
	s15 =	smax.u32 s0, $0x1;
	s9 =	sadd.s32 s4, s31  }
0xe: {  	s11 =	sadd.s32 $0xE00, s8;
	s12 =	sadd.s32 s5, s31;
	s13 =	sadd.s32 $0x1500, s8  }
.LBB2_12:
0xf: {  	s28 =	sadd.s32 $0x1, s28  }
0x10: {  	_ =	swait.ge [sflag:s26], $0x3800;
	p0 =	sne.s32 s28, s15  }
.Ltmp1:
0x11: {  	[sflag:s26] =	ssyncset.done $0x0;
	(pc) =	sbr.rel @!p0 .LBB2_13-.Ltmp1, $4  }
0x12: {  	[sflag:s26] =	ssyncadd.s32 $0xFFFFC800  }
0x13: {  	_ =	swait.ge [sflag:s26], $0x3800  }
0x14: {  	[sflag:s26] =	ssyncset.done $0x0  }
0x15: {  	[sflag:s26] =	ssyncadd.s32 $0xFFFFC800  }
.LBB2_1:
0x16: {  	[tilespmem:s3], [sflag:$0x4] =	stream.linear.gather [hbm4b:s7+s3], $0x3000, $0x38;
	[tilespmem:$0x18080] =	vst v63  }
0x17: {  	_ =	swait.ge [sflag:s16], $0x3000  }
0x18: {  	[sflag:s16] =	ssyncset.done $0x0  }
0x19: {  	[sflag:s16] =	ssyncadd.s32 $0xFFFFD000  }
0x1a: {  	s1 =	simm.s32 $0x3000;
	s0 =	rddreg [dreg:$0x2]  }
0x1b: {  	[tilespmem:s1], [sflag:$0x4] =	stream.linear.gather [hbm4b:s0+s3], $0x80, $0x38;
	[tilespmem:$0x18080] =	vst v63  }
0x1c: {  	_ =	swait.ge [sflag:s16], $0x80  }
0x1d: {  	[sflag:s16] =	ssyncset.done $0x0  }
0x1e: {  	[sflag:s16] =	ssyncadd.s32 $0xFFFFFF80  }
0x1f: {  	v0 =	vld [tilespmem:$0x3000];
	[tilespmem:s18], [sflag:$0x1] =	stream.linear.gather [hbm4b:s8+s3], $0x3800, $0x38  }
0x20: {  	v1 =	vld [tilespmem:$0x0];
	_ =	sdelay $0x4  }
0x21: {  	(v2sf) =	vpush v1, $0x0;
	_ =	sdelay $0xe  }
0x22: {  	s17 =	spop (v2sf)  }
0x23: {  	s0 =	smul.u32 $0x3800, s17;
	_ =	sdelay $0x1  }
0x24: {  	s0 =	sshrl.u32 s0, $0x3  }
0x25: {  	s0 =	sadd.s32 s4, s0  }
0x26: {  	[tilespmem:s19], [sflag:$0x2] =	stream.linear.gather [hbm4b:s0+s3], $0x3800, $0x38;
	[tilespmem:$0x18080] =	vst v63  }
0x27: {  	_ = 	snop  }
0x28: {  	[tilespmem:s20], [sflag:$0x1] =	stream.linear.gather [hbm4b:s9+s3], $0x3800, $0x38;
	[tilespmem:$0x18080] =	vst v63  }
0x29: {  	v1 =	vld [tilespmem:$0x80];
	_ =	sdelay $0x4  }
0x2a: {  	(v2sf) =	vpush v1, $0x0;
	_ =	sdelay $0xe  }
0x2b: {  	s31 =	spop (v2sf)  }
0x2c: {  	s0 =	smul.u32 $0x3800, s31;
	_ =	sdelay $0x1  }
0x2d: {  	s0 =	sshrl.u32 s0, $0x3  }
0x2e: {  	s0 =	sadd.s32 s4, s0  }
0x2f: {  	[tilespmem:s21], [sflag:$0x2] =	stream.linear.gather [hbm4b:s0+s3], $0x3800, $0x38;
	[tilespmem:$0x18080] =	vst v63  }
0x30: {  	_ =	swait.ge [sflag:s22], $0x3800  }
0x31: {  	[sflag:s22] =	ssyncset.done $0x0  }
0x32: {  	[sflag:s22] =	ssyncadd.s32 $0xFFFFC800  }
0x33: {  	_ =	swait.ge [sflag:s23], $0x3800  }
0x34: {  	s2 =	sand.u32 $0x380, s3;
	s1 =	sand.u32 $0x3800, s3;
	[sflag:s23] =	ssyncset.done $0x0  }
0x35: {  	s29 =	sor.u32 s2, s1;
	[sflag:s23] =	ssyncadd.s32 $0xFFFFC800  }
0x36: {  	v2 =	vld [tilespmem:s29+$0x34D0]  }
0x37: {  	v3 =	vld [tilespmem:s29+$0xA4D0]  }
0x38: {  	v4 =	vld [tilespmem:s29+$0x3080]  }
0x39: {  	v5 =	vld [tilespmem:s29+$0xA080]  }
0x3a: {  	v1 =	vsub.f32 $1.000000000e+00, v0;
	v6 =	vld [tilespmem:s29+$0x3090]  }
0x3b: {  	v7 =	vld [tilespmem:s29+$0xA090]  }
0x3c: {  	v8 =	vld [tilespmem:s29+$0x30A0];
	v2 =	vmul.f32 v2, v0;
	v3 =	vmul.f32 v3, v1  }
0x3d: {  	v9 =	vld [tilespmem:s29+$0xA0A0]  }
0x3e: {  	v10 =	vld [tilespmem:s29+$0x30B0];
	v4 =	vmul.f32 v4, v0;
	v5 =	vmul.f32 v5, v1;
	v2 =	vadd.f32 v3, v2  }
0x3f: {  	v3 =	vld [tilespmem:s29+$0xA0B0]  }
0x40: {  	v11 =	vld [tilespmem:s29+$0x30C0];
	v4 =	vadd.f32 v5, v4;
	v5 =	vmul.f32 v7, v1;
	[tilespmem:s29+$0x114D0] =	vst v2;
	v2 =	vmul.f32 v6, v0  }
0x41: {  	v6 =	vld [tilespmem:s29+$0xA0C0]  }
0x42: {  	v7 =	vmul.f32 v9, v1;
	[tilespmem:s29+$0x11080] =	vst v4;
	v4 =	vld [tilespmem:s29+$0x30D0];
	v2 =	vadd.f32 v5, v2;
	v5 =	vmul.f32 v8, v0  }
0x43: {  	v8 =	vld [tilespmem:s29+$0xA0D0]  }
0x44: {  	v9 =	vld [tilespmem:s29+$0xA0E0];
	v3 =	vmul.f32 v3, v1;
	[tilespmem:s29+$0x11090] =	vst v2;
	v2 =	vadd.f32 v7, v5;
	v7 =	vmul.f32 v10, v0  }
0x45: {  	v5 =	vld [tilespmem:s29+$0x30E0]  }
0x46: {  	v10 =	vld [tilespmem:s29+$0xA0F0];
	v6 =	vmul.f32 v6, v1;
	[tilespmem:s29+$0x110A0] =	vst v2;
	v2 =	vadd.f32 v3, v7;
	v7 =	vmul.f32 v11, v0  }
0x47: {  	v3 =	vld [tilespmem:s29+$0x30F0]  }
0x48: {  	v4 =	vmul.f32 v4, v0;
	[tilespmem:s29+$0x110B0] =	vst v2;
	v2 =	vadd.f32 v6, v7;
	v6 =	vld [tilespmem:s29+$0x3480];
	v7 =	vmul.f32 v8, v1  }
0x49: {  	v8 =	vld [tilespmem:s29+$0xA480]  }
0x4a: {  	v11 =	vld [tilespmem:s29+$0xA490];
	[tilespmem:s29+$0x110C0] =	vst v2;
	v2 =	vadd.f32 v7, v4;
	v4 =	vmul.f32 v5, v0;
	v5 =	vmul.f32 v9, v1  }
0x4b: {  	v7 =	vld [tilespmem:s29+$0x3490]  }
0x4c: {  	v12 =	vld [tilespmem:s29+$0x34A0];
	[tilespmem:s29+$0x110D0] =	vst v2;
	v2 =	vadd.f32 v5, v4;
	v4 =	vmul.f32 v3, v0;
	v5 =	vmul.f32 v10, v1  }
0x4d: {  	v3 =	vld [tilespmem:s29+$0xA4A0]  }
0x4e: {  	v6 =	vmul.f32 v6, v0;
	v8 =	vmul.f32 v8, v1;
	v5 =	vadd.f32 v5, v4;
	v4 =	vld [tilespmem:s29+$0x34B0]  }
0x4f: {  	s30 =	simm.s32 $0x80;
	s17 =	simm.s32 $0x100;
	[tilespmem:s29+$0x110E0] =	vst v2;
	v2 =	vld [tilespmem:s29+$0xA4B0]  }
0x50: {  	s31 =	sand.u32 $0x380, s30;
	s0 =	sand.u32 $0x3800, s17;
	v10 =	vmul.f32 v11, v1;
	v7 =	vmul.f32 v7, v0;
	v9 =	vadd.f32 v8, v6;
	[tilespmem:s29+$0x110F0] =	vst v5;
	v5 =	vld [tilespmem:s29+$0x34C0]  }
0x51: {  	s1 =	simm.s32 $0x200;
	s0 =	sor.u32 s31, s0;
	v8 =	vmul.f32 v12, v0;
	v6 =	vld [tilespmem:s29+$0xA4C0]  }
.LBB2_2:
0x52: {  	p0 =	sne.s32 s1, $0x3700;
	v11 =	vld [tilespmem:s0+$0x34D0];
	[tilespmem:s29+$0x11480] =	vst v9;
	v7 =	vadd.f32 v10, v7;
	v3 =	vmul.f32 v3, v1  }
0x53: {  	v9 =	vld [tilespmem:s0+$0xA4D0];
	v4 =	vmul.f32 v4, v0  }
0x54: {  	v10 =	vld [tilespmem:s0+$0x3080];
	[tilespmem:s29+$0x11490] =	vst v7;
	v3 =	vadd.f32 v3, v8;
	v2 =	vmul.f32 v2, v1  }
0x55: {  	v7 =	vld [tilespmem:s0+$0xA080];
	v5 =	vmul.f32 v5, v0  }
0x56: {  	v8 =	vld [tilespmem:s0+$0x3090];
	[tilespmem:s29+$0x114A0] =	vst v3;
	v2 =	vadd.f32 v2, v4;
	v3 =	vmul.f32 v6, v1  }
0x57: {  	v4 =	vld [tilespmem:s0+$0xA090]  }
0x58: {  	v11 =	vmul.f32 v11, v0;
	v6 =	vld [tilespmem:s0+$0x30A0];
	v9 =	vmul.f32 v9, v1;
	[tilespmem:s29+$0x114B0] =	vst v2;
	v2 =	vadd.f32 v3, v5  }
0x59: {  	v3 =	vmul.f32 v10, v0;
	v5 =	vld [tilespmem:s0+$0xA0A0]  }
0x5a: {  	v7 =	vmul.f32 v7, v1;
	v10 =	vld [tilespmem:s0+$0x30B0];
	v9 =	vadd.f32 v9, v11;
	[tilespmem:s29+$0x114C0] =	vst v2;
	s29 =	smov.u32 s0  }
0x5b: {  	v2 =	vmul.f32 v8, v0;
	v8 =	vld [tilespmem:s29+$0xA0B0]  }
0x5c: {  	v3 =	vadd.f32 v7, v3;
	v4 =	vmul.f32 v4, v1;
	v7 =	vld [tilespmem:s29+$0x30C0];
	[tilespmem:s29+$0x114D0] =	vst v9  }
0x5d: {  	v6 =	vmul.f32 v6, v0;
	v9 =	vld [tilespmem:s29+$0xA0C0]  }
0x5e: {  	[tilespmem:s29+$0x11080] =	vst v3;
	v2 =	vadd.f32 v4, v2;
	v3 =	vmul.f32 v5, v1;
	v4 =	vld [tilespmem:s29+$0x30D0]  }
0x5f: {  	v5 =	vmul.f32 v10, v0;
	v10 =	vld [tilespmem:s29+$0xA0D0]  }
0x60: {  	[tilespmem:s29+$0x11090] =	vst v2;
	v2 =	vadd.f32 v3, v6;
	v3 =	vmul.f32 v8, v1;
	v6 =	vld [tilespmem:s29+$0x30E0]  }
0x61: {  	v7 =	vmul.f32 v7, v0;
	v8 =	vld [tilespmem:s29+$0xA0E0]  }
0x62: {  	[tilespmem:s29+$0x110A0] =	vst v2;
	v2 =	vadd.f32 v3, v5;
	v3 =	vmul.f32 v9, v1;
	v5 =	vld [tilespmem:s29+$0x30F0]  }
0x63: {  	v4 =	vmul.f32 v4, v0;
	v9 =	vld [tilespmem:s29+$0xA0F0]  }
0x64: {  	[tilespmem:s29+$0x110B0] =	vst v2;
	v2 =	vadd.f32 v3, v7;
	v3 =	vmul.f32 v10, v1;
	v7 =	vld [tilespmem:s29+$0x3480]  }
0x65: {  	v6 =	vmul.f32 v6, v0;
	v10 =	vld [tilespmem:s29+$0xA480]  }
0x66: {  	[tilespmem:s29+$0x110C0] =	vst v2;
	v2 =	vadd.f32 v3, v4;
	v3 =	vmul.f32 v8, v1;
	v8 =	vld [tilespmem:s29+$0x3490]  }
0x67: {  	v4 =	vmul.f32 v5, v0;
	v5 =	vld [tilespmem:s29+$0xA490]  }
0x68: {  	[tilespmem:s29+$0x110D0] =	vst v2;
	v2 =	vadd.f32 v3, v6;
	v6 =	vmul.f32 v9, v1;
	v11 =	vld [tilespmem:s29+$0x34A0]  }
.Ltmp2:
0x69: {  	v9 =	vmul.f32 v7, v0;
	v3 =	vld [tilespmem:s29+$0xA4A0];
	(pc) =	sbr.rel @p0 .LBB2_2-.Ltmp2, $4  }
0x6a: {  	[tilespmem:s29+$0x110E0] =	vst v2;
	v6 =	vadd.f32 v6, v4;
	v10 =	vmul.f32 v10, v1;
	v4 =	vld [tilespmem:s29+$0x34B0]  }
0x6b: {  	s30 =	sadd.s32 $0x80, s30;
	v7 =	vmul.f32 v8, v0;
	v2 =	vld [tilespmem:s29+$0xA4B0]  }
0x6c: {  	s2 =	sand.u32 $0x380, s30;
	s0 =	sand.u32 $0x3800, s1;
	[tilespmem:s29+$0x110F0] =	vst v6;
	v9 =	vadd.f32 v10, v9;
	v10 =	vmul.f32 v5, v1;
	v5 =	vld [tilespmem:s29+$0x34C0]  }
0x6d: {  	s1 =	sadd.s32 $0x100, s1;
	s0 =	sor.u32 s2, s0;
	v8 =	vmul.f32 v11, v0;
	v6 =	vld [tilespmem:s29+$0xA4C0]  }
0x6e: {  	v11 =	vld [tilespmem:s0+$0x34D0];
	[tilespmem:s29+$0x11480] =	vst v9;
	v7 =	vadd.f32 v10, v7;
	v3 =	vmul.f32 v3, v1  }
0x6f: {  	v9 =	vld [tilespmem:s0+$0xA4D0]  }
0x70: {  	v10 =	vld [tilespmem:s0+$0x3080];
	v4 =	vmul.f32 v4, v0;
	[tilespmem:s29+$0x11490] =	vst v7;
	v3 =	vadd.f32 v3, v8;
	v2 =	vmul.f32 v2, v1  }
0x71: {  	v7 =	vld [tilespmem:s0+$0xA080]  }
0x72: {  	v8 =	vld [tilespmem:s0+$0x3090];
	[tilespmem:s29+$0x114A0] =	vst v3;
	v2 =	vadd.f32 v2, v4;
	v4 =	vmul.f32 v5, v0;
	v5 =	vmul.f32 v6, v1  }
0x73: {  	v3 =	vld [tilespmem:s0+$0xA090]  }
0x74: {  	v6 =	vld [tilespmem:s0+$0x30A0];
	[tilespmem:s29+$0x114B0] =	vst v2;
	v2 =	vadd.f32 v5, v4;
	v5 =	vmul.f32 v11, v0;
	v9 =	vmul.f32 v9, v1  }
0x75: {  	v4 =	vld [tilespmem:s0+$0xA0A0]  }
0x76: {  	v11 =	vld [tilespmem:s0+$0x30B0];
	[tilespmem:s29+$0x114C0] =	vst v2;
	v2 =	vmul.f32 v10, v0;
	v7 =	vmul.f32 v7, v1;
	v5 =	vadd.f32 v9, v5  }
0x77: {  	v9 =	vld [tilespmem:s0+$0xA0B0]  }
0x78: {  	v10 =	vld [tilespmem:s0+$0x30C0];
	v2 =	vadd.f32 v7, v2;
	[tilespmem:s0+$0x114D0] =	vst v5;
	v5 =	vmul.f32 v8, v0;
	v3 =	vmul.f32 v3, v1  }
0x79: {  	v7 =	vld [tilespmem:s0+$0xA0C0]  }
0x7a: {  	[tilespmem:s0+$0x11080] =	vst v2;
	v2 =	vadd.f32 v3, v5;
	v3 =	vld [tilespmem:s0+$0x30D0];
	v5 =	vmul.f32 v6, v0;
	v4 =	vmul.f32 v4, v1  }
0x7b: {  	v6 =	vld [tilespmem:s0+$0xA0D0]  }
0x7c: {  	[tilespmem:s0+$0x11090] =	vst v2;
	v2 =	vadd.f32 v4, v5;
	v4 =	vld [tilespmem:s0+$0x30E0]  }
0x7d: {  	v5 =	vmul.f32 v11, v0;
	v8 =	vmul.f32 v9, v1;
	v9 =	vld [tilespmem:s0+$0xA0E0]  }
0x7e: {  	v11 =	vld [tilespmem:s0+$0xA4C0]  }
0x7f: {  	v7 =	vmul.f32 v7, v1;
	[tilespmem:s0+$0x110A0] =	vst v2;
	v2 =	vadd.f32 v8, v5;
	v5 =	vld [tilespmem:s0+$0x30F0];
	v8 =	vmul.f32 v10, v0  }
0x80: {  	v10 =	vld [tilespmem:s0+$0xA0F0]  }
0x81: {  	v3 =	vmul.f32 v3, v0;
	v6 =	vmul.f32 v6, v1;
	[tilespmem:s0+$0x110B0] =	vst v2;
	v2 =	vadd.f32 v7, v8;
	v7 =	vld [tilespmem:s0+$0x3480]  }
0x82: {  	v8 =	vld [tilespmem:s0+$0xA480]  }
0x83: {  	v4 =	vmul.f32 v4, v0;
	[tilespmem:s0+$0x110C0] =	vst v2;
	v2 =	vadd.f32 v6, v3;
	v3 =	vld [tilespmem:s0+$0x3490];
	v6 =	vmul.f32 v9, v1  }
0x84: {  	v9 =	vld [tilespmem:s0+$0xA490]  }
0x85: {  	v5 =	vmul.f32 v5, v0;
	[tilespmem:s0+$0x110D0] =	vst v2;
	v2 =	vadd.f32 v6, v4;
	v4 =	vld [tilespmem:s0+$0x34A0];
	v6 =	vmul.f32 v10, v1  }
0x86: {  	v10 =	vld [tilespmem:s0+$0xA4A0]  }
0x87: {  	[tilespmem:s0+$0x110E0] =	vst v2;
	v2 =	vadd.f32 v6, v5;
	v5 =	vld [tilespmem:s0+$0x34B0]  }
0x88: {  	v6 =	vld [tilespmem:s0+$0xA4B0]  }
0x89: {  	[tilespmem:s0+$0x110F0] =	vst v2;
	v2 =	vld [tilespmem:s0+$0x34C0]  }
0x8a: {  	v7 =	vmul.f32 v7, v0;
	v8 =	vmul.f32 v8, v1  }
0x8b: {  	v3 =	vmul.f32 v3, v0;
	v9 =	vmul.f32 v9, v1  }
0x8c: {  	v7 =	vadd.f32 v8, v7;
	v4 =	vmul.f32 v4, v0;
	v8 =	vmul.f32 v10, v1  }
0x8d: {  	v3 =	vadd.f32 v9, v3;
	v5 =	vmul.f32 v5, v0;
	v6 =	vmul.f32 v6, v1  }
0x8e: {  	[tilespmem:s0+$0x11480] =	vst v7;
	v7 =	vmul.f32 v11, v1;
	v4 =	vadd.f32 v8, v4;
	v2 =	vmul.f32 v2, v0  }
0x8f: {  	[tilespmem:s0+$0x11490] =	vst v3;
	v3 =	vadd.f32 v6, v5  }
0x90: {  	[tilespmem:s0+$0x114A0] =	vst v4;
	v2 =	vadd.f32 v7, v2  }
0x91: {  	[tilespmem:s0+$0x114B0] =	vst v3  }
0x92: {  	s31 =	simm.s32 $0x0;
	[tilespmem:s0+$0x114C0] =	vst v2  }
0x93: {  	[hbm4b:s10+s31] =	stream.linear.scatter [tilespmem:s24], [sflag:$0x3], $0x3800, $0x38;
	[tilespmem:$0x18080] =	vst v63  }
0x94: {  	_ = 	snop  }
0x95: {  	[tilespmem:s18], [sflag:$0x1] =	stream.linear.gather [hbm4b:s11+s31], $0x3800, $0x38;
	[tilespmem:$0x18080] =	vst v63  }
0x96: {  	v2 =	vld [tilespmem:$0x100];
	_ =	sdelay $0x4  }
0x97: {  	(v2sf) =	vpush v2, $0x0;
	_ =	sdelay $0xe  }
0x98: {  	s1 =	spop (v2sf)  }
0x99: {  	s1 =	smul.u32 $0x3800, s1;
	_ =	sdelay $0x1  }
0x9a: {  	s1 =	sshrl.u32 s1, $0x3  }
0x9b: {  	s1 =	sadd.s32 s4, s1  }
0x9c: {  	[tilespmem:s19], [sflag:$0x2] =	stream.linear.gather [hbm4b:s1+s31], $0x3800, $0x38;
	[tilespmem:$0x18080] =	vst v63  }
0x9d: {  	_ =	swait.ge [sflag:s22], $0x3800  }
0x9e: {  	[sflag:s22] =	ssyncset.done $0x0  }
0x9f: {  	[sflag:s22] =	ssyncadd.s32 $0xFFFFC800  }
0xa0: {  	_ =	swait.ge [sflag:s23], $0x3800  }
0xa1: {  	s2 =	sand.u32 $0x3800, s31;
	s0 =	sand.u32 $0x380, s31;
	[sflag:s23] =	ssyncset.done $0x0  }
0xa2: {  	s29 =	sor.u32 s0, s2;
	[sflag:s23] =	ssyncadd.s32 $0xFFFFC800  }
0xa3: {  	v2 =	vld [tilespmem:s29+$0x6CD0]  }
0xa4: {  	v3 =	vld [tilespmem:s29+$0xDCD0]  }
0xa5: {  	v4 =	vld [tilespmem:s29+$0x6880]  }
0xa6: {  	v5 =	vld [tilespmem:s29+$0xD880]  }
0xa7: {  	v6 =	vld [tilespmem:s29+$0x6890]  }
0xa8: {  	v7 =	vld [tilespmem:s29+$0xD890]  }
0xa9: {  	v8 =	vld [tilespmem:s29+$0x68A0];
	v2 =	vmul.f32 v2, v0;
	v3 =	vmul.f32 v3, v1  }
0xaa: {  	v9 =	vld [tilespmem:s29+$0xD8A0]  }
0xab: {  	v10 =	vld [tilespmem:s29+$0x68B0];
	v4 =	vmul.f32 v4, v0;
	v5 =	vmul.f32 v5, v1;
	v2 =	vadd.f32 v3, v2  }
0xac: {  	v3 =	vld [tilespmem:s29+$0xD8B0]  }
0xad: {  	v11 =	vld [tilespmem:s29+$0x68C0];
	v4 =	vadd.f32 v5, v4;
	v5 =	vmul.f32 v7, v1;
	[tilespmem:s29+$0x14CD0] =	vst v2;
	v2 =	vmul.f32 v6, v0  }
0xae: {  	v6 =	vld [tilespmem:s29+$0xD8C0]  }
0xaf: {  	v7 =	vmul.f32 v9, v1;
	[tilespmem:s29+$0x14880] =	vst v4;
	v4 =	vld [tilespmem:s29+$0x68D0];
	v2 =	vadd.f32 v5, v2;
	v5 =	vmul.f32 v8, v0  }
0xb0: {  	v8 =	vld [tilespmem:s29+$0xD8D0]  }
0xb1: {  	v9 =	vld [tilespmem:s29+$0xD8E0];
	v3 =	vmul.f32 v3, v1;
	[tilespmem:s29+$0x14890] =	vst v2;
	v2 =	vadd.f32 v7, v5;
	v7 =	vmul.f32 v10, v0  }
0xb2: {  	v5 =	vld [tilespmem:s29+$0x68E0]  }
0xb3: {  	v10 =	vld [tilespmem:s29+$0xD8F0];
	v6 =	vmul.f32 v6, v1;
	[tilespmem:s29+$0x148A0] =	vst v2;
	v2 =	vadd.f32 v3, v7;
	v7 =	vmul.f32 v11, v0  }
0xb4: {  	v3 =	vld [tilespmem:s29+$0x68F0]  }
0xb5: {  	v4 =	vmul.f32 v4, v0;
	[tilespmem:s29+$0x148B0] =	vst v2;
	v2 =	vadd.f32 v6, v7;
	v6 =	vld [tilespmem:s29+$0x6C80];
	v7 =	vmul.f32 v8, v1  }
0xb6: {  	v8 =	vld [tilespmem:s29+$0xDC80]  }
0xb7: {  	v11 =	vld [tilespmem:s29+$0xDC90];
	[tilespmem:s29+$0x148C0] =	vst v2;
	v2 =	vadd.f32 v7, v4;
	v4 =	vmul.f32 v5, v0;
	v5 =	vmul.f32 v9, v1  }
0xb8: {  	v7 =	vld [tilespmem:s29+$0x6C90]  }
0xb9: {  	v12 =	vld [tilespmem:s29+$0x6CA0];
	[tilespmem:s29+$0x148D0] =	vst v2;
	v2 =	vadd.f32 v5, v4;
	v4 =	vmul.f32 v3, v0;
	v5 =	vmul.f32 v10, v1  }
0xba: {  	v3 =	vld [tilespmem:s29+$0xDCA0]  }
0xbb: {  	v6 =	vmul.f32 v6, v0;
	v8 =	vmul.f32 v8, v1;
	v5 =	vadd.f32 v5, v4;
	v4 =	vld [tilespmem:s29+$0x6CB0]  }
0xbc: {  	s17 =	simm.s32 $0x100;
	s30 =	simm.s32 $0x80;
	[tilespmem:s29+$0x148E0] =	vst v2;
	v2 =	vld [tilespmem:s29+$0xDCB0]  }
0xbd: {  	s0 =	sand.u32 $0x3800, s17;
	s31 =	sand.u32 $0x380, s30;
	v10 =	vmul.f32 v11, v1;
	v7 =	vmul.f32 v7, v0;
	v9 =	vadd.f32 v8, v6;
	[tilespmem:s29+$0x148F0] =	vst v5;
	v5 =	vld [tilespmem:s29+$0x6CC0]  }
0xbe: {  	s1 =	simm.s32 $0x200;
	s0 =	sor.u32 s31, s0;
	v8 =	vmul.f32 v12, v0;
	v6 =	vld [tilespmem:s29+$0xDCC0]  }
.LBB2_4:
0xbf: {  	p0 =	sne.s32 s1, $0x3700;
	v11 =	vld [tilespmem:s0+$0x6CD0];
	[tilespmem:s29+$0x14C80] =	vst v9;
	v7 =	vadd.f32 v10, v7;
	v3 =	vmul.f32 v3, v1  }
0xc0: {  	v9 =	vld [tilespmem:s0+$0xDCD0];
	v4 =	vmul.f32 v4, v0  }
0xc1: {  	v10 =	vld [tilespmem:s0+$0x6880];
	[tilespmem:s29+$0x14C90] =	vst v7;
	v3 =	vadd.f32 v3, v8;
	v2 =	vmul.f32 v2, v1  }
0xc2: {  	v7 =	vld [tilespmem:s0+$0xD880];
	v5 =	vmul.f32 v5, v0  }
0xc3: {  	v8 =	vld [tilespmem:s0+$0x6890];
	[tilespmem:s29+$0x14CA0] =	vst v3;
	v2 =	vadd.f32 v2, v4;
	v3 =	vmul.f32 v6, v1  }
0xc4: {  	v4 =	vld [tilespmem:s0+$0xD890]  }
0xc5: {  	v11 =	vmul.f32 v11, v0;
	v6 =	vld [tilespmem:s0+$0x68A0];
	v9 =	vmul.f32 v9, v1;
	[tilespmem:s29+$0x14CB0] =	vst v2;
	v2 =	vadd.f32 v3, v5  }
0xc6: {  	v3 =	vmul.f32 v10, v0;
	v5 =	vld [tilespmem:s0+$0xD8A0]  }
0xc7: {  	v7 =	vmul.f32 v7, v1;
	v10 =	vld [tilespmem:s0+$0x68B0];
	v9 =	vadd.f32 v9, v11;
	[tilespmem:s29+$0x14CC0] =	vst v2;
	s29 =	smov.u32 s0  }
0xc8: {  	v2 =	vmul.f32 v8, v0;
	v8 =	vld [tilespmem:s29+$0xD8B0]  }
0xc9: {  	v3 =	vadd.f32 v7, v3;
	v4 =	vmul.f32 v4, v1;
	v7 =	vld [tilespmem:s29+$0x68C0];
	[tilespmem:s29+$0x14CD0] =	vst v9  }
0xca: {  	v6 =	vmul.f32 v6, v0;
	v9 =	vld [tilespmem:s29+$0xD8C0]  }
0xcb: {  	[tilespmem:s29+$0x14880] =	vst v3;
	v2 =	vadd.f32 v4, v2;
	v3 =	vmul.f32 v5, v1;
	v4 =	vld [tilespmem:s29+$0x68D0]  }
0xcc: {  	v5 =	vmul.f32 v10, v0;
	v10 =	vld [tilespmem:s29+$0xD8D0]  }
0xcd: {  	[tilespmem:s29+$0x14890] =	vst v2;
	v2 =	vadd.f32 v3, v6;
	v3 =	vmul.f32 v8, v1;
	v6 =	vld [tilespmem:s29+$0x68E0]  }
0xce: {  	v7 =	vmul.f32 v7, v0;
	v8 =	vld [tilespmem:s29+$0xD8E0]  }
0xcf: {  	[tilespmem:s29+$0x148A0] =	vst v2;
	v2 =	vadd.f32 v3, v5;
	v3 =	vmul.f32 v9, v1;
	v5 =	vld [tilespmem:s29+$0x68F0]  }
0xd0: {  	v4 =	vmul.f32 v4, v0;
	v9 =	vld [tilespmem:s29+$0xD8F0]  }
0xd1: {  	[tilespmem:s29+$0x148B0] =	vst v2;
	v2 =	vadd.f32 v3, v7;
	v3 =	vmul.f32 v10, v1;
	v7 =	vld [tilespmem:s29+$0x6C80]  }
0xd2: {  	v6 =	vmul.f32 v6, v0;
	v10 =	vld [tilespmem:s29+$0xDC80]  }
0xd3: {  	[tilespmem:s29+$0x148C0] =	vst v2;
	v2 =	vadd.f32 v3, v4;
	v3 =	vmul.f32 v8, v1;
	v8 =	vld [tilespmem:s29+$0x6C90]  }
0xd4: {  	v4 =	vmul.f32 v5, v0;
	v5 =	vld [tilespmem:s29+$0xDC90]  }
0xd5: {  	[tilespmem:s29+$0x148D0] =	vst v2;
	v2 =	vadd.f32 v3, v6;
	v6 =	vmul.f32 v9, v1;
	v11 =	vld [tilespmem:s29+$0x6CA0]  }
.Ltmp3:
0xd6: {  	v9 =	vmul.f32 v7, v0;
	v3 =	vld [tilespmem:s29+$0xDCA0];
	(pc) =	sbr.rel @p0 .LBB2_4-.Ltmp3, $4  }
0xd7: {  	[tilespmem:s29+$0x148E0] =	vst v2;
	v6 =	vadd.f32 v6, v4;
	v10 =	vmul.f32 v10, v1;
	v4 =	vld [tilespmem:s29+$0x6CB0]  }
0xd8: {  	s30 =	sadd.s32 $0x80, s30;
	v7 =	vmul.f32 v8, v0;
	v2 =	vld [tilespmem:s29+$0xDCB0]  }
0xd9: {  	s2 =	sand.u32 $0x380, s30;
	s0 =	sand.u32 $0x3800, s1;
	[tilespmem:s29+$0x148F0] =	vst v6;
	v9 =	vadd.f32 v10, v9;
	v10 =	vmul.f32 v5, v1;
	v5 =	vld [tilespmem:s29+$0x6CC0]  }
0xda: {  	s1 =	sadd.s32 $0x100, s1;
	s0 =	sor.u32 s2, s0;
	v8 =	vmul.f32 v11, v0;
	v6 =	vld [tilespmem:s29+$0xDCC0]  }
0xdb: {  	v11 =	vld [tilespmem:s0+$0x6CD0];
	[tilespmem:s29+$0x14C80] =	vst v9;
	v7 =	vadd.f32 v10, v7;
	v3 =	vmul.f32 v3, v1  }
0xdc: {  	v9 =	vld [tilespmem:s0+$0xDCD0]  }
0xdd: {  	v31 =	vld [tilespmem:s0+$0x6880];
	v4 =	vmul.f32 v4, v0;
	[tilespmem:s29+$0x14C90] =	vst v7;
	v3 =	vadd.f32 v3, v8;
	v2 =	vmul.f32 v2, v1  }
0xde: {  	v7 =	vld [tilespmem:s0+$0xD880]  }
0xdf: {  	v32 =	vld [tilespmem:s0+$0x6890];
	v33 =	vmul.f32 v5, v0;
	[tilespmem:s29+$0x14CA0] =	vst v3;
	v2 =	vadd.f32 v2, v4;
	v34 =	vmul.f32 v6, v1  }
0xe0: {  	v3 =	vld [tilespmem:s0+$0xD890]  }
0xe1: {  	v35 =	vld [tilespmem:s0+$0x68A0];
	[tilespmem:s29+$0x14CB0] =	vst v2;
	v2 =	vadd.f32 v34, v33  }
0xe2: {  	v36 =	vld [tilespmem:s0+$0xD8A0]  }
0xe3: {  	v38 =	vld [tilespmem:s0+$0x68B0];
	[tilespmem:s29+$0x14CC0] =	vst v2  }
0xe4: {  	v2 =	vmul.f32 v31, v0;
	v7 =	vmul.f32 v7, v1;
	v39 =	vld [tilespmem:s0+$0xD8B0]  }
0xe5: {  	v40 =	vld [tilespmem:s0+$0x68C0]  }
0xe6: {  	v41 =	vmul.f32 v32, v0;
	v42 =	vld [tilespmem:s0+$0xD8C0];
	v2 =	vadd.f32 v7, v2;
	v3 =	vmul.f32 v3, v1  }
0xe7: {  	v44 =	vld [tilespmem:s0+$0xD8D0]  }
0xe8: {  	v45 =	vld [tilespmem:s0+$0x68E0];
	v43 =	vmul.f32 v35, v0;
	[tilespmem:s0+$0x14880] =	vst v2;
	v2 =	vadd.f32 v3, v41;
	v4 =	vmul.f32 v36, v1  }
0xe9: {  	v3 =	vld [tilespmem:s0+$0x68D0]  }
0xea: {  	v48 =	vld [tilespmem:s0+$0xD8E0];
	v46 =	vmul.f32 v38, v0;
	[tilespmem:s0+$0x14890] =	vst v2;
	v2 =	vadd.f32 v4, v43;
	v47 =	vmul.f32 v39, v1  }
0xeb: {  	v49 =	vld [tilespmem:s0+$0x68F0]  }
0xec: {  	v51 =	vld [tilespmem:s0+$0xD8F0];
	v50 =	vmul.f32 v40, v0;
	v7 =	vmul.f32 v42, v1;
	[tilespmem:s0+$0x148A0] =	vst v2;
	v2 =	vadd.f32 v47, v46  }
0xed: {  	v37 =	vmul.f32 v11, v0;
	v9 =	vmul.f32 v9, v1;
	v52 =	vld [tilespmem:s0+$0x6C80]  }
0xee: {  	v53 =	vld [tilespmem:s0+$0xDC80];
	v6 =	vmul.f32 v44, v1;
	v3 =	vmul.f32 v3, v0;
	[tilespmem:s0+$0x148B0] =	vst v2;
	v2 =	vadd.f32 v7, v50  }
0xef: {  	v5 =	vadd.f32 v9, v37;
	v55 =	vld [tilespmem:s0+$0xDC90]  }
0xf0: {  	v56 =	vld [tilespmem:s0+$0x6CA0];
	v4 =	vmul.f32 v45, v0;
	v54 =	vmul.f32 v48, v1;
	[tilespmem:s0+$0x148C0] =	vst v2;
	v2 =	vadd.f32 v6, v3  }
0xf1: {  	v58 =	vld [tilespmem:s0+$0xDCA0];
	[tilespmem:s0+$0x14CD0] =	vst v5  }
0xf2: {  	v59 =	vld [tilespmem:s0+$0x6CB0];
	v5 =	vmul.f32 v49, v0;
	v57 =	vmul.f32 v51, v1;
	[tilespmem:s0+$0x148D0] =	vst v2;
	v2 =	vadd.f32 v54, v4  }
0xf3: {  	v3 =	vld [tilespmem:s0+$0x6C90]  }
0xf4: {  	v60 =	vld [tilespmem:s0+$0xDCB0];
	[tilespmem:s0+$0x148E0] =	vst v2;
	v2 =	vadd.f32 v57, v5  }
0xf5: {  	v61 =	vld [tilespmem:s0+$0xDCC0]  }
0xf6: {  	[tilespmem:s0+$0x148F0] =	vst v2;
	v2 =	vld [tilespmem:s0+$0x6CC0]  }
0xf7: {  	v8 =	vmul.f32 v53, v1;
	v7 =	vmul.f32 v52, v0  }
0xf8: {  	v9 =	vmul.f32 v55, v1;
	v3 =	vmul.f32 v3, v0  }
0xf9: {  	v62 =	vmul.f32 v58, v1;
	v7 =	vadd.f32 v8, v7;
	v4 =	vmul.f32 v56, v0  }
0xfa: {  	v6 =	vmul.f32 v60, v1;
	v5 =	vmul.f32 v59, v0;
	v3 =	vadd.f32 v9, v3  }
0xfb: {  	v63 =	vmul.f32 v61, v1;
	[tilespmem:s0+$0x14C80] =	vst v7;
	v4 =	vadd.f32 v62, v4;
	v2 =	vmul.f32 v2, v0  }
0xfc: {  	[tilespmem:s0+$0x14C90] =	vst v3;
	v3 =	vadd.f32 v6, v5  }
0xfd: {  	[tilespmem:s0+$0x14CA0] =	vst v4;
	v2 =	vadd.f32 v63, v2  }
0xfe: {  	[tilespmem:s0+$0x14CB0] =	vst v3  }
0xff: {  	[tilespmem:s0+$0x14CC0] =	vst v2  }
0x100: {  	[hbm4b:s12+s3] =	stream.linear.scatter [tilespmem:s25], [sflag:$0x3], $0x3800, $0x38;
	[tilespmem:$0x18080] =	vst v63  }
0x101: {  	_ = 	snop  }
0x102: {  	[tilespmem:s20], [sflag:$0x1] =	stream.linear.gather [hbm4b:s13+s3], $0x3800, $0x38;
	[tilespmem:$0x18080] =	vst v63  }
0x103: {  	v2 =	vld [tilespmem:$0x180];
	_ =	sdelay $0x4  }
0x104: {  	(v2sf) =	vpush v2, $0x0;
	_ =	sdelay $0xe  }
0x105: {  	s31 =	spop (v2sf)  }
0x106: {  	s0 =	smul.u32 $0x3800, s31;
	_ =	sdelay $0x1  }
0x107: {  	s0 =	sshrl.u32 s0, $0x3  }
0x108: {  	s29 =	simm.s32 $0x1;
	s0 =	sadd.s32 s4, s0  }
0x109: {  	[tilespmem:s21], [sflag:$0x2] =	stream.linear.gather [hbm4b:s0+s3], $0x3800, $0x38;
	[tilespmem:$0x18080] =	vst v63  }
.LBB2_6:
0x10a: {  	_ =	swait.ge [sflag:s22], $0x3800  }
0x10b: {  	[sflag:s22] =	ssyncset.done $0x0  }
0x10c: {  	[sflag:s22] =	ssyncadd.s32 $0xFFFFC800  }
0x10d: {  	_ =	swait.ge [sflag:s23], $0x3800  }
0x10e: {  	[sflag:s23] =	ssyncset.done $0x0  }
0x10f: {  	[sflag:s23] =	ssyncadd.s32 $0xFFFFC800  }
0x110: {  	s0 =	simm.s32 $0x0;
	_ =	swait.ge [sflag:s26], $0x3800  }
0x111: {  	s1 =	sand.u32 $0x3800, s0;
	s0 =	sand.u32 $0x380, s0;
	[sflag:s26] =	ssyncset.done $0x0  }
0x112: {  	s30 =	sor.u32 s0, s1;
	[sflag:s26] =	ssyncadd.s32 $0xFFFFC800  }
0x113: {  	v2 =	vld [tilespmem:s30+$0x34D0]  }
0x114: {  	v3 =	vld [tilespmem:s30+$0xA4D0]  }
0x115: {  	v4 =	vld [tilespmem:s30+$0x3080]  }
0x116: {  	v5 =	vld [tilespmem:s30+$0xA080]  }
0x117: {  	v6 =	vld [tilespmem:s30+$0x3090]  }
0x118: {  	v7 =	vld [tilespmem:s30+$0xA090]  }
0x119: {  	v8 =	vld [tilespmem:s30+$0x30A0];
	v2 =	vmul.f32 v2, v0;
	v3 =	vmul.f32 v3, v1  }
0x11a: {  	v9 =	vld [tilespmem:s30+$0xA0A0]  }
0x11b: {  	v10 =	vld [tilespmem:s30+$0x30B0];
	v4 =	vmul.f32 v4, v0;
	v5 =	vmul.f32 v5, v1;
	v2 =	vadd.f32 v3, v2  }
0x11c: {  	v3 =	vld [tilespmem:s30+$0xA0B0]  }
0x11d: {  	v11 =	vld [tilespmem:s30+$0x30C0];
	v4 =	vadd.f32 v5, v4;
	v5 =	vmul.f32 v7, v1;
	[tilespmem:s30+$0x114D0] =	vst v2;
	v2 =	vmul.f32 v6, v0  }
0x11e: {  	v6 =	vld [tilespmem:s30+$0xA0C0]  }
0x11f: {  	v7 =	vmul.f32 v9, v1;
	[tilespmem:s30+$0x11080] =	vst v4;
	v4 =	vld [tilespmem:s30+$0x30D0];
	v2 =	vadd.f32 v5, v2;
	v5 =	vmul.f32 v8, v0  }
0x120: {  	v8 =	vld [tilespmem:s30+$0xA0D0]  }
0x121: {  	v9 =	vld [tilespmem:s30+$0xA0E0];
	v3 =	vmul.f32 v3, v1;
	[tilespmem:s30+$0x11090] =	vst v2;
	v2 =	vadd.f32 v7, v5;
	v7 =	vmul.f32 v10, v0  }
0x122: {  	v5 =	vld [tilespmem:s30+$0x30E0]  }
0x123: {  	v10 =	vld [tilespmem:s30+$0xA0F0];
	v6 =	vmul.f32 v6, v1;
	[tilespmem:s30+$0x110A0] =	vst v2;
	v2 =	vadd.f32 v3, v7;
	v7 =	vmul.f32 v11, v0  }
0x124: {  	v3 =	vld [tilespmem:s30+$0x30F0]  }
0x125: {  	v4 =	vmul.f32 v4, v0;
	[tilespmem:s30+$0x110B0] =	vst v2;
	v2 =	vadd.f32 v6, v7;
	v6 =	vld [tilespmem:s30+$0x3480];
	v7 =	vmul.f32 v8, v1  }
0x126: {  	v8 =	vld [tilespmem:s30+$0xA480]  }
0x127: {  	v11 =	vld [tilespmem:s30+$0xA490];
	[tilespmem:s30+$0x110C0] =	vst v2;
	v2 =	vadd.f32 v7, v4;
	v4 =	vmul.f32 v5, v0;
	v5 =	vmul.f32 v9, v1  }
0x128: {  	v7 =	vld [tilespmem:s30+$0x3490]  }
0x129: {  	v12 =	vld [tilespmem:s30+$0x34A0];
	[tilespmem:s30+$0x110D0] =	vst v2;
	v2 =	vadd.f32 v5, v4;
	v4 =	vmul.f32 v3, v0;
	v5 =	vmul.f32 v10, v1  }
0x12a: {  	v3 =	vld [tilespmem:s30+$0xA4A0]  }
0x12b: {  	v6 =	vmul.f32 v6, v0;
	v8 =	vmul.f32 v8, v1;
	v5 =	vadd.f32 v5, v4;
	v4 =	vld [tilespmem:s30+$0x34B0]  }
0x12c: {  	s17 =	simm.s32 $0x100;
	s0 =	simm.s32 $0x80;
	[tilespmem:s30+$0x110E0] =	vst v2;
	v2 =	vld [tilespmem:s30+$0xA4B0]  }
0x12d: {  	s1 =	sand.u32 $0x3800, s17;
	s2 =	sand.u32 $0x380, s0;
	v10 =	vmul.f32 v11, v1;
	v7 =	vmul.f32 v7, v0;
	v9 =	vadd.f32 v8, v6;
	[tilespmem:s30+$0x110F0] =	vst v5;
	v5 =	vld [tilespmem:s30+$0x34C0]  }
0x12e: {  	s31 =	sor.u32 s2, s1;
	s1 =	simm.s32 $0x200;
	v8 =	vmul.f32 v12, v0;
	v6 =	vld [tilespmem:s30+$0xA4C0]  }
.LBB2_7:
0x12f: {  	p0 =	sne.s32 s1, $0x3700;
	v11 =	vld [tilespmem:s31+$0x34D0];
	[tilespmem:s30+$0x11480] =	vst v9;
	v7 =	vadd.f32 v10, v7;
	v3 =	vmul.f32 v3, v1  }
0x130: {  	v9 =	vld [tilespmem:s31+$0xA4D0];
	v4 =	vmul.f32 v4, v0  }
0x131: {  	v10 =	vld [tilespmem:s31+$0x3080];
	[tilespmem:s30+$0x11490] =	vst v7;
	v3 =	vadd.f32 v3, v8;
	v2 =	vmul.f32 v2, v1  }
0x132: {  	v7 =	vld [tilespmem:s31+$0xA080];
	v5 =	vmul.f32 v5, v0  }
0x133: {  	v8 =	vld [tilespmem:s31+$0x3090];
	[tilespmem:s30+$0x114A0] =	vst v3;
	v2 =	vadd.f32 v2, v4;
	v3 =	vmul.f32 v6, v1  }
0x134: {  	v4 =	vld [tilespmem:s31+$0xA090]  }
0x135: {  	v11 =	vmul.f32 v11, v0;
	v6 =	vld [tilespmem:s31+$0x30A0];
	v9 =	vmul.f32 v9, v1;
	[tilespmem:s30+$0x114B0] =	vst v2;
	v2 =	vadd.f32 v3, v5  }
0x136: {  	v3 =	vmul.f32 v10, v0;
	v5 =	vld [tilespmem:s31+$0xA0A0]  }
0x137: {  	v7 =	vmul.f32 v7, v1;
	v10 =	vld [tilespmem:s31+$0x30B0];
	v9 =	vadd.f32 v9, v11;
	[tilespmem:s30+$0x114C0] =	vst v2;
	s30 =	smov.u32 s31  }
0x138: {  	v2 =	vmul.f32 v8, v0;
	v8 =	vld [tilespmem:s30+$0xA0B0]  }
0x139: {  	v3 =	vadd.f32 v7, v3;
	v4 =	vmul.f32 v4, v1;
	v7 =	vld [tilespmem:s30+$0x30C0];
	[tilespmem:s30+$0x114D0] =	vst v9  }
0x13a: {  	v6 =	vmul.f32 v6, v0;
	v9 =	vld [tilespmem:s30+$0xA0C0]  }
0x13b: {  	[tilespmem:s30+$0x11080] =	vst v3;
	v2 =	vadd.f32 v4, v2;
	v3 =	vmul.f32 v5, v1;
	v4 =	vld [tilespmem:s30+$0x30D0]  }
0x13c: {  	v5 =	vmul.f32 v10, v0;
	v10 =	vld [tilespmem:s30+$0xA0D0]  }
0x13d: {  	[tilespmem:s30+$0x11090] =	vst v2;
	v2 =	vadd.f32 v3, v6;
	v3 =	vmul.f32 v8, v1;
	v6 =	vld [tilespmem:s30+$0x30E0]  }
0x13e: {  	v7 =	vmul.f32 v7, v0;
	v8 =	vld [tilespmem:s30+$0xA0E0]  }
0x13f: {  	[tilespmem:s30+$0x110A0] =	vst v2;
	v2 =	vadd.f32 v3, v5;
	v3 =	vmul.f32 v9, v1;
	v5 =	vld [tilespmem:s30+$0x30F0]  }
0x140: {  	v4 =	vmul.f32 v4, v0;
	v9 =	vld [tilespmem:s30+$0xA0F0]  }
0x141: {  	[tilespmem:s30+$0x110B0] =	vst v2;
	v2 =	vadd.f32 v3, v7;
	v3 =	vmul.f32 v10, v1;
	v7 =	vld [tilespmem:s30+$0x3480]  }
0x142: {  	v6 =	vmul.f32 v6, v0;
	v10 =	vld [tilespmem:s30+$0xA480]  }
0x143: {  	[tilespmem:s30+$0x110C0] =	vst v2;
	v2 =	vadd.f32 v3, v4;
	v3 =	vmul.f32 v8, v1;
	v8 =	vld [tilespmem:s30+$0x3490]  }
0x144: {  	v4 =	vmul.f32 v5, v0;
	v5 =	vld [tilespmem:s30+$0xA490]  }
0x145: {  	[tilespmem:s30+$0x110D0] =	vst v2;
	v2 =	vadd.f32 v3, v6;
	v6 =	vmul.f32 v9, v1;
	v11 =	vld [tilespmem:s30+$0x34A0]  }
.Ltmp4:
0x146: {  	v9 =	vmul.f32 v7, v0;
	v3 =	vld [tilespmem:s30+$0xA4A0];
	(pc) =	sbr.rel @p0 .LBB2_7-.Ltmp4, $4  }
0x147: {  	[tilespmem:s30+$0x110E0] =	vst v2;
	v6 =	vadd.f32 v6, v4;
	v10 =	vmul.f32 v10, v1;
	v4 =	vld [tilespmem:s30+$0x34B0]  }
0x148: {  	s0 =	sadd.s32 $0x80, s0;
	v7 =	vmul.f32 v8, v0;
	v2 =	vld [tilespmem:s30+$0xA4B0]  }
0x149: {  	s2 =	sand.u32 $0x3800, s1;
	s31 =	sand.u32 $0x380, s0;
	[tilespmem:s30+$0x110F0] =	vst v6;
	v9 =	vadd.f32 v10, v9;
	v10 =	vmul.f32 v5, v1;
	v5 =	vld [tilespmem:s30+$0x34C0]  }
0x14a: {  	s1 =	sadd.s32 $0x100, s1;
	s31 =	sor.u32 s31, s2;
	v8 =	vmul.f32 v11, v0;
	v6 =	vld [tilespmem:s30+$0xA4C0]  }
0x14b: {  	v11 =	vld [tilespmem:s31+$0x34D0];
	[tilespmem:s30+$0x11480] =	vst v9;
	v7 =	vadd.f32 v10, v7;
	v3 =	vmul.f32 v3, v1  }
0x14c: {  	v9 =	vld [tilespmem:s31+$0xA4D0]  }
0x14d: {  	v10 =	vld [tilespmem:s31+$0x3080];
	v4 =	vmul.f32 v4, v0;
	[tilespmem:s30+$0x11490] =	vst v7;
	v3 =	vadd.f32 v3, v8;
	v2 =	vmul.f32 v2, v1  }
0x14e: {  	v7 =	vld [tilespmem:s31+$0xA080]  }
0x14f: {  	v8 =	vld [tilespmem:s31+$0x3090];
	[tilespmem:s30+$0x114A0] =	vst v3;
	v2 =	vadd.f32 v2, v4;
	v4 =	vmul.f32 v5, v0;
	v5 =	vmul.f32 v6, v1  }
0x150: {  	v3 =	vld [tilespmem:s31+$0xA090]  }
0x151: {  	v6 =	vld [tilespmem:s31+$0x30A0];
	[tilespmem:s30+$0x114B0] =	vst v2;
	v2 =	vadd.f32 v5, v4;
	v5 =	vmul.f32 v11, v0;
	v9 =	vmul.f32 v9, v1  }
0x152: {  	v4 =	vld [tilespmem:s31+$0xA0A0]  }
0x153: {  	v11 =	vld [tilespmem:s31+$0x30B0];
	[tilespmem:s30+$0x114C0] =	vst v2;
	v2 =	vmul.f32 v10, v0;
	v7 =	vmul.f32 v7, v1;
	v5 =	vadd.f32 v9, v5  }
0x154: {  	v9 =	vld [tilespmem:s31+$0xA0B0]  }
0x155: {  	v10 =	vld [tilespmem:s31+$0x30C0];
	v2 =	vadd.f32 v7, v2;
	[tilespmem:s31+$0x114D0] =	vst v5;
	v5 =	vmul.f32 v8, v0;
	v3 =	vmul.f32 v3, v1  }
0x156: {  	v7 =	vld [tilespmem:s31+$0xA0C0]  }
0x157: {  	[tilespmem:s31+$0x11080] =	vst v2;
	v2 =	vadd.f32 v3, v5;
	v3 =	vld [tilespmem:s31+$0x30D0];
	v5 =	vmul.f32 v6, v0;
	v4 =	vmul.f32 v4, v1  }
0x158: {  	v6 =	vld [tilespmem:s31+$0xA0D0]  }
0x159: {  	[tilespmem:s31+$0x11090] =	vst v2;
	v2 =	vadd.f32 v4, v5;
	v4 =	vld [tilespmem:s31+$0x30E0]  }
0x15a: {  	v5 =	vmul.f32 v11, v0;
	v8 =	vmul.f32 v9, v1;
	v9 =	vld [tilespmem:s31+$0xA0E0]  }
0x15b: {  	v11 =	vld [tilespmem:s31+$0xA4C0]  }
0x15c: {  	v7 =	vmul.f32 v7, v1;
	[tilespmem:s31+$0x110A0] =	vst v2;
	v2 =	vadd.f32 v8, v5;
	v5 =	vld [tilespmem:s31+$0x30F0];
	v8 =	vmul.f32 v10, v0  }
0x15d: {  	v10 =	vld [tilespmem:s31+$0xA0F0]  }
0x15e: {  	v3 =	vmul.f32 v3, v0;
	v6 =	vmul.f32 v6, v1;
	[tilespmem:s31+$0x110B0] =	vst v2;
	v2 =	vadd.f32 v7, v8;
	v7 =	vld [tilespmem:s31+$0x3480]  }
0x15f: {  	v8 =	vld [tilespmem:s31+$0xA480]  }
0x160: {  	v4 =	vmul.f32 v4, v0;
	[tilespmem:s31+$0x110C0] =	vst v2;
	v2 =	vadd.f32 v6, v3;
	v3 =	vld [tilespmem:s31+$0x3490];
	v6 =	vmul.f32 v9, v1  }
0x161: {  	v9 =	vld [tilespmem:s31+$0xA490]  }
0x162: {  	v5 =	vmul.f32 v5, v0;
	[tilespmem:s31+$0x110D0] =	vst v2;
	v2 =	vadd.f32 v6, v4;
	v4 =	vld [tilespmem:s31+$0x34A0];
	v6 =	vmul.f32 v10, v1  }
0x163: {  	v10 =	vld [tilespmem:s31+$0xA4A0]  }
0x164: {  	[tilespmem:s31+$0x110E0] =	vst v2;
	v2 =	vadd.f32 v6, v5;
	v5 =	vld [tilespmem:s31+$0x34B0]  }
0x165: {  	v6 =	vld [tilespmem:s31+$0xA4B0]  }
0x166: {  	[tilespmem:s31+$0x110F0] =	vst v2;
	v2 =	vld [tilespmem:s31+$0x34C0]  }
0x167: {  	v7 =	vmul.f32 v7, v0;
	v8 =	vmul.f32 v8, v1  }
0x168: {  	v3 =	vmul.f32 v3, v0;
	v9 =	vmul.f32 v9, v1  }
0x169: {  	v7 =	vadd.f32 v8, v7;
	v4 =	vmul.f32 v4, v0;
	v8 =	vmul.f32 v10, v1  }
0x16a: {  	v3 =	vadd.f32 v9, v3;
	v5 =	vmul.f32 v5, v0;
	v6 =	vmul.f32 v6, v1  }
0x16b: {  	s30 =	sshll.u32 s29, $0x1;
	[tilespmem:s31+$0x11480] =	vst v7;
	v7 =	vmul.f32 v11, v1;
	v4 =	vadd.f32 v8, v4;
	v2 =	vmul.f32 v2, v0  }
0x16c: {  	p0 =	seq.s32 s29, $0x2F;
	s0 =	sadd.s32 s6, s30;
	[tilespmem:s31+$0x11490] =	vst v3;
	v3 =	vadd.f32 v6, v5  }
0x16d: {  	s1 =	sadd.s32 @!p0 $0x2, s30;
	s0 =	smul.u32 $0x700, s0;
	[tilespmem:s31+$0x114A0] =	vst v4;
	v2 =	vadd.f32 v7, v2  }
0x16e: {  	s2 =	sadd.s32 @!p0 s6, s1;
	[tilespmem:s31+$0x114B0] =	vst v3  }
0x16f: {  	s2 =	smul.u32 @!p0 $0x700, s2;
	s0 =	sadd.s32 s5, s0;
	[tilespmem:s31+$0x114C0] =	vst v2  }
0x170: {  	[hbm4b:s0+s3] =	stream.linear.scatter [tilespmem:s24], [sflag:$0x3], $0x3800, $0x38;
	[tilespmem:$0x18080] =	vst v63  }
0x171: {  	s31 =	simm.s32 @!p0 $0x3080;
	s0 =	sadd.s32 @!p0 s4, s2;
	s2 =	simm.s32 @!p0 $0x0  }
0x172: {  	[tilespmem:s31], [sflag:$0x1] =	stream.linear.gather @!p0 [hbm4b:s0+s2], $0x3800, $0x38;
	[tilespmem:$0x18080] =	vst v63  }
0x173: {  	s0 =	sshll.u32 @!p0 s1, $0x7  }
0x174: {  	s0 =	sand.u32 @!p0 $0x3FFFFF80, s0  }
0x175: {  	v2 =	vld @!p0 [tilespmem:s0+$0x0];
	_ =	sdelay $0x4  }
0x176: {  	(v2sf) =	vpush @!p0 v2, $0x0;
	_ =	sdelay $0xe  }
0x177: {  	s0 =	spop @!p0 (v2sf)  }
0x178: {  	s0 =	smul.u32 @!p0 $0x3800, s0;
	_ =	sdelay $0x1  }
0x179: {  	s0 =	sshrl.u32 @!p0 s0, $0x3  }
0x17a: {  	s1 =	simm.s32 @!p0 $0xA080;
	s0 =	sadd.s32 @!p0 s4, s0  }
0x17b: {  	[tilespmem:s1], [sflag:$0x2] =	stream.linear.gather @!p0 [hbm4b:s0+s2], $0x3800, $0x38;
	[tilespmem:$0x18080] =	vst v63  }
0x17c: {  	_ =	swait.ge [sflag:s22], $0x3800  }
0x17d: {  	[sflag:s22] =	ssyncset.done $0x0  }
0x17e: {  	[sflag:s22] =	ssyncadd.s32 $0xFFFFC800  }
0x17f: {  	_ =	swait.ge [sflag:s23], $0x3800  }
0x180: {  	[sflag:s23] =	ssyncset.done $0x0  }
0x181: {  	[sflag:s23] =	ssyncadd.s32 $0xFFFFC800  }
0x182: {  	s2 =	simm.s32 $0x0;
	_ =	swait.ge [sflag:s26], $0x3800  }
0x183: {  	s17 =	sand.u32 $0x3800, s2;
	s0 =	sand.u32 $0x380, s2;
	[sflag:s26] =	ssyncset.done $0x0  }
0x184: {  	s31 =	sor.u32 s0, s17;
	[sflag:s26] =	ssyncadd.s32 $0xFFFFC800  }
0x185: {  	v2 =	vld [tilespmem:s31+$0x6CD0]  }
0x186: {  	v3 =	vld [tilespmem:s31+$0xDCD0]  }
0x187: {  	v4 =	vld [tilespmem:s31+$0x6880]  }
0x188: {  	v5 =	vld [tilespmem:s31+$0xD880]  }
0x189: {  	v6 =	vld [tilespmem:s31+$0x6890]  }
0x18a: {  	v7 =	vld [tilespmem:s31+$0xD890]  }
0x18b: {  	v8 =	vld [tilespmem:s31+$0x68A0];
	v2 =	vmul.f32 v2, v0;
	v3 =	vmul.f32 v3, v1  }
0x18c: {  	v9 =	vld [tilespmem:s31+$0xD8A0]  }
0x18d: {  	v10 =	vld [tilespmem:s31+$0x68B0];
	v4 =	vmul.f32 v4, v0;
	v5 =	vmul.f32 v5, v1;
	v2 =	vadd.f32 v3, v2  }
0x18e: {  	v3 =	vld [tilespmem:s31+$0xD8B0]  }
0x18f: {  	v11 =	vld [tilespmem:s31+$0x68C0];
	v4 =	vadd.f32 v5, v4;
	v5 =	vmul.f32 v7, v1;
	[tilespmem:s31+$0x14CD0] =	vst v2;
	v2 =	vmul.f32 v6, v0  }
0x190: {  	v6 =	vld [tilespmem:s31+$0xD8C0]  }
0x191: {  	v7 =	vmul.f32 v9, v1;
	[tilespmem:s31+$0x14880] =	vst v4;
	v4 =	vld [tilespmem:s31+$0x68D0];
	v2 =	vadd.f32 v5, v2;
	v5 =	vmul.f32 v8, v0  }
0x192: {  	v8 =	vld [tilespmem:s31+$0xD8D0]  }
0x193: {  	v9 =	vld [tilespmem:s31+$0xD8E0];
	v3 =	vmul.f32 v3, v1;
	[tilespmem:s31+$0x14890] =	vst v2;
	v2 =	vadd.f32 v7, v5;
	v7 =	vmul.f32 v10, v0  }
0x194: {  	v5 =	vld [tilespmem:s31+$0x68E0]  }
0x195: {  	v10 =	vld [tilespmem:s31+$0xD8F0];
	v6 =	vmul.f32 v6, v1;
	[tilespmem:s31+$0x148A0] =	vst v2;
	v2 =	vadd.f32 v3, v7;
	v7 =	vmul.f32 v11, v0  }
0x196: {  	v3 =	vld [tilespmem:s31+$0x68F0]  }
0x197: {  	v4 =	vmul.f32 v4, v0;
	[tilespmem:s31+$0x148B0] =	vst v2;
	v2 =	vadd.f32 v6, v7;
	v6 =	vld [tilespmem:s31+$0x6C80];
	v7 =	vmul.f32 v8, v1  }
0x198: {  	v8 =	vld [tilespmem:s31+$0xDC80]  }
0x199: {  	v11 =	vld [tilespmem:s31+$0xDC90];
	[tilespmem:s31+$0x148C0] =	vst v2;
	v2 =	vadd.f32 v7, v4;
	v4 =	vmul.f32 v5, v0;
	v5 =	vmul.f32 v9, v1  }
0x19a: {  	v7 =	vld [tilespmem:s31+$0x6C90]  }
0x19b: {  	v12 =	vld [tilespmem:s31+$0x6CA0];
	[tilespmem:s31+$0x148D0] =	vst v2;
	v2 =	vadd.f32 v5, v4;
	v4 =	vmul.f32 v3, v0;
	v5 =	vmul.f32 v10, v1  }
0x19c: {  	v3 =	vld [tilespmem:s31+$0xDCA0]  }
0x19d: {  	v6 =	vmul.f32 v6, v0;
	v8 =	vmul.f32 v8, v1;
	v5 =	vadd.f32 v5, v4;
	v4 =	vld [tilespmem:s31+$0x6CB0]  }
0x19e: {  	s1 =	simm.s32 $0x80;
	s2 =	simm.s32 $0x100;
	[tilespmem:s31+$0x148E0] =	vst v2;
	v2 =	vld [tilespmem:s31+$0xDCB0]  }
0x19f: {  	s0 =	sand.u32 $0x3800, s2;
	s17 =	sand.u32 $0x380, s1;
	v10 =	vmul.f32 v11, v1;
	v7 =	vmul.f32 v7, v0;
	v9 =	vadd.f32 v8, v6;
	[tilespmem:s31+$0x148F0] =	vst v5;
	v5 =	vld [tilespmem:s31+$0x6CC0]  }
0x1a0: {  	s2 =	simm.s32 $0x200;
	s0 =	sor.u32 s17, s0;
	v8 =	vmul.f32 v12, v0;
	v6 =	vld [tilespmem:s31+$0xDCC0]  }
.LBB2_9:
0x1a1: {  	p1 =	sne.s32 s2, $0x3700;
	v11 =	vld [tilespmem:s0+$0x6CD0];
	[tilespmem:s31+$0x14C80] =	vst v9;
	v7 =	vadd.f32 v10, v7;
	v3 =	vmul.f32 v3, v1  }
0x1a2: {  	v9 =	vld [tilespmem:s0+$0xDCD0];
	v4 =	vmul.f32 v4, v0  }
0x1a3: {  	v10 =	vld [tilespmem:s0+$0x6880];
	[tilespmem:s31+$0x14C90] =	vst v7;
	v3 =	vadd.f32 v3, v8;
	v2 =	vmul.f32 v2, v1  }
0x1a4: {  	v7 =	vld [tilespmem:s0+$0xD880];
	v5 =	vmul.f32 v5, v0  }
0x1a5: {  	v8 =	vld [tilespmem:s0+$0x6890];
	[tilespmem:s31+$0x14CA0] =	vst v3;
	v2 =	vadd.f32 v2, v4;
	v3 =	vmul.f32 v6, v1  }
0x1a6: {  	v4 =	vld [tilespmem:s0+$0xD890]  }
0x1a7: {  	v11 =	vmul.f32 v11, v0;
	v6 =	vld [tilespmem:s0+$0x68A0];
	v9 =	vmul.f32 v9, v1;
	[tilespmem:s31+$0x14CB0] =	vst v2;
	v2 =	vadd.f32 v3, v5  }
0x1a8: {  	v3 =	vmul.f32 v10, v0;
	v5 =	vld [tilespmem:s0+$0xD8A0]  }
0x1a9: {  	v7 =	vmul.f32 v7, v1;
	v10 =	vld [tilespmem:s0+$0x68B0];
	v9 =	vadd.f32 v9, v11;
	[tilespmem:s31+$0x14CC0] =	vst v2;
	s31 =	smov.u32 s0  }
0x1aa: {  	v2 =	vmul.f32 v8, v0;
	v8 =	vld [tilespmem:s31+$0xD8B0]  }
0x1ab: {  	v3 =	vadd.f32 v7, v3;
	v4 =	vmul.f32 v4, v1;
	v7 =	vld [tilespmem:s31+$0x68C0];
	[tilespmem:s31+$0x14CD0] =	vst v9  }
0x1ac: {  	v6 =	vmul.f32 v6, v0;
	v9 =	vld [tilespmem:s31+$0xD8C0]  }
0x1ad: {  	[tilespmem:s31+$0x14880] =	vst v3;
	v2 =	vadd.f32 v4, v2;
	v3 =	vmul.f32 v5, v1;
	v4 =	vld [tilespmem:s31+$0x68D0]  }
0x1ae: {  	v5 =	vmul.f32 v10, v0;
	v10 =	vld [tilespmem:s31+$0xD8D0]  }
0x1af: {  	[tilespmem:s31+$0x14890] =	vst v2;
	v2 =	vadd.f32 v3, v6;
	v3 =	vmul.f32 v8, v1;
	v6 =	vld [tilespmem:s31+$0x68E0]  }
0x1b0: {  	v7 =	vmul.f32 v7, v0;
	v8 =	vld [tilespmem:s31+$0xD8E0]  }
0x1b1: {  	[tilespmem:s31+$0x148A0] =	vst v2;
	v2 =	vadd.f32 v3, v5;
	v3 =	vmul.f32 v9, v1;
	v5 =	vld [tilespmem:s31+$0x68F0]  }
0x1b2: {  	v4 =	vmul.f32 v4, v0;
	v9 =	vld [tilespmem:s31+$0xD8F0]  }
0x1b3: {  	[tilespmem:s31+$0x148B0] =	vst v2;
	v2 =	vadd.f32 v3, v7;
	v3 =	vmul.f32 v10, v1;
	v7 =	vld [tilespmem:s31+$0x6C80]  }
0x1b4: {  	v6 =	vmul.f32 v6, v0;
	v10 =	vld [tilespmem:s31+$0xDC80]  }
0x1b5: {  	[tilespmem:s31+$0x148C0] =	vst v2;
	v2 =	vadd.f32 v3, v4;
	v3 =	vmul.f32 v8, v1;
	v8 =	vld [tilespmem:s31+$0x6C90]  }
0x1b6: {  	v4 =	vmul.f32 v5, v0;
	v5 =	vld [tilespmem:s31+$0xDC90]  }
0x1b7: {  	[tilespmem:s31+$0x148D0] =	vst v2;
	v2 =	vadd.f32 v3, v6;
	v6 =	vmul.f32 v9, v1;
	v11 =	vld [tilespmem:s31+$0x6CA0]  }
.Ltmp5:
0x1b8: {  	v9 =	vmul.f32 v7, v0;
	v3 =	vld [tilespmem:s31+$0xDCA0];
	(pc) =	sbr.rel @p1 .LBB2_9-.Ltmp5, $4  }
0x1b9: {  	[tilespmem:s31+$0x148E0] =	vst v2;
	v6 =	vadd.f32 v6, v4;
	v10 =	vmul.f32 v10, v1;
	v4 =	vld [tilespmem:s31+$0x6CB0]  }
0x1ba: {  	s1 =	sadd.s32 $0x80, s1;
	v7 =	vmul.f32 v8, v0;
	v2 =	vld [tilespmem:s31+$0xDCB0]  }
0x1bb: {  	s17 =	sand.u32 $0x380, s1;
	s0 =	sand.u32 $0x3800, s2;
	[tilespmem:s31+$0x148F0] =	vst v6;
	v9 =	vadd.f32 v10, v9;
	v10 =	vmul.f32 v5, v1;
	v5 =	vld [tilespmem:s31+$0x6CC0]  }
0x1bc: {  	s2 =	sadd.s32 $0x100, s2;
	s0 =	sor.u32 s17, s0;
	v8 =	vmul.f32 v11, v0;
	v6 =	vld [tilespmem:s31+$0xDCC0]  }
0x1bd: {  	v11 =	vld [tilespmem:s0+$0x6CD0];
	[tilespmem:s31+$0x14C80] =	vst v9;
	v7 =	vadd.f32 v10, v7;
	v3 =	vmul.f32 v3, v1  }
0x1be: {  	v9 =	vld [tilespmem:s0+$0xDCD0]  }
0x1bf: {  	v31 =	vld [tilespmem:s0+$0x6880];
	v4 =	vmul.f32 v4, v0;
	[tilespmem:s31+$0x14C90] =	vst v7;
	v3 =	vadd.f32 v3, v8;
	v2 =	vmul.f32 v2, v1  }
0x1c0: {  	v7 =	vld [tilespmem:s0+$0xD880]  }
0x1c1: {  	v32 =	vld [tilespmem:s0+$0x6890];
	v33 =	vmul.f32 v5, v0;
	[tilespmem:s31+$0x14CA0] =	vst v3;
	v2 =	vadd.f32 v2, v4;
	v34 =	vmul.f32 v6, v1  }
0x1c2: {  	v3 =	vld [tilespmem:s0+$0xD890]  }
0x1c3: {  	v35 =	vld [tilespmem:s0+$0x68A0];
	[tilespmem:s31+$0x14CB0] =	vst v2;
	v2 =	vadd.f32 v34, v33  }
0x1c4: {  	v36 =	vld [tilespmem:s0+$0xD8A0]  }
0x1c5: {  	v38 =	vld [tilespmem:s0+$0x68B0];
	[tilespmem:s31+$0x14CC0] =	vst v2  }
0x1c6: {  	v2 =	vmul.f32 v31, v0;
	v7 =	vmul.f32 v7, v1;
	v39 =	vld [tilespmem:s0+$0xD8B0]  }
0x1c7: {  	v40 =	vld [tilespmem:s0+$0x68C0]  }
0x1c8: {  	v41 =	vmul.f32 v32, v0;
	v42 =	vld [tilespmem:s0+$0xD8C0];
	v2 =	vadd.f32 v7, v2;
	v3 =	vmul.f32 v3, v1  }
0x1c9: {  	v44 =	vld [tilespmem:s0+$0xD8D0]  }
0x1ca: {  	v45 =	vld [tilespmem:s0+$0x68E0];
	v43 =	vmul.f32 v35, v0;
	[tilespmem:s0+$0x14880] =	vst v2;
	v2 =	vadd.f32 v3, v41;
	v4 =	vmul.f32 v36, v1  }
0x1cb: {  	v3 =	vld [tilespmem:s0+$0x68D0]  }
0x1cc: {  	v48 =	vld [tilespmem:s0+$0xD8E0];
	v46 =	vmul.f32 v38, v0;
	[tilespmem:s0+$0x14890] =	vst v2;
	v2 =	vadd.f32 v4, v43;
	v47 =	vmul.f32 v39, v1  }
0x1cd: {  	v49 =	vld [tilespmem:s0+$0x68F0]  }
0x1ce: {  	v51 =	vld [tilespmem:s0+$0xD8F0];
	v50 =	vmul.f32 v40, v0;
	v7 =	vmul.f32 v42, v1;
	[tilespmem:s0+$0x148A0] =	vst v2;
	v2 =	vadd.f32 v47, v46  }
0x1cf: {  	v37 =	vmul.f32 v11, v0;
	v9 =	vmul.f32 v9, v1;
	v52 =	vld [tilespmem:s0+$0x6C80]  }
0x1d0: {  	v53 =	vld [tilespmem:s0+$0xDC80];
	v6 =	vmul.f32 v44, v1;
	v3 =	vmul.f32 v3, v0;
	[tilespmem:s0+$0x148B0] =	vst v2;
	v2 =	vadd.f32 v7, v50  }
0x1d1: {  	v5 =	vadd.f32 v9, v37;
	v55 =	vld [tilespmem:s0+$0xDC90]  }
0x1d2: {  	v56 =	vld [tilespmem:s0+$0x6CA0];
	v4 =	vmul.f32 v45, v0;
	v54 =	vmul.f32 v48, v1;
	[tilespmem:s0+$0x148C0] =	vst v2;
	v2 =	vadd.f32 v6, v3  }
0x1d3: {  	v58 =	vld [tilespmem:s0+$0xDCA0];
	[tilespmem:s0+$0x14CD0] =	vst v5  }
0x1d4: {  	v59 =	vld [tilespmem:s0+$0x6CB0];
	v5 =	vmul.f32 v49, v0;
	v57 =	vmul.f32 v51, v1;
	[tilespmem:s0+$0x148D0] =	vst v2;
	v2 =	vadd.f32 v54, v4  }
0x1d5: {  	v3 =	vld [tilespmem:s0+$0x6C90]  }
0x1d6: {  	v60 =	vld [tilespmem:s0+$0xDCB0];
	[tilespmem:s0+$0x148E0] =	vst v2;
	v2 =	vadd.f32 v57, v5  }
0x1d7: {  	v61 =	vld [tilespmem:s0+$0xDCC0]  }
0x1d8: {  	[tilespmem:s0+$0x148F0] =	vst v2;
	v2 =	vld [tilespmem:s0+$0x6CC0]  }
0x1d9: {  	v8 =	vmul.f32 v53, v1;
	v7 =	vmul.f32 v52, v0  }
0x1da: {  	v9 =	vmul.f32 v55, v1;
	v3 =	vmul.f32 v3, v0  }
0x1db: {  	v62 =	vmul.f32 v58, v1;
	v7 =	vadd.f32 v8, v7;
	v4 =	vmul.f32 v56, v0  }
0x1dc: {  	v6 =	vmul.f32 v60, v1;
	v5 =	vmul.f32 v59, v0;
	v3 =	vadd.f32 v9, v3  }
0x1dd: {  	v63 =	vmul.f32 v61, v1;
	[tilespmem:s0+$0x14C80] =	vst v7;
	v4 =	vadd.f32 v62, v4;
	v2 =	vmul.f32 v2, v0  }
.Ltmp6:
0x1de: {  	s1 =	sadd.s32 s30, s14;
	[tilespmem:s0+$0x14C90] =	vst v3;
	v3 =	vadd.f32 v6, v5;
	(pc) =	sbr.rel @p0 .LBB2_12-.Ltmp6, $4  }
0x1df: {  	s1 =	smul.u32 $0x700, s1;
	[tilespmem:s0+$0x14CA0] =	vst v4;
	v2 =	vadd.f32 v63, v2  }
0x1e0: {  	[tilespmem:s0+$0x14CB0] =	vst v3  }
0x1e1: {  	s31 =	sadd.s32 s5, s1;
	[tilespmem:s0+$0x14CC0] =	vst v2  }
0x1e2: {  	[hbm4b:s31+s3] =	stream.linear.scatter [tilespmem:s25], [sflag:$0x3], $0x3800, $0x38;
	[tilespmem:$0x18080] =	vst v63  }
0x1e3: {  	s0 =	sadd.s32 $0x3, s30  }
0x1e4: {  	s1 =	sadd.s32 s6, s0  }
0x1e5: {  	s1 =	smul.u32 $0x700, s1  }
0x1e6: {  	s0 =	sshll.u32 s0, $0x7  }
0x1e7: {  	s0 =	sand.u32 $0x3FFFFF80, s0;
	s1 =	sadd.s32 s4, s1  }
0x1e8: {  	[tilespmem:s20], [sflag:$0x1] =	stream.linear.gather [hbm4b:s1+s3], $0x3800, $0x38;
	[tilespmem:$0x18080] =	vst v63  }
0x1e9: {  	v2 =	vld [tilespmem:s0+$0x0];
	_ =	sdelay $0x4  }
0x1ea: {  	(v2sf) =	vpush v2, $0x0;
	_ =	sdelay $0xe  }
0x1eb: {  	s31 =	spop (v2sf)  }
0x1ec: {  	s0 =	smul.u32 $0x3800, s31  }
.Ltmp7:
0x1ed: {  	_ = 	snop;
	(pc) =	sbr.rel .LBB2_6-.Ltmp7, $4  }
0x1ee: {  	_ = 	snop  }
0x1ef: {  	s0 =	sshrl.u32 s0, $0x3  }
0x1f0: {  	s29 =	sadd.s32 $0x1, s29;
	s0 =	sadd.s32 s4, s0  }
0x1f1: {  	[tilespmem:s21], [sflag:$0x2] =	stream.linear.gather [hbm4b:s0+s3], $0x3800, $0x38;
	[tilespmem:$0x18080] =	vst v63  }
.LBB2_13:
0x1f2: {  	_ =	sfence.sel $0x180000  }
0x1f3: {  	[bflag:$0x0] =	sbarrier.arrive $0xFFFF  }
0x1f4: {  	_ =	strace $0x90000047  }
0x1f5: {  	s0 =	stileid.u32;
	[bflag:$0x2] =	sbarrier.arrive $0xFFFF  }
0x1f6: {  	p0 =	sne.s32 s0, $0x0;
	s0 =	rddreg [dreg:$0x3]  }
0x1f7: {  	s0 =	sadd.s32 @!p0 $0x100000, s0  }
0x1f8: {  	[sflag:s0] =	ssyncadd.tile.s32 @!p0 $0x1;
	_ =	shalt  }
.Lfunc_end2:
_tile_overlayer_lowered:
.L_overlay_start_2:
0x1f9: {  	(tag) =	ssettag $0x2  }
0x1fa: {  	s0 =	rddreg [dreg:$0x0];
	s2 =	stileid.u32  }
0x1fb: {  	s1 =	rddreg [dreg:$0x1];
	p0 =	sne.s32 s2, $0x0  }
0x1fc: {  	s3 =	rddreg [dreg:$0x2];
	[bflag:$0x3] =	sbarrier.arrive $0xFFFF;
	s2 =	simm.s32 @!p0 $0x1C04  }
0x1fd: {  	[timem:s3], [sflag:s2] =	dma.local @!p0 [hbm:s0], s1  }
0x1fe: {  	s0 =	simm.s32 @!p0 $0x4  }
0x1ff: {  	_ =	swait.ge @!p0 [sflag:s0], s1  }
0x200: {  	s1 =	ssub.s32 @!p0 $0x0, s1;
	[sflag:s0] =	ssyncset.done @!p0 $0x0  }
0x201: {  	[sflag:s0] =	ssyncadd.s32 @!p0 s1  }
0x202: {  	[bflag:$0x3] =	sbarrier.arrive $0xFFFF  }
0x203: {  	_ =	shalt  }

// kernel: sparse-core-data-format-call.cloned.1.call-start
scs
called_computation_lowered:
.L_overlay_start_0:
0x0: {  	s2 =	sld [smem:$0x3FD9]  }
0x1: {  	s3 =	sld [smem:$0x3FFE];
	_ =	sdelay $0x1  }
0x2: {  	s1 =	srdreg.scid  }
0x3: {  	s0 =	sand.u32 $0x1, s1  }
0x4: {  	s15 =	sshll.u32 s0, $0xA;
	s2 =	sadd.s32 s3, s2  }
0x5: {  	s2 =	sadd.s32 s2, s15  }
0x6: {  	[smem:$0x3FC6] =	sst s2  }
0x7: {  	_ = 	snop  }
0x8: {  	s2 =	sld [smem:$0x3FD0];
	_ =	sdelay $0x2  }
0x9: {  	s16 =	simm.s32 $0xA;
	s4 =	simm.s32 $0x10  }
0xa: {  	[smem:s4], [sflag:s16] =	dma.local [hbm:s2], $0x1  }
0xb: {  	_ =	swait.eq [sflag:s16], $0x1  }
0xc: {  	[sflag:s16] =	ssyncset.done $0x0  }
0xd: {  	[sflag:s16] =	ssyncadd.s32 $0xFFFFFFFF  }
0xe: {  	s17 =	sld [smem:$0x10];
	(tm) =	ssettm $0x1  }
0xf: {  	s18 =	sld [smem:$0x3FFB];
	_ =	sdelay $0x3  }
0x10: {  	_ =	strace s18  }
0x11: {  	s3 =	sld [smem:$0x3FFC];
	_ =	sdelay $0x3  }
0x12: {  	_ =	strace s3  }
0x13: {  	s3 =	sld [smem:$0x3FFD];
	_ =	sdelay $0x3  }
0x14: {  	_ =	strace s3  }
0x15: {  	_ =	strace $0x8FFFFFFF  }
0x16: {  	s19 =	sld [smem:$0x3FDB];
	_ =	sdelay $0x1  }
0x17: {  	s20 =	simm.s32 $_scs_section_size  }
0x18: {  	s5 =	simm.s32 $_size__tile_overlayer_lowered;
	s6 =	simm.s32 $_tile_overlayer_lowered  }
0x19: {  	s23 =	simm.s32 $0x1BFF;
	s22 =	sshll.u32 s6, $0x1;
	s3 =	sadd.s32 s20, s19  }
0x1a: {  	s7 =	simm.s32 $0x0;
	s21 =	sshll.u32 s5, $0x1;
	s5 =	sadd.s32 s22, s3  }
0x1b: {  	[timem:s7], [sflag:s23] =	dma.local [hbm:s5], s21  }
0x1c: {  	_ =	swait.ge [sflag:s23], s21  }
0x1d: {  	s4 =	ssub.s32 $0x0, s21;
	[sflag:s23] =	ssyncset.done $0x0  }
0x1e: {  	[sflag:s23] =	ssyncadd.s32 s4;
	_ =	sdelay $0x1  }
0x1f: {  	s24 =	simm.s32 $0x1B8B  }
0x20: {  	_ =	swait.ge [sflag:s24], $0x1  }
0x21: {  	[sflag:s24] =	ssyncset.done $0x0  }
0x22: {  	s26 =	simm.s32 $0x1B8E;
	s25 =	sld [smem:$0x3FFE];
	[sflag:s24] =	ssyncadd.s32 $0xFFFFFFFF  }
0x23: {  	s27 =	simm.s32 $execute0_lowered;
	[smem:$0x3FD2] =	sst s26  }
0x24: {  	s5 =	sshll.u32 s27, $0x1;
	_ =	strace $0x80000049;
	[dreg:$0x1] =	wrdreg $0xFFFFFFFF  }
0x25: {  	s28 =	simm.s32 $_size_execute0_lowered;
	s3 =	sadd.s32 s3, s5;
	[dreg:$0x0] =	wrdreg $0x0  }
0x26: {  	s5 =	sshll.u32 s28, $0x1;
	[dreg:$0x2] =	wrdreg s3  }
0x27: {  	[dreg:$0x3] =	wrdreg s5  }
0x28: {  	[dreg:$0x4] =	wrdreg $0xC0  }
0x29: {  	_ =	task [dreg:s7], $0x5FFFF  }
0x2a: {  	[dreg:$0x1] =	wrdreg $0xFFFFFFFF  }
0x2b: {  	[dreg:$0x0] =	wrdreg $0x60  }
0x2c: {  	[dreg:$0x2] =	wrdreg s25  }
0x2d: {  	[dreg:$0x3] =	wrdreg s17  }
0x2e: {  	[dreg:$0x4] =	wrdreg $0x9  }
0x2f: {  	_ =	task.clear_ibuf [dreg:s7], $0x5FFFF;
	_ =	strace $0x90000049  }
0x30: {  	s29 =	simm.s32 $0x9;
	_ =	strace $0x8000004B  }
0x31: {  	_ =	swait.ge [sflag:s29], $0x1  }
0x32: {  	[sflag:s29] =	ssyncadd.s32 $0xFFFFFFFF  }
0x33: {  	_ =	strace $0x9000004B  }
0x34: {  	_ =	sfence  }
0x35: {  	s30 =	sld [smem:$0x0];
	_ =	sdelay $0x2  }
0x36: {  	s31 =	sshll.u32 s1, $0xD;
	s1 =	sshrl.u32 s1, $0x2  }
0x37: {  	s3 =	sand.u32 $0x4000, s31;
	s1 =	sadd.s32 s1, s30  }
0x38: {  	s0 =	sor.u32 s3, s0;
	s1 =	sshll.u32 s1, $0x11  }
0x39: {  	s0 =	sor.u32 s1, s0  }
0x3a: {  	s0 =	sadd.s32 $0x8F2B, s0  }
0x3b: {  	[sflag:s0] =	ssyncadd.remote.s32 $0x1  }
0x3c: {  	_ =	sfence.sel $0xFFFF  }
0x3d: {  	[dreg:$0x0] =	wrdreg $0xFFFFFFFF;
	(pc) =	sbr.abs _section_cstart, $3  }
0x3e: {  	[dreg:$0x1] =	wrdreg $0xFFFFFFFF  }
0x3f: {  	_ =	task.clear_ibuf [dreg:s7], $0x2FFFF;
	_ =	strace $0x9FFFFFFF  }
0x40: {  	(tm) =	ssettm $0x7FFFFFFF  }
0x41: {  	_ =	shalt  }
tec
execute0_lowered:
.L_overlay_start_1:
0x0: {  	(tag) =	ssettag $0x1  }
0x1: {  	s0 =	stileid.u32;
	s4 =	rddreg [dreg:$0x0]  }
0x2: {  	_ =	strace $0x8000004A;
	s6 =	srdreg.scid;
	s31 =	simm.s32 $0x2  }
0x3: {  	s19 =	simm.s32 $0x0;
	p0 =	por $0x0, $0x0;
	s9 =	simm.s32 $0x800  }
0x4: {  	s21 =	simm.s32 $0x0;
	s22 =	simm.s32 $0x0;
	s20 =	simm.s32 $0x0  }
0x5: {  	s10 =	simm.s32 $0x0;
	s12 =	simm.s32 $0x0;
	s1 =	sshll.u32 s0, $0x7  }
0x6: {  	s13 =	simm.s32 $0x0;
	s14 =	simm.s32 $0x0;
	s3 =	sand.u32 $0x80, s1  }
0x7: {  	s16 =	simm.s32 $0x0;
	s18 =	simm.s32 $0x0;
	s5 =	ssub.s32 $0x100, s3  }
0x8: {  	s6 =	sshll.u32 s6, $0x4;
	s4 =	sadd.s32 $0x544000, s4;
	s7 =	sshrl.u32 s5, $0x7  }
.Ltmp0:
0x9: {  	s5 =	sshrl.u32 s5, $0x8;
	s7 =	sand.u32 $0x1, s7;
	(pc) =	sbr.rel .LBB1_1-.Ltmp0, $4  }
0xa: {  	s6 =	sand.u32 $0x10, s6;
	s1 =	simm.s32 $0x0;
	s7 =	sadd.s32 s5, s7  }
0xb: {  	s8 =	sor.u32 s0, s6;
	s5 =	simm.s32 $0x1;
	s6 =	smul.u32 $0x54, s7  }
0xc: {  	s17 =	smov.u32 s3;
	s7 =	sshrl.u32 s8, $0x1;
	[sflag:s5] =	ssyncpa.u1 $0x0  }
0xd: {  	[sflag:s31] =	ssyncpa.u1 $0x0;
	s15 =	smov.u32 s7;
	s8 =	sor.u32 $0x1, s6  }
.LBB1_4:
0xe: {  	v5 =	vld [tilespmem:s24+$0xFFFFFFD0]  }
0xf: {  	s27 =	sshra.s32 s27, $0x2;
	v58 =	vld [tilespmem:s24+$0xFFFFFFE0]  }
0x10: {  	s31 =	sshll.u32 s10, $0x8;
	p1 =	sgt.s32 s12, $0x2;
	s28 =	smov.u32 s12;
	v59 =	vld [tilespmem:s24+$0xFFFFFFF0]  }
0x11: {  	s29 =	sshra.s32 s12, $0x1F;
	s30 =	sshll.u32 s13, $0x3;
	s2 =	sshra.s32 s13, $0x1F;
	v60 =	vld [tilespmem:s24+$0x0]  }
0x12: {  	s11 =	smov.u32 s1;
	v61 =	vld [tilespmem:s24+$0x10];
	s26 =	sadd.s32 s27, s26;
	s28 =	simm.s32 @!p1 $0x2  }
0x13: {  	v62 =	vld [tilespmem:s24+$0x20];
	s29 =	sand.u32 s29, s12;
	s27 =	sand.u32 $0xFFFFF800, s31;
	s30 =	sand.u32 $0xFFFFFC00, s30  }
0x14: {  	v63 =	vld [tilespmem:s24+$0xFFFFFFC0];
	s24 =	smul.u32 $0x188000, s12;
	s28 =	ssub.s32 s28, s29;
	s27 =	sadd.s32 s30, s27  }
0x15: {  	s29 =	sshll.u32 s10, $0x7;
	s30 =	smov.u32 s13;
	s0 =	sadd.s32 $0xFFFFFFFE, s28  }
0x16: {  	s31 =	sand.u32 $0x300, s29;
	s28 =	ssub.s32 $0x3, s28;
	s29 =	sand.u32 $0x80, s29  }
0x17: {  	p1 =	sgt.s32 s0, $0x0;
	s27 =	sor.u32 s31, s27;
	s0 =	sshra.s32 s1, $0x1F  }
0x18: {  	s31 =	sand.u32 s2, s13;
	s2 =	sshra.s32 s10, $0x1F;
	s28 =	simm.s32 @p1 $0x0  }
0x19: {  	p1 =	sgt.s32 s13, $0x80;
	s27 =	sshrl.u32 s27, $0x8;
	s0 =	sand.u32 s0, s1  }
0x1a: {  	s2 =	sand.u32 s2, s10;
	s30 =	simm.s32 @!p1 $0x80;
	p1 =	sgt.s32 s1, $0xDF  }
0x1b: {  	s11 =	simm.s32 @!p1 $0xDF;
	s30 =	ssub.s32 s30, s31;
	p1 =	sgt.s32 s10, $0x60  }
0x1c: {  	[tilespmem:s25+$0x2040 ss:$0x81] =	vst.msk $0xffff, v4;
	s0 =	ssub.s32 s11, s0;
	s11 =	smov.u32 s10;
	s31 =	sadd.s32 $0xFFFFFF80, s30  }
0x1d: {  	[tilespmem:s25+$0x2850 ss:$0x81] =	vst.msk $0xffff, v3;
	s30 =	ssub.s32 $0x100, s30;
	s11 =	simm.s32 @!p1 $0x60;
	p1 =	sgt.s32 s31, $0x7F  }
0x1e: {  	[tilespmem:s25+$0x3060 ss:$0x81] =	vst.msk $0xffff, v2;
	s31 =	sadd.s32 $0xFFFFFF21, s0;
	s0 =	ssub.s32 $0xE0, s0;
	s30 =	simm.s32 @p1 $0x0  }
0x1f: {  	[tilespmem:s25+$0x0 ss:$0x81] =	vst.msk $0xffff, v1;
	p1 =	sgt.s32 s31, $0x0;
	s31 =	smulhi.u32 $0x124924A, s27;
	s2 =	ssub.s32 s11, s2  }
0x20: {  	[tilespmem:s26+$0x3870 ss:$0x81] =	vst.msk $0xffff, v0;
	s25 =	smul.u32 s30, s28;
	s30 =	sand.u32 $0x78, s13;
	s0 =	simm.s32 @p1 $0x0  }
0x21: {  	[tilespmem:s26+$0x810 ss:$0x81] =	vst.msk $0xffff, v5;
	s28 =	smul.u32 $0xE0, s31;
	s31 =	sadd.s32 $0xFFFFFFA0, s2;
	s2 =	ssub.s32 $0xE0, s2  }
0x22: {  	[tilespmem:s26+$0x1020 ss:$0x81] =	vst.msk $0xffff, v58;
	s29 =	sor.u32 s30, s29;
	s0 =	smul.u32 s0, s25;
	p1 =	sgt.s32 s31, $0x7F  }
0x23: {  	[tilespmem:s26+$0x1830 ss:$0x81] =	vst.msk $0xffff, v59;
	s30 =	smul.u32 $0x1C00, s1;
	s31 =	rddreg [dreg:$0x1];
	s2 =	simm.s32 @p1 $0x0  }
0x24: {  	[tilespmem:s26+$0x2040 ss:$0x81] =	vst.msk $0xffff, v60;
	s27 =	ssub.s32 s27, s28;
	s0 =	smul.u32 s2, s0;
	s2 =	sadd.s32 s31, s24  }
0x25: {  	[tilespmem:s26+$0x2850 ss:$0x81] =	vst.msk $0xffff, v61;
	s28 =	sshrl.u32 s29, $0x3;
	s29 =	sand.u32 $0x7, s13;
	s2 =	sadd.s32 s30, s2  }
0x26: {  	[tilespmem:s26+$0x3060 ss:$0x81] =	vst.msk $0xffff, v62;
	s31 =	sshll.u32 s29, $0x12;
	s30 =	sshll.u32 s27, $0x5;
	s2 =	sadd.s32 s28, s2  }
0x27: {  	[tilespmem:s26+$0x0 ss:$0x81] =	vst.msk $0xffff, v63;
	s11 =	sor.u32 $0x400, s31;
	s0 =	sand.u32 $0x3FFFFFFF, s0;
	s2 =	sadd.s32 s30, s2  }
0x28: {  	[hbm4b:s2+s11] =	stream.strided.scatter [tilespmem:s23], [sflag:$0x2], s0, s9, s11, $0x20;
	[tilespmem:$0x10100] =	vst v63  }
.LBB1_5:
0x29: {  	p1 =	slt.u32 s18, $0x2;
	s0 =	smov.u32 s22  }
0x2a: {  	s11 =	smov.u32 s21;
	s23 =	sadd.s32 $0x80, s14;
	s24 =	smov.u32 s15  }
0x2b: {  	s25 =	smov.u32 s17;
	p0 =	por !p0, !p0;
	p2 =	sgt.s32 @!p1 s22, $0x2  }
0x2c: {  	s2 =	sshra.s32 @!p1 s22, $0x1F;
	p4 =	sgt.s32 @!p1 s19, $0x60;
	p2 =	por !p2, p1  }
0x2d: {  	s2 =	sand.u32 @!p1 s2, s22;
	s0 =	simm.s32 @p2 $0x2;
	p2 =	sgt.s32 @!p1 s21, $0xDF  }
0x2e: {  	s22 =	sshra.s32 @!p1 s21, $0x1F;
	s0 =	ssub.s32 @!p1 s0, s2;
	p2 =	por !p2, p1  }
0x2f: {  	s2 =	sadd.s32 @!p1 $0xFFFFFFFE, s0;
	s11 =	simm.s32 @p2 $0xDF;
	s0 =	ssub.s32 @!p1 $0x3, s0  }
0x30: {  	p3 =	sgt.s32 @!p1 s2, $0x0;
	s2 =	sand.u32 @!p1 s22, s21;
	s21 =	sshra.s32 @!p1 s20, $0x1F  }
0x31: {  	s22 =	smov.u32 s12;
	p2 =	por !p3, p1;
	s2 =	ssub.s32 @!p1 s11, s2  }
0x32: {  	p3 =	sgt.s32 @!p1 s20, $0x80;
	s0 =	simm.s32 @!p2 $0x0;
	s11 =	sadd.s32 @!p1 $0xFFFFFF21, s2  }
0x33: {  	p3 =	por !p3, p1;
	p2 =	sgt.s32 @!p1 s11, $0x0;
	s11 =	smov.u32 s20  }
0x34: {  	s2 =	ssub.s32 @!p1 $0xE0, s2;
	s20 =	sand.u32 @!p1 s21, s20;
	s11 =	simm.s32 @p3 $0x80  }
0x35: {  	s21 =	smov.u32 s19;
	s11 =	ssub.s32 @!p1 s11, s20;
	s20 =	sshra.s32 @!p1 s19, $0x1F  }
0x36: {  	p2 =	por !p2, p1;
	s19 =	sand.u32 @!p1 s20, s19;
	s20 =	sadd.s32 @!p1 $0xFFFFFF80, s11  }
0x37: {  	p3 =	por !p4, p1;
	s2 =	simm.s32 @!p2 $0x0;
	p2 =	sgt.s32 @!p1 s20, $0x7F  }
0x38: {  	s21 =	simm.s32 @p3 $0x60;
	s11 =	ssub.s32 @!p1 $0x100, s11;
	p2 =	por !p2, p1  }
0x39: {  	s12 =	smov.u32 s16;
	s19 =	ssub.s32 @!p1 s21, s19;
	s11 =	simm.s32 @!p2 $0x0  }
0x3a: {  	p2 =	sgt.s32 s23, $0xDF;
	s0 =	smul.u32 @!p1 s11, s0;
	s11 =	sadd.s32 $0x10, s15  }
0x3b: {  	s21 =	smov.u32 s1;
	s1 =	smov.u32 s15;
	s24 =	smov.u32 @p2 s11  }
0x3c: {  	s0 =	smul.u32 @!p1 s2, s0;
	p4 =	sgt.s32 s24, $0xDF;
	s2 =	simm.s32 $0x1  }
0x3d: {  	s20 =	sadd.s32 @!p1 $0xFFFFFFA0, s19;
	s19 =	ssub.s32 @!p1 $0xE0, s19;
	s2 =	simm.s32 @!p4 $0x0  }
0x3e: {  	p3 =	sgt.s32 @!p1 s20, $0x7F;
	s20 =	smov.u32 s13;
	s2 =	sadd.s32 s2, s16  }
0x3f: {  	s23 =	simm.s32 @p2 $0x0;
	s11 =	sadd.s32 $0x100, s17;
	p2 =	sgt.s32 s2, $0x2  }
0x40: {  	s13 =	smov.u32 s17;
	p3 =	por !p3, p1;
	s25 =	smov.u32 @p2 s11  }
0x41: {  	s19 =	simm.s32 @!p3 $0x0;
	s2 =	simm.s32 @p2 $0x0;
	p2 =	sgt.s32 s25, $0xFF  }
0x42: {  	s0 =	smul.u32 @!p1 s19, s0;
	s25 =	smov.u32 @p2 s3;
	p2 =	sne.s32 s18, s8  }
.Ltmp1:
0x43: {  	s24 =	smov.u32 @p4 s7;
	s19 =	smov.u32 s10;
	(pc) =	sbr.rel @!p2 .LBB1_6-.Ltmp1, $4  }
0x44: {  	s10 =	smov.u32 s14;
	s0 =	sand.u32 @!p1 $0x3FFFFFFF, s0;
	s11 =	simm.s32 @!p1 $0x2  }
0x45: {  	s14 =	smov.u32 s23;
	s15 =	smov.u32 s24;
	_ =	swait.ge @!p1 [sflag:s11], s0  }
0x46: {  	s0 =	ssub.s32 @!p1 $0x0, s0;
	s16 =	smov.u32 s2;
	[sflag:s11] =	ssyncset.done @!p1 $0x0  }
0x47: {  	s18 =	sadd.s32 $0x1, s18;
	[sflag:s11] =	ssyncadd.s32 @!p1 s0;
	s17 =	smov.u32 s25  }
.LBB1_1:
0x48: {  	p1 =	sge.u32 s18, s6  }
0x49: {  	s23 =	sshll.u32 @!p1 s15, $0x8;
	s24 =	sshll.u32 @!p1 s14, $0x3  }
0x4a: {  	s25 =	sshll.u32 @!p1 s15, $0x7;
	s23 =	sand.u32 @!p1 $0xFFFFF800, s23;
	s24 =	sand.u32 @!p1 $0xFFFFFC00, s24  }
0x4b: {  	s23 =	sadd.s32 @!p1 s23, s24;
	s24 =	sand.u32 @!p1 $0x300, s25  }
0x4c: {  	s23 =	sor.u32 @!p1 s24, s23  }
0x4d: {  	s23 =	sshrl.u32 @!p1 s23, $0x8  }
0x4e: {  	s24 =	smulhi.u32 @!p1 $0x124924A, s23  }
0x4f: {  	s31 =	sadd.s32 $0xFFFFFFFF, s18;
	s26 =	sxor.u32 @!p1 $0xFFFFFFFF, s18;
	s28 =	smul.u32 @!p1 $0x5400, s17  }
0x50: {  	s27 =	sand.u32 @!p1 $0x78, s14;
	s25 =	sand.u32 @!p1 $0x80, s25;
	s24 =	smul.u32 @!p1 $0xE0, s24  }
0x51: {  	s26 =	sshll.u32 @!p1 s26, $0xE;
	s25 =	sor.u32 @!p1 s27, s25;
	s27 =	smul.u32 @!p1 $0x1C00, s16  }
0x52: {  	s23 =	ssub.s32 @!p1 s23, s24;
	s24 =	sand.u32 @!p1 $0x4000, s26;
	s26 =	sadd.s32 @!p1 s4, s28  }
0x53: {  	s25 =	sshrl.u32 @!p1 s25, $0x3;
	s26 =	sadd.s32 @!p1 s27, s26;
	s27 =	sand.u32 @!p1 $0x7, s14  }
0x54: {  	s23 =	sshll.u32 @!p1 s23, $0x5;
	s25 =	sadd.s32 @!p1 s25, s26;
	s26 =	sshll.u32 @!p1 s27, $0x12  }
0x55: {  	s23 =	sadd.s32 @!p1 s23, s25;
	s25 =	sor.u32 @!p1 $0x80, s26;
	s26 =	simm.s32 @!p1 $0x2A000  }
0x56: {  	[tilespmem:s24], [sflag:$0x1] =	stream.strided.gather @!p1 [hbm4b:s23+s25], $0x4000, s26, s25, $0x38;
	[tilespmem:$0x10100] =	vst v63  }
0x57: {  	p1 =	sge.u32 s31, s6  }
.Ltmp2:
0x58: {  	_ = 	snop;
	(pc) =	sbr.rel @p1 .LBB1_5-.Ltmp2, $1  }
0x59: {  	_ =	sdelay $0x3  }
0x5a: {  	s23 =	simm.s32 $0x1  }
0x5b: {  	_ =	swait.ge [sflag:s5], $0x4000;
	s23 =	simm.s32 @!p0 $0x0  }
0x5c: {  	[sflag:s5] =	ssyncset.done $0x0;
	s24 =	sshll.u32 s23, $0xE  }
0x5d: {  	[sflag:s5] =	ssyncadd.s32 $0xFFFFC000;
	s24 =	sor.u32 $0x40, s24  }
0x5e: {  	s23 =	smul.u32 $0x10200, s23;
	v0 =	vld [tilespmem:s24+$0x30]  }
0x5f: {  	v1 =	vld [tilespmem:s24+$0xFFFFFFD0]  }
0x60: {  	s23 =	sshrl.u32 s23, $0x2;
	v5 =	vld [tilespmem:s24+$0xFFFFFFE0]  }
0x61: {  	v6 =	vld [tilespmem:s24+$0xFFFFFFF0];
	s26 =	sor.u32 $0x8000, s23  }
0x62: {  	s31 =	sand.u32 $0x1, s18;
	v4 =	vld [tilespmem:s24+$0x0];
	s25 =	sadd.s32 $0x0, s26  }
0x63: {  	v3 =	vld [tilespmem:s24+$0x10];
	s23 =	smul.u32 $0x10200, s31;
	[tilespmem:s25+$0x3870 ss:$0x81] =	vst.msk $0xffff, v0  }
0x64: {  	v2 =	vld [tilespmem:s24+$0x20];
	[tilespmem:s25+$0x810 ss:$0x81] =	vst.msk $0xffff, v1  }
0x65: {  	s23 =	sshrl.u32 s23, $0x2;
	v1 =	vld [tilespmem:s24+$0xFFFFFFC0];
	[tilespmem:s25+$0x1020 ss:$0x81] =	vst.msk $0xffff, v5;
	s24 =	sadd.s32 $0x80, s24  }
0x66: {  	s27 =	simm.s32 $0x4;
	s28 =	simm.s32 $0x8;
	s23 =	sor.u32 $0x8000, s23;
	[tilespmem:s25+$0x1830 ss:$0x81] =	vst.msk $0xffff, v6;
	v0 =	vld [tilespmem:s24+$0x30]  }
.LBB1_3:
0x67: {  	p1 =	sne.s32 s28, $0x1FC;
	v5 =	vld [tilespmem:s24+$0xFFFFFFD0];
	[tilespmem:s25+$0x2040 ss:$0x81] =	vst.msk $0xffff, v4  }
0x68: {  	v6 =	vld [tilespmem:s24+$0xFFFFFFE0];
	[tilespmem:s25+$0x2850 ss:$0x81] =	vst.msk $0xffff, v3  }
0x69: {  	s29 =	sshra.s32 s27, $0x2;
	s27 =	smov.u32 s28;
	v7 =	vld [tilespmem:s24+$0xFFFFFFF0];
	[tilespmem:s25+$0x3060 ss:$0x81] =	vst.msk $0xffff, v2  }
.Ltmp3:
0x6a: {  	v4 =	vld [tilespmem:s24+$0x0];
	[tilespmem:s25+$0x0 ss:$0x81] =	vst.msk $0xffff, v1;
	s25 =	sadd.s32 s29, s26;
	(pc) =	sbr.rel @p1 .LBB1_3-.Ltmp3, $4  }
0x6b: {  	v3 =	vld [tilespmem:s24+$0x10];
	[tilespmem:s25+$0x3870 ss:$0x81] =	vst.msk $0xffff, v0  }
0x6c: {  	[tilespmem:s25+$0x810 ss:$0x81] =	vst.msk $0xffff, v5;
	v2 =	vld [tilespmem:s24+$0x20]  }
0x6d: {  	v1 =	vld [tilespmem:s24+$0xFFFFFFC0];
	[tilespmem:s25+$0x1020 ss:$0x81] =	vst.msk $0xffff, v6;
	s24 =	sadd.s32 $0x80, s24  }
0x6e: {  	s28 =	sadd.s32 $0x4, s28;
	v0 =	vld [tilespmem:s24+$0x30];
	[tilespmem:s25+$0x1830 ss:$0x81] =	vst.msk $0xffff, v7  }
.Ltmp4:
0x6f: {  	_ = 	snop;
	(pc) =	sbr.rel .LBB1_4-.Ltmp4, $1  }
0x70: {  	_ =	sdelay $0x3  }
.LBB1_6:
0x71: {  	_ =	sfence.sel $0x180000  }
0x72: {  	s0 =	simm.s32 $0x1;
	[bflag:$0x0] =	sbarrier.arrive $0xFFFF  }
0x73: {  	s30 =	simm.s32 $0x2;
	[sflag:s0] =	ssyncpa.u1 $0x1  }
0x74: {  	[sflag:s30] =	ssyncpa.u1 $0x1  }
0x75: {  	_ =	strace $0x9000004A  }
0x76: {  	s31 =	stileid.u32;
	[bflag:$0x2] =	sbarrier.arrive $0xFFFF  }
0x77: {  	p0 =	sne.s32 s31, $0x0;
	s0 =	rddreg [dreg:$0x2]  }
0x78: {  	s0 =	sadd.s32 @!p0 $0x100000, s0  }
0x79: {  	[sflag:s0] =	ssyncadd.tile.s32 @!p0 $0x1;
	_ =	shalt  }
.Lfunc_end1:
_tile_overlayer_lowered:
.L_overlay_start_2:
0x7a: {  	(tag) =	ssettag $0x2  }
0x7b: {  	s0 =	rddreg [dreg:$0x0];
	s2 =	stileid.u32  }
0x7c: {  	s1 =	rddreg [dreg:$0x1];
	p0 =	sne.s32 s2, $0x0  }
0x7d: {  	s3 =	rddreg [dreg:$0x2];
	[bflag:$0x3] =	sbarrier.arrive $0xFFFF;
	s2 =	simm.s32 @!p0 $0x1C01  }
0x7e: {  	[timem:s3], [sflag:s2] =	dma.local @!p0 [hbm:s0], s1  }
0x7f: {  	s0 =	simm.s32 @!p0 $0x1  }
0x80: {  	_ =	swait.ge @!p0 [sflag:s0], s1  }
0x81: {  	s1 =	ssub.s32 @!p0 $0x0, s1;
	[sflag:s0] =	ssyncset.done @!p0 $0x0  }
0x82: {  	[sflag:s0] =	ssyncadd.s32 @!p0 s1  }
0x83: {  	[bflag:$0x3] =	sbarrier.arrive $0xFFFF  }
0x84: {  	_ =	shalt  }

</sc_bundles>
